<compile_context>
chip_gen: v7x
topology: tpu7x:2x2x1
jax: 0.10.2.dev20260603
libtpu: 0.0.44.dev20260713+nightly
codegen_flags: <defaults>
</compile_context>

<pallas_src>
import functools

import jax
import jax.numpy as jnp
from jax import lax
from jax.experimental import pallas as pl
from jax.experimental.pallas import tpu as pltpu
from jax.experimental.pallas import tpu_sc as plsc

_N = 10000
_E = 320000
_DE = 16
_DH = 128
_MSG = 64

_NC = 2
_NS = 16
_NW = _NC * _NS
_EPW = _E // _NW
_C = 80
_NCH = _EPW // _C
_NPS = _N // _NS

_mesh = plsc.VectorSubcoreMesh(core_axis_name="c", subcore_axis_name="s")


def _proj_body(h_ref, wr_ref, wc_ref, pr_ref, pc_ref):
    h = h_ref[...]
    pr_ref[...] = jnp.dot(h, wr_ref[...], preferred_element_type=jnp.float32)
    pc_ref[...] = jnp.dot(h, wc_ref[...], preferred_element_type=jnp.float32)


_proj_call = pl.pallas_call(
    _proj_body,
    out_shape=[
        jax.ShapeDtypeStruct((_N, _MSG), jnp.float32),
        jax.ShapeDtypeStruct((_N, _MSG), jnp.float32),
    ],
)


_K = 5
_PHE = _K * _C
_PH = _EPW // _PHE


@functools.partial(
    pl.kernel,
    mesh=_mesh,
    compiler_params=pltpu.CompilerParams(use_tc_tiling_on_sc=False),
    out_type=jax.ShapeDtypeStruct((_E, 2 * _MSG), jnp.float32),
    scratch_types=[
        pltpu.VMEM((_EPW,), jnp.int32),
        pltpu.VMEM((_EPW,), jnp.int32),
        pltpu.VMEM((_PHE, _MSG), jnp.float32),
        pltpu.VMEM((_PHE, _MSG), jnp.float32),
        pltpu.VMEM((_PHE, _MSG), jnp.float32),
        pltpu.VMEM((_PHE, _MSG), jnp.float32),
        pltpu.SemaphoreType.DMA,
        pltpu.SemaphoreType.DMA,
        pltpu.SemaphoreType.DMA,
        pltpu.SemaphoreType.DMA,
    ],
)
def _sc_gather(row_hbm, col_hbm, pr_hbm, pc_hbm, g_hbm,
               idxr_v, idxc_v, bufr0, bufc0, bufr1, bufc1,
               gsem0, gsem1, wsem0, wsem1):
    wid = lax.axis_index("s") * _NC + lax.axis_index("c")
    base = wid * _EPW
    pltpu.sync_copy(row_hbm.at[pl.ds(base, _EPW)], idxr_v)
    pltpu.sync_copy(col_hbm.at[pl.ds(base, _EPW)], idxc_v)

    def fire_gathers(p, br, bc, gsem):
        for k in range(_K):
            off = p * _PHE + k * _C
            pltpu.async_copy(pr_hbm.at[idxr_v.at[pl.ds(off, _C)]],
                             br.at[pl.ds(k * _C, _C)], gsem)
            pltpu.async_copy(pc_hbm.at[idxc_v.at[pl.ds(off, _C)]],
                             bc.at[pl.ds(k * _C, _C)], gsem)

    def drain_gathers(p, br, bc, gsem):
        for k in range(_K):
            off = p * _PHE + k * _C
            pltpu.make_async_copy(pr_hbm.at[idxr_v.at[pl.ds(off, _C)]],
                                  br.at[pl.ds(k * _C, _C)], gsem).wait()
            pltpu.make_async_copy(pc_hbm.at[idxc_v.at[pl.ds(off, _C)]],
                                  bc.at[pl.ds(k * _C, _C)], gsem).wait()

    def fire_writes(p, br, bc, wsem):
        off = base + p * _PHE
        pltpu.async_copy(
            br, g_hbm.at[pl.ds(off, _PHE), pl.ds(0, _MSG)], wsem)
        pltpu.async_copy(
            bc, g_hbm.at[pl.ds(off, _PHE), pl.ds(_MSG, _MSG)], wsem)

    def drain_writes(p, br, bc, wsem):
        off = base + p * _PHE
        pltpu.make_async_copy(
            br, g_hbm.at[pl.ds(off, _PHE), pl.ds(0, _MSG)], wsem).wait()
        pltpu.make_async_copy(
            bc, g_hbm.at[pl.ds(off, _PHE), pl.ds(_MSG, _MSG)], wsem).wait()

    fire_gathers(0, bufr0, bufc0, gsem0)

    def phase(p, carry):
        def step(br, bc, gsem, wsem, obr, obc, ogsem, owsem):
            drain_gathers(p, br, bc, gsem)
            fire_writes(p, br, bc, wsem)

            @pl.when(p >= 1)
            def _():
                drain_writes(p - 1, obr, obc, owsem)

            @pl.when(p + 1 < _PH)
            def _():
                fire_gathers(p + 1, obr, obc, ogsem)

        parity = lax.rem(p, 2)

        @pl.when(parity == 0)
        def _():
            step(bufr0, bufc0, gsem0, wsem0, bufr1, bufc1, gsem1, wsem1)

        @pl.when(parity == 1)
        def _():
            step(bufr1, bufc1, gsem1, wsem1, bufr0, bufc0, gsem0, wsem0)

        return carry

    lax.fori_loop(0, _PH, phase, 0)
    drain_writes(_PH - 1, bufr0, bufc0, wsem0)


_BE = 4000


def _edge_body(g_ref, ea_ref, we_ref, be1_ref, we2_ref, be2_ref,
               m_ref):
    pre = (g_ref[:, :_MSG] + g_ref[:, _MSG:]
           + jnp.dot(ea_ref[...], we_ref[...],
                     preferred_element_type=jnp.float32)
           + be1_ref[...])
    t = pre * jax.nn.sigmoid(pre)
    u = jnp.dot(t, we2_ref[...], preferred_element_type=jnp.float32) \
        + be2_ref[...]
    m_ref[...] = u * jax.nn.sigmoid(u)


_edge_call = pl.pallas_call(
    _edge_body,
    grid=(_E // _BE,),
    in_specs=[
        pl.BlockSpec((_BE, 2 * _MSG), lambda i: (i, 0)),
        pl.BlockSpec((_BE, _DE), lambda i: (i, 0)),
        pl.BlockSpec((_DE, _MSG), lambda i: (0, 0)),
        pl.BlockSpec((1, _MSG), lambda i: (0, 0)),
        pl.BlockSpec((_MSG, _MSG), lambda i: (0, 0)),
        pl.BlockSpec((1, _MSG), lambda i: (0, 0)),
    ],
    out_specs=pl.BlockSpec((_BE, _MSG), lambda i: (i, 0)),
    out_shape=jax.ShapeDtypeStruct((_E, _MSG), jnp.float32),
)


@functools.partial(
    pl.kernel,
    mesh=_mesh,
    compiler_params=pltpu.CompilerParams(use_tc_tiling_on_sc=False),
    out_type=jax.ShapeDtypeStruct((_NC * _N, _MSG), jnp.float32),
    scratch_types=[
        pltpu.VMEM((_K, _C), jnp.int32),
        pltpu.VMEM((_K, _C), jnp.int32),
        pltpu.VMEM((_PHE, _MSG), jnp.float32),
        pltpu.VMEM((_PHE, _MSG), jnp.float32),
        pltpu.VMEM_SHARED((_N, _MSG), jnp.float32),
        pltpu.SemaphoreType.DMA,
        pltpu.SemaphoreType.DMA,
    ],
)
def _sc_scatter(row_hbm, m_hbm, out_hbm, idx0, idx1, mb0, mb1,
                acc_sh, lsem0, lsem1):
    c = lax.axis_index("c")
    s = lax.axis_index("s")

    zeros = jnp.zeros((16,), jnp.float32)

    def zbody(i, carry):
        for k in range(_MSG // 16):
            mb0[i, pl.ds(k * 16, 16)] = zeros
        return carry

    lax.fori_loop(0, _PHE, zbody, 0)
    pltpu.sync_copy(mb0, acc_sh.at[pl.ds(s * _NPS, _PHE)])
    pltpu.sync_copy(mb0.at[pl.ds(0, _NPS - _PHE)],
                    acc_sh.at[pl.ds(s * _NPS + _PHE, _NPS - _PHE)])
    plsc.subcore_barrier()

    base = c * (_E // _NC) + s * _EPW

    def fire_loads(p, idxb, mb, lsem):
        off = base + p * _PHE
        pltpu.async_copy(m_hbm.at[pl.ds(off, _PHE)], mb, lsem)
        for k in range(_K):
            pltpu.async_copy(row_hbm.at[pl.ds(off + k * _C, _C)],
                             idxb.at[k], lsem)

    def drain_loads(p, idxb, mb, lsem):
        off = base + p * _PHE
        pltpu.make_async_copy(m_hbm.at[pl.ds(off, _PHE)], mb, lsem).wait()
        for k in range(_K):
            pltpu.make_async_copy(row_hbm.at[pl.ds(off + k * _C, _C)],
                                  idxb.at[k], lsem).wait()

    def scatter_adds(idxb, mb):
        for k in range(_K):
            pltpu.sync_copy(mb.at[pl.ds(k * _C, _C)], acc_sh.at[idxb.at[k]],
                            add=True)

    fire_loads(0, idx0, mb0, lsem0)

    def phase(p, carry):
        def step(idxb, mb, lsem, oidxb, omb, olsem):
            drain_loads(p, idxb, mb, lsem)

            @pl.when(p + 1 < _PH)
            def _():
                fire_loads(p + 1, oidxb, omb, olsem)

            scatter_adds(idxb, mb)

        parity = lax.rem(p, 2)

        @pl.when(parity == 0)
        def _():
            step(idx0, mb0, lsem0, idx1, mb1, lsem1)

        @pl.when(parity == 1)
        def _():
            step(idx1, mb1, lsem1, idx0, mb0, lsem0)

        return carry

    lax.fori_loop(0, _PH, phase, 0)
    plsc.subcore_barrier()
    pltpu.sync_copy(acc_sh.at[pl.ds(s * _NPS, _NPS)],
                    out_hbm.at[pl.ds(c * _N + s * _NPS, _NPS)])


def _node_body(p_ref, h_ref, g_ref, b_ref, w1_ref, b1_ref, w2_ref, b2_ref,
               w3_ref, b3_ref, o_ref):
    summed = p_ref[0:_N, :] + p_ref[_N:2 * _N, :]
    h = h_ref[...]
    x = jnp.concatenate([summed, h], axis=1)
    mean = jnp.mean(x, axis=0, keepdims=True)
    xc = x - mean
    var = jnp.mean(xc * xc, axis=0, keepdims=True)
    xn = xc * (g_ref[...] * jax.lax.rsqrt(var + 1e-5)) + b_ref[...]
    t = jnp.dot(xn, w1_ref[...], preferred_element_type=jnp.float32) \
        + b1_ref[...]
    t = t * jax.nn.sigmoid(t)
    t = jnp.dot(t, w2_ref[...], preferred_element_type=jnp.float32) \
        + b2_ref[...]
    t = t * jax.nn.sigmoid(t)
    y = jnp.dot(t, w3_ref[...], preferred_element_type=jnp.float32) \
        + b3_ref[...]
    o_ref[...] = h + y


_node_call = pl.pallas_call(
    _node_body,
    out_shape=jax.ShapeDtypeStruct((_N, _DH), jnp.float32),
)


def kernel(edges, edge_attr, hidden_features, We1, be1, We2, be2,
           bn_gamma, bn_beta, Wn1, bn1, Wn2, bn2, Wn3, bn3):
    row = edges[0].astype(jnp.int32)
    col = edges[1].astype(jnp.int32)
    wr = We1[_DE:_DE + _DH]
    wc = We1[_DE + _DH:]
    we = We1[:_DE]

    pr, pc = _proj_call(hidden_features, wr, wc)
    g = _sc_gather(row, col, pr, pc)
    m = _edge_call(g, edge_attr,
                   we, be1.reshape(1, _MSG), We2, be2.reshape(1, _MSG))
    partials = _sc_scatter(row, m)
    out = _node_call(partials, hidden_features,
                     bn_gamma.reshape(1, _MSG + _DH),
                     bn_beta.reshape(1, _MSG + _DH),
                     Wn1, bn1.reshape(1, -1), Wn2, bn2.reshape(1, -1),
                     Wn3, bn3.reshape(1, -1))
    return out

# --- scband reference (transcript-rebuilt; emitter-appended) ---
"""Pipeline reference for scband-gnn-layer-44384192037414 (READ-ONLY COPY).

The authoritative reference and input builder live on the scoring server;
editing this copy changes nothing except your own understanding.
"""

import jax, jax.numpy as jnp
import numpy as np

N = 10000
E = 320000
DE = 16
DH = 128
MSG = 64
MLP = 64


def setup_inputs(seed: int = 0) -> dict:
    key = jax.random.key(seed)
    ks = jax.random.split(key, 12)

    def lin(k, i, o):
        return jax.random.normal(k, (i, o), jnp.float32) / np.sqrt(i)

    inp = {}
    inp["edges"] = jax.random.randint(ks[0], (2, E), 0, N)
    inp["edge_attr"] = jax.random.normal(ks[1], (E, DE), jnp.float32)
    inp["hidden_features"] = jax.random.normal(ks[2], (N, DH), jnp.float32)
    # edge_mlp: Linear(DE+2*DH -> MSG), SiLU, Linear(MSG -> MSG), SiLU
    inp["We1"] = lin(ks[3], DE + 2 * DH, MSG)
    inp["be1"] = jnp.zeros((MSG,), jnp.float32)
    inp["We2"] = lin(ks[4], MSG, MSG)
    inp["be2"] = jnp.zeros((MSG,), jnp.float32)
    # node_mlp: BatchNorm1d(MSG+DH), Linear(MSG+DH -> MLP), SiLU, Linear(MLP -> MLP), SiLU, Linear(MLP -> DH)
    inp["bn_gamma"] = jnp.ones((MSG + DH,), jnp.float32)
    inp["bn_beta"] = jnp.zeros((MSG + DH,), jnp.float32)
    inp["Wn1"] = lin(ks[5], MSG + DH, MLP)
    inp["bn1"] = jnp.zeros((MLP,), jnp.float32)
    inp["Wn2"] = lin(ks[6], MLP, MLP)
    inp["bn2"] = jnp.zeros((MLP,), jnp.float32)
    inp["Wn3"] = lin(ks[7], MLP, DH)
    inp["bn3"] = jnp.zeros((DH,), jnp.float32)
    return inp


def reference(edges, edge_attr, hidden_features, We1, be1, We2, be2,
              bn_gamma, bn_beta, Wn1, bn1, Wn2, bn2, Wn3, bn3):
    silu = jax.nn.silu
    row = edges[0]
    col = edges[1]
    h = hidden_features
    # edge_model: cat([edge_attr, h[row], h[col]]) -> MLP
    cat = jnp.concatenate([edge_attr, h[row], h[col]], axis=1)
    m = silu(cat @ We1 + be1)
    m = silu(m @ We2 + be2)
    # sum_messages: scatter_add over source index (row)
    summed = jax.ops.segment_sum(m, row, num_segments=h.shape[0])
    # node_model: BatchNorm1d (training mode: batch stats, biased var) + MLP, residual
    x = jnp.concatenate([summed, h], axis=1)
    mean = jnp.mean(x, axis=0)
    var = jnp.var(x, axis=0)
    x = (x - mean) / jnp.sqrt(var + 1e-5) * bn_gamma + bn_beta
    x = silu(x @ Wn1 + bn1)
    x = silu(x @ Wn2 + bn2)
    x = x @ Wn3 + bn3
    return h + x

if __name__ == "__main__":
    import jax
    _d = setup_inputs()
    print(jax.jit(kernel)(*tuple(_d.values())))

</pallas_src>

<mosaic_0001>
#map = affine_map<(d0, d1) -> (0)>
#map1 = affine_map<(d0, d1) -> (0, 0)>
module attributes {stable_mosaic.version = 14 : i64} {
  func.func @_sc_scatter(%arg0: i32, %arg1: i32, %arg2: memref<320000xi32, #tpu.memory_space<hbm>>, %arg3: memref<320000x64xf32, #tpu.memory_space<hbm>>, %arg4: memref<20000x64xf32, #tpu.memory_space<hbm>>, %arg5: memref<5x80xi32, #tpu.memory_space<vmem>>, %arg6: memref<5x80xi32, #tpu.memory_space<vmem>>, %arg7: memref<400x64xf32, #tpu.memory_space<vmem>>, %arg8: memref<400x64xf32, #tpu.memory_space<vmem>>, %arg9: memref<10000x64xf32, #tpu.memory_space<vmem_shared>>, %arg10: memref<!tpu.dma_semaphore, #tpu.memory_space<semaphore_mem>>, %arg11: memref<!tpu.dma_semaphore, #tpu.memory_space<semaphore_mem>>) attributes {dimension_semantics = [#tpu.dimension_semantics<core_parallel>, #tpu.dimension_semantics<subcore_parallel>], iteration_bounds = array<i64: 2, 16>, scalar_prefetch = 0 : i64, scratch_operands = 7 : i64, tpu.core_type = #tpu.core_type<sc_vector_subcore>, window_params = [{transform_indices = #map}, {transform_indices = #map1}, {transform_indices = #map1}]} {
    %broadcast_in_dim3A = arith.constant 0.000000e+00 : f32
    %broadcast_in_dim3A_0 = vector.broadcast %broadcast_in_dim3A : f32 to vector<16xf32>
    %scan3A = arith.constant 0 : i32
    %scan3A_1 = arith.constant 0 : i32
    %scan3A_2 = arith.constant 400 : i32
    %scan3A_3 = arith.addi %scan3A_1, %scan3A_2 : i32
    %scan3A_4 = arith.constant 1 : i32
    scf.for %scan3A_89 = %scan3A_1 to %scan3A_3 step %scan3A_4  : i32 {
      %swap3A = arith.index_cast %scan3A_89 : i32 to index
      %swap3A_90 = arith.constant 0 : index
      %swap3A_91 = tpu.vector_load %arg7[%swap3A, %swap3A_90] {strides = array<i32>} : memref<400x64xf32, #tpu.memory_space<vmem>>, vector<1x16xf32>,
      %swap3A_92 = vector.shape_cast %swap3A_91 : vector<1x16xf32> to vector<16xf32>
      %swap3A_93 = vector.shape_cast %broadcast_in_dim3A_0 : vector<16xf32> to vector<1x16xf32>
      tpu.vector_store %arg7[%swap3A, %swap3A_90], %swap3A_93 {strides = array<i32>} : memref<400x64xf32, #tpu.memory_space<vmem>>, vector<1x16xf32>,
      %swap3A_94 = arith.index_cast %scan3A_89 : i32 to index
      %swap3A_95 = arith.constant 16 : index
      %swap3A_96 = tpu.vector_load %arg7[%swap3A_94, %swap3A_95] {strides = array<i32>} : memref<400x64xf32, #tpu.memory_space<vmem>>, vector<1x16xf32>,
      %swap3A_97 = vector.shape_cast %swap3A_96 : vector<1x16xf32> to vector<16xf32>
      %swap3A_98 = vector.shape_cast %broadcast_in_dim3A_0 : vector<16xf32> to vector<1x16xf32>
      tpu.vector_store %arg7[%swap3A_94, %swap3A_95], %swap3A_98 {strides = array<i32>} : memref<400x64xf32, #tpu.memory_space<vmem>>, vector<1x16xf32>,
      %swap3A_99 = arith.index_cast %scan3A_89 : i32 to index
      %swap3A_100 = arith.constant 32 : index
      %swap3A_101 = tpu.vector_load %arg7[%swap3A_99, %swap3A_100] {strides = array<i32>} : memref<400x64xf32, #tpu.memory_space<vmem>>, vector<1x16xf32>,
      %swap3A_102 = vector.shape_cast %swap3A_101 : vector<1x16xf32> to vector<16xf32>
      %swap3A_103 = vector.shape_cast %broadcast_in_dim3A_0 : vector<16xf32> to vector<1x16xf32>
      tpu.vector_store %arg7[%swap3A_99, %swap3A_100], %swap3A_103 {strides = array<i32>} : memref<400x64xf32, #tpu.memory_space<vmem>>, vector<1x16xf32>,
      %swap3A_104 = arith.index_cast %scan3A_89 : i32 to index
      %swap3A_105 = arith.constant 48 : index
      %swap3A_106 = tpu.vector_load %arg7[%swap3A_104, %swap3A_105] {strides = array<i32>} : memref<400x64xf32, #tpu.memory_space<vmem>>, vector<1x16xf32>,
      %swap3A_107 = vector.shape_cast %swap3A_106 : vector<1x16xf32> to vector<16xf32>
      %swap3A_108 = vector.shape_cast %broadcast_in_dim3A_0 : vector<16xf32> to vector<1x16xf32>
      tpu.vector_store %arg7[%swap3A_104, %swap3A_105], %swap3A_108 {strides = array<i32>} : memref<400x64xf32, #tpu.memory_space<vmem>>, vector<1x16xf32>,
    }
    %scan3A_5 = arith.constant 400 : i32
    %mul3A = arith.constant 625 : i32
    %mul3A_6 = arith.muli %arg1, %mul3A : i32
    "tpu.region"() ({
      %run_scoped3A = tpu.sem_alloc : memref<!tpu.dma_semaphore, #tpu.memory_space<semaphore_mem>>
      %dma_start3A_89 = arith.constant 0 : i32
      %dma_start3A_90 = tpu.memref_slice %arg9[%mul3A_6, %dma_start3A_89] : memref<10000x64xf32, #tpu.memory_space<vmem_shared>> -> memref<400x64xf32, #tpu.memory_space<vmem_shared>>
      %dma_start3A_91 = arith.constant 0 : i32
      %dma_start3A_92 = tpu.memref_slice %arg9[%mul3A_6, %dma_start3A_91] : memref<10000x64xf32, #tpu.memory_space<vmem_shared>> -> memref<400x64xf32, #tpu.memory_space<vmem_shared>>
      tpu.enqueue_dma source(%arg7 : memref<400x64xf32, #tpu.memory_space<vmem>>) target(%dma_start3A_92 : memref<400x64xf32, #tpu.memory_space<vmem_shared>>) target_semaphore(%run_scoped3A : memref<!tpu.dma_semaphore, #tpu.memory_space<semaphore_mem>>)
      %dma_wait3A = arith.constant 0 : i32
      %dma_wait3A_93 = tpu.memref_slice %arg9[%mul3A_6, %dma_wait3A] : memref<10000x64xf32, #tpu.memory_space<vmem_shared>> -> memref<400x64xf32, #tpu.memory_space<vmem_shared>>
      %dma_wait3A_94 = arith.constant 0 : i32
      %dma_wait3A_95 = tpu.memref_slice %arg9[%mul3A_6, %dma_wait3A_94] : memref<10000x64xf32, #tpu.memory_space<vmem_shared>> -> memref<400x64xf32, #tpu.memory_space<vmem_shared>>
      tpu.wait_dma2 semaphore(%run_scoped3A : memref<!tpu.dma_semaphore, #tpu.memory_space<semaphore_mem>>) src(%arg7 : memref<400x64xf32, #tpu.memory_space<vmem>>) dst(%dma_wait3A_95 : memref<400x64xf32, #tpu.memory_space<vmem_shared>>)
      tpu.yield
    }) : () -> ()
    %mul3A_7 = arith.constant 625 : i32
    %mul3A_8 = arith.muli %arg1, %mul3A_7 : i32
    %add3A = arith.constant 400 : i32
    %add3A_9 = arith.addi %mul3A_8, %add3A : i32
    "tpu.region"() ({
      %run_scoped3A = tpu.sem_alloc : memref<!tpu.dma_semaphore, #tpu.memory_space<semaphore_mem>>
      %dma_start3A_89 = arith.constant 0 : i32
      %dma_start3A_90 = arith.constant 0 : i32
      %dma_start3A_91 = tpu.memref_slice %arg7[%dma_start3A_89, %dma_start3A_90] : memref<400x64xf32, #tpu.memory_space<vmem>> -> memref<225x64xf32, #tpu.memory_space<vmem>>
      %dma_start3A_92 = arith.constant 0 : i32
      %dma_start3A_93 = tpu.memref_slice %arg9[%add3A_9, %dma_start3A_92] : memref<10000x64xf32, #tpu.memory_space<vmem_shared>> -> memref<225x64xf32, #tpu.memory_space<vmem_shared>>
      %dma_start3A_94 = arith.constant 0 : i32
      %dma_start3A_95 = tpu.memref_slice %arg9[%add3A_9, %dma_start3A_94] : memref<10000x64xf32, #tpu.memory_space<vmem_shared>> -> memref<225x64xf32, #tpu.memory_space<vmem_shared>>
      %dma_start3A_96 = arith.constant 0 : i32
      %dma_start3A_97 = arith.constant 0 : i32
      %dma_start3A_98 = tpu.memref_slice %arg7[%dma_start3A_96, %dma_start3A_97] : memref<400x64xf32, #tpu.memory_space<vmem>> -> memref<225x64xf32, #tpu.memory_space<vmem>>
      tpu.enqueue_dma source(%dma_start3A_98 : memref<225x64xf32, #tpu.memory_space<vmem>>) target(%dma_start3A_95 : memref<225x64xf32, #tpu.memory_space<vmem_shared>>) target_semaphore(%run_scoped3A : memref<!tpu.dma_semaphore, #tpu.memory_space<semaphore_mem>>)
      %dma_wait3A = arith.constant 0 : i32
      %dma_wait3A_99 = arith.constant 0 : i32
      %dma_wait3A_100 = tpu.memref_slice %arg7[%dma_wait3A, %dma_wait3A_99] : memref<400x64xf32, #tpu.memory_space<vmem>> -> memref<225x64xf32, #tpu.memory_space<vmem>>
      %dma_wait3A_101 = arith.constant 0 : i32
      %dma_wait3A_102 = tpu.memref_slice %arg9[%add3A_9, %dma_wait3A_101] : memref<10000x64xf32, #tpu.memory_space<vmem_shared>> -> memref<225x64xf32, #tpu.memory_space<vmem_shared>>
      %dma_wait3A_103 = arith.constant 0 : i32
      %dma_wait3A_104 = tpu.memref_slice %arg9[%add3A_9, %dma_wait3A_103] : memref<10000x64xf32, #tpu.memory_space<vmem_shared>> -> memref<225x64xf32, #tpu.memory_space<vmem_shared>>
      %dma_wait3A_105 = arith.constant 0 : i32
      %dma_wait3A_106 = arith.constant 0 : i32
      %dma_wait3A_107 = tpu.memref_slice %arg7[%dma_wait3A_105, %dma_wait3A_106] : memref<400x64xf32, #tpu.memory_space<vmem>> -> memref<225x64xf32, #tpu.memory_space<vmem>>
      tpu.wait_dma2 semaphore(%run_scoped3A : memref<!tpu.dma_semaphore, #tpu.memory_space<semaphore_mem>>) src(%dma_wait3A_107 : memref<225x64xf32, #tpu.memory_space<vmem>>) dst(%dma_wait3A_104 : memref<225x64xf32, #tpu.memory_space<vmem_shared>>)
      tpu.yield
    }) : () -> ()
    %barrier3A = arith.constant 0 : index
    tpu.barrier barrier_id(%barrier3A)
    %mul3A_10 = arith.constant 160000 : i32
    %mul3A_11 = arith.muli %arg0, %mul3A_10 : i32
    %mul3A_12 = arith.constant 10000 : i32
    %mul3A_13 = arith.muli %arg1, %mul3A_12 : i32
    %add3A_14 = arith.addi %mul3A_11, %mul3A_13 : i32
    %add3A_15 = arith.constant 0 : i32
    %add3A_16 = arith.addi %add3A_14, %add3A_15 : i32
    %dma_start3A = arith.constant 0 : i32
    %dma_start3A_17 = tpu.memref_slice %arg3[%add3A_16, %dma_start3A] : memref<320000x64xf32, #tpu.memory_space<hbm>> -> memref<400x64xf32, #tpu.memory_space<hbm>>
    %dma_start3A_18 = arith.constant 0 : i32
    %dma_start3A_19 = tpu.memref_slice %arg3[%add3A_16, %dma_start3A_18] : memref<320000x64xf32, #tpu.memory_space<hbm>> -> memref<400x64xf32, #tpu.memory_space<hbm>>
    tpu.enqueue_dma source(%dma_start3A_19 : memref<400x64xf32, #tpu.memory_space<hbm>>) target(%arg7 : memref<400x64xf32, #tpu.memory_space<vmem>>) target_semaphore(%arg10 : memref<!tpu.dma_semaphore, #tpu.memory_space<semaphore_mem>>)
    %add3A_20 = arith.constant 0 : i32
    %add3A_21 = arith.addi %add3A_16, %add3A_20 : i32
    %dma_start3A_22 = arith.constant 0 : i32
    %dma_start3A_23 = arith.constant 0 : i32
    %dma_start3A_24 = tpu.memref_slice %arg5[%dma_start3A_22, %dma_start3A_23] : memref<5x80xi32, #tpu.memory_space<vmem>> -> memref<1x80xi32, #tpu.memory_space<vmem>>
    %dma_start3A_25 = tpu.memref_squeeze %dma_start3A_24 : memref<1x80xi32, #tpu.memory_space<vmem>> -> memref<80xi32, #tpu.memory_space<vmem>>
    %dma_start3A_26 = tpu.memref_slice %arg2[%add3A_21] : memref<320000xi32, #tpu.memory_space<hbm>> -> memref<80xi32, #tpu.memory_space<hbm>>
    %dma_start3A_27 = arith.constant 0 : i32
    %dma_start3A_28 = tpu.memref_slice %arg5[%dma_start3A_22, %dma_start3A_27] : memref<5x80xi32, #tpu.memory_space<vmem>> -> memref<1x80xi32, #tpu.memory_space<vmem>>
    %dma_start3A_29 = tpu.memref_squeeze %dma_start3A_28 : memref<1x80xi32, #tpu.memory_space<vmem>> -> memref<80xi32, #tpu.memory_space<vmem>>
    %dma_start3A_30 = tpu.memref_slice %arg2[%add3A_21] : memref<320000xi32, #tpu.memory_space<hbm>> -> memref<80xi32, #tpu.memory_space<hbm>>
    tpu.enqueue_dma source(%dma_start3A_30 : memref<80xi32, #tpu.memory_space<hbm>>) target(%dma_start3A_29 : memref<80xi32, #tpu.memory_space<vmem>>) target_semaphore(%arg10 : memref<!tpu.dma_semaphore, #tpu.memory_space<semaphore_mem>>)
    %add3A_31 = arith.constant 80 : i32
    %add3A_32 = arith.addi %add3A_16, %add3A_31 : i32
    %dma_start3A_33 = arith.constant 1 : i32
    %dma_start3A_34 = arith.constant 0 : i32
    %dma_start3A_35 = tpu.memref_slice %arg5[%dma_start3A_33, %dma_start3A_34] : memref<5x80xi32, #tpu.memory_space<vmem>> -> memref<1x80xi32, #tpu.memory_space<vmem>>
    %dma_start3A_36 = tpu.memref_squeeze %dma_start3A_35 : memref<1x80xi32, #tpu.memory_space<vmem>> -> memref<80xi32, #tpu.memory_space<vmem>>
    %dma_start3A_37 = tpu.memref_slice %arg2[%add3A_32] : memref<320000xi32, #tpu.memory_space<hbm>> -> memref<80xi32, #tpu.memory_space<hbm>>
    %dma_start3A_38 = arith.constant 0 : i32
    %dma_start3A_39 = tpu.memref_slice %arg5[%dma_start3A_33, %dma_start3A_38] : memref<5x80xi32, #tpu.memory_space<vmem>> -> memref<1x80xi32, #tpu.memory_space<vmem>>
    %dma_start3A_40 = tpu.memref_squeeze %dma_start3A_39 : memref<1x80xi32, #tpu.memory_space<vmem>> -> memref<80xi32, #tpu.memory_space<vmem>>
    %dma_start3A_41 = tpu.memref_slice %arg2[%add3A_32] : memref<320000xi32, #tpu.memory_space<hbm>> -> memref<80xi32, #tpu.memory_space<hbm>>
    tpu.enqueue_dma source(%dma_start3A_41 : memref<80xi32, #tpu.memory_space<hbm>>) target(%dma_start3A_40 : memref<80xi32, #tpu.memory_space<vmem>>) target_semaphore(%arg10 : memref<!tpu.dma_semaphore, #tpu.memory_space<semaphore_mem>>)
    %add3A_42 = arith.constant 160 : i32
    %add3A_43 = arith.addi %add3A_16, %add3A_42 : i32
    %dma_start3A_44 = arith.constant 2 : i32
    %dma_start3A_45 = arith.constant 0 : i32
    %dma_start3A_46 = tpu.memref_slice %arg5[%dma_start3A_44, %dma_start3A_45] : memref<5x80xi32, #tpu.memory_space<vmem>> -> memref<1x80xi32, #tpu.memory_space<vmem>>
    %dma_start3A_47 = tpu.memref_squeeze %dma_start3A_46 : memref<1x80xi32, #tpu.memory_space<vmem>> -> memref<80xi32, #tpu.memory_space<vmem>>
    %dma_start3A_48 = tpu.memref_slice %arg2[%add3A_43] : memref<320000xi32, #tpu.memory_space<hbm>> -> memref<80xi32, #tpu.memory_space<hbm>>
    %dma_start3A_49 = arith.constant 0 : i32
    %dma_start3A_50 = tpu.memref_slice %arg5[%dma_start3A_44, %dma_start3A_49] : memref<5x80xi32, #tpu.memory_space<vmem>> -> memref<1x80xi32, #tpu.memory_space<vmem>>
    %dma_start3A_51 = tpu.memref_squeeze %dma_start3A_50 : memref<1x80xi32, #tpu.memory_space<vmem>> -> memref<80xi32, #tpu.memory_space<vmem>>
    %dma_start3A_52 = tpu.memref_slice %arg2[%add3A_43] : memref<320000xi32, #tpu.memory_space<hbm>> -> memref<80xi32, #tpu.memory_space<hbm>>
    tpu.enqueue_dma source(%dma_start3A_52 : memref<80xi32, #tpu.memory_space<hbm>>) target(%dma_start3A_51 : memref<80xi32, #tpu.memory_space<vmem>>) target_semaphore(%arg10 : memref<!tpu.dma_semaphore, #tpu.memory_space<semaphore_mem>>)
    %add3A_53 = arith.constant 240 : i32
    %add3A_54 = arith.addi %add3A_16, %add3A_53 : i32
    %dma_start3A_55 = arith.constant 3 : i32
    %dma_start3A_56 = arith.constant 0 : i32
    %dma_start3A_57 = tpu.memref_slice %arg5[%dma_start3A_55, %dma_start3A_56] : memref<5x80xi32, #tpu.memory_space<vmem>> -> memref<1x80xi32, #tpu.memory_space<vmem>>
    %dma_start3A_58 = tpu.memref_squeeze %dma_start3A_57 : memref<1x80xi32, #tpu.memory_space<vmem>> -> memref<80xi32, #tpu.memory_space<vmem>>
    %dma_start3A_59 = tpu.memref_slice %arg2[%add3A_54] : memref<320000xi32, #tpu.memory_space<hbm>> -> memref<80xi32, #tpu.memory_space<hbm>>
    %dma_start3A_60 = arith.constant 0 : i32
    %dma_start3A_61 = tpu.memref_slice %arg5[%dma_start3A_55, %dma_start3A_60] : memref<5x80xi32, #tpu.memory_space<vmem>> -> memref<1x80xi32, #tpu.memory_space<vmem>>
    %dma_start3A_62 = tpu.memref_squeeze %dma_start3A_61 : memref<1x80xi32, #tpu.memory_space<vmem>> -> memref<80xi32, #tpu.memory_space<vmem>>
    %dma_start3A_63 = tpu.memref_slice %arg2[%add3A_54] : memref<320000xi32, #tpu.memory_space<hbm>> -> memref<80xi32, #tpu.memory_space<hbm>>
    tpu.enqueue_dma source(%dma_start3A_63 : memref<80xi32, #tpu.memory_space<hbm>>) target(%dma_start3A_62 : memref<80xi32, #tpu.memory_space<vmem>>) target_semaphore(%arg10 : memref<!tpu.dma_semaphore, #tpu.memory_space<semaphore_mem>>)
    %add3A_64 = arith.constant 320 : i32
    %add3A_65 = arith.addi %add3A_16, %add3A_64 : i32
    %dma_start3A_66 = arith.constant 4 : i32
    %dma_start3A_67 = arith.constant 0 : i32
    %dma_start3A_68 = tpu.memref_slice %arg5[%dma_start3A_66, %dma_start3A_67] : memref<5x80xi32, #tpu.memory_space<vmem>> -> memref<1x80xi32, #tpu.memory_space<vmem>>
    %dma_start3A_69 = tpu.memref_squeeze %dma_start3A_68 : memref<1x80xi32, #tpu.memory_space<vmem>> -> memref<80xi32, #tpu.memory_space<vmem>>
    %dma_start3A_70 = tpu.memref_slice %arg2[%add3A_65] : memref<320000xi32, #tpu.memory_space<hbm>> -> memref<80xi32, #tpu.memory_space<hbm>>
    %dma_start3A_71 = arith.constant 0 : i32
    %dma_start3A_72 = tpu.memref_slice %arg5[%dma_start3A_66, %dma_start3A_71] : memref<5x80xi32, #tpu.memory_space<vmem>> -> memref<1x80xi32, #tpu.memory_space<vmem>>
    %dma_start3A_73 = tpu.memref_squeeze %dma_start3A_72 : memref<1x80xi32, #tpu.memory_space<vmem>> -> memref<80xi32, #tpu.memory_space<vmem>>
    %dma_start3A_74 = tpu.memref_slice %arg2[%add3A_65] : memref<320000xi32, #tpu.memory_space<hbm>> -> memref<80xi32, #tpu.memory_space<hbm>>
    tpu.enqueue_dma source(%dma_start3A_74 : memref<80xi32, #tpu.memory_space<hbm>>) target(%dma_start3A_73 : memref<80xi32, #tpu.memory_space<vmem>>) target_semaphore(%arg10 : memref<!tpu.dma_semaphore, #tpu.memory_space<semaphore_mem>>)
    %scan3A_75 = arith.constant 0 : i32
    %scan3A_76 = arith.constant 0 : i32
    %scan3A_77 = arith.constant 25 : i32
    %scan3A_78 = arith.addi %scan3A_76, %scan3A_77 : i32
    %scan3A_79 = arith.constant 1 : i32
    scf.for %scan3A_89 = %scan3A_76 to %scan3A_78 step %scan3A_79  : i32 {
      %rem3A = arith.constant 2 : i32
      %rem3A_90 = arith.remsi %scan3A_89, %rem3A : i32
      %eq3A = arith.constant 0 : i32
      %eq3A_91 = arith.cmpi eq, %rem3A_90, %eq3A : i32
      %convert_element_type3A = arith.extui %eq3A_91 : i1 to i32
      %cond3A = arith.constant 0 : i32
      %cond3A_92 = arith.cmpi ne, %convert_element_type3A, %cond3A : i32
      scf.if %cond3A_92 {
        %mul3A_98 = arith.constant 400 : i32
        %mul3A_99 = arith.muli %scan3A_89, %mul3A_98 : i32
        %add3A_100 = arith.addi %add3A_14, %mul3A_99 : i32
        %dma_wait3A = arith.constant 0 : i32
        %dma_wait3A_101 = tpu.memref_slice %arg3[%add3A_100, %dma_wait3A] : memref<320000x64xf32, #tpu.memory_space<hbm>> -> memref<400x64xf32, #tpu.memory_space<hbm>>
        %dma_wait3A_102 = arith.constant 0 : i32
        %dma_wait3A_103 = tpu.memref_slice %arg3[%add3A_100, %dma_wait3A_102] : memref<320000x64xf32, #tpu.memory_space<hbm>> -> memref<400x64xf32, #tpu.memory_space<hbm>>
        tpu.wait_dma2 semaphore(%arg10 : memref<!tpu.dma_semaphore, #tpu.memory_space<semaphore_mem>>) src(%dma_wait3A_103 : memref<400x64xf32, #tpu.memory_space<hbm>>) dst(%arg7 : memref<400x64xf32, #tpu.memory_space<vmem>>)
        %add3A_104 = arith.constant 0 : i32
        %add3A_105 = arith.addi %add3A_100, %add3A_104 : i32
        %dma_wait3A_106 = arith.constant 0 : i32
        %dma_wait3A_107 = arith.constant 0 : i32
        %dma_wait3A_108 = tpu.memref_slice %arg5[%dma_wait3A_106, %dma_wait3A_107] : memref<5x80xi32, #tpu.memory_space<vmem>> -> memref<1x80xi32, #tpu.memory_space<vmem>>
        %dma_wait3A_109 = tpu.memref_squeeze %dma_wait3A_108 : memref<1x80xi32, #tpu.memory_space<vmem>> -> memref<80xi32, #tpu.memory_space<vmem>>
        %dma_wait3A_110 = tpu.memref_slice %arg2[%add3A_105] : memref<320000xi32, #tpu.memory_space<hbm>> -> memref<80xi32, #tpu.memory_space<hbm>>
        %dma_wait3A_111 = arith.constant 0 : i32
        %dma_wait3A_112 = tpu.memref_slice %arg5[%dma_wait3A_106, %dma_wait3A_111] : memref<5x80xi32, #tpu.memory_space<vmem>> -> memref<1x80xi32, #tpu.memory_space<vmem>>
        %dma_wait3A_113 = tpu.memref_squeeze %dma_wait3A_112 : memref<1x80xi32, #tpu.memory_space<vmem>> -> memref<80xi32, #tpu.memory_space<vmem>>
        %dma_wait3A_114 = tpu.memref_slice %arg2[%add3A_105] : memref<320000xi32, #tpu.memory_space<hbm>> -> memref<80xi32, #tpu.memory_space<hbm>>
        tpu.wait_dma2 semaphore(%arg10 : memref<!tpu.dma_semaphore, #tpu.memory_space<semaphore_mem>>) src(%dma_wait3A_114 : memref<80xi32, #tpu.memory_space<hbm>>) dst(%dma_wait3A_113 : memref<80xi32, #tpu.memory_space<vmem>>)
        %add3A_115 = arith.constant 80 : i32
        %add3A_116 = arith.addi %add3A_100, %add3A_115 : i32
        %dma_wait3A_117 = arith.constant 1 : i32
        %dma_wait3A_118 = arith.constant 0 : i32
        %dma_wait3A_119 = tpu.memref_slice %arg5[%dma_wait3A_117, %dma_wait3A_118] : memref<5x80xi32, #tpu.memory_space<vmem>> -> memref<1x80xi32, #tpu.memory_space<vmem>>
        %dma_wait3A_120 = tpu.memref_squeeze %dma_wait3A_119 : memref<1x80xi32, #tpu.memory_space<vmem>> -> memref<80xi32, #tpu.memory_space<vmem>>
        %dma_wait3A_121 = tpu.memref_slice %arg2[%add3A_116] : memref<320000xi32, #tpu.memory_space<hbm>> -> memref<80xi32, #tpu.memory_space<hbm>>
        %dma_wait3A_122 = arith.constant 0 : i32
        %dma_wait3A_123 = tpu.memref_slice %arg5[%dma_wait3A_117, %dma_wait3A_122] : memref<5x80xi32, #tpu.memory_space<vmem>> -> memref<1x80xi32, #tpu.memory_space<vmem>>
        %dma_wait3A_124 = tpu.memref_squeeze %dma_wait3A_123 : memref<1x80xi32, #tpu.memory_space<vmem>> -> memref<80xi32, #tpu.memory_space<vmem>>
        %dma_wait3A_125 = tpu.memref_slice %arg2[%add3A_116] : memref<320000xi32, #tpu.memory_space<hbm>> -> memref<80xi32, #tpu.memory_space<hbm>>
        tpu.wait_dma2 semaphore(%arg10 : memref<!tpu.dma_semaphore, #tpu.memory_space<semaphore_mem>>) src(%dma_wait3A_125 : memref<80xi32, #tpu.memory_space<hbm>>) dst(%dma_wait3A_124 : memref<80xi32, #tpu.memory_space<vmem>>)
        %add3A_126 = arith.constant 160 : i32
        %add3A_127 = arith.addi %add3A_100, %add3A_126 : i32
        %dma_wait3A_128 = arith.constant 2 : i32
        %dma_wait3A_129 = arith.constant 0 : i32
        %dma_wait3A_130 = tpu.memref_slice %arg5[%dma_wait3A_128, %dma_wait3A_129] : memref<5x80xi32, #tpu.memory_space<vmem>> -> memref<1x80xi32, #tpu.memory_space<vmem>>
        %dma_wait3A_131 = tpu.memref_squeeze %dma_wait3A_130 : memref<1x80xi32, #tpu.memory_space<vmem>> -> memref<80xi32, #tpu.memory_space<vmem>>
        %dma_wait3A_132 = tpu.memref_slice %arg2[%add3A_127] : memref<320000xi32, #tpu.memory_space<hbm>> -> memref<80xi32, #tpu.memory_space<hbm>>
        %dma_wait3A_133 = arith.constant 0 : i32
        %dma_wait3A_134 = tpu.memref_slice %arg5[%dma_wait3A_128, %dma_wait3A_133] : memref<5x80xi32, #tpu.memory_space<vmem>> -> memref<1x80xi32, #tpu.memory_space<vmem>>
        %dma_wait3A_135 = tpu.memref_squeeze %dma_wait3A_134 : memref<1x80xi32, #tpu.memory_space<vmem>> -> memref<80xi32, #tpu.memory_space<vmem>>
        %dma_wait3A_136 = tpu.memref_slice %arg2[%add3A_127] : memref<320000xi32, #tpu.memory_space<hbm>> -> memref<80xi32, #tpu.memory_space<hbm>>
        tpu.wait_dma2 semaphore(%arg10 : memref<!tpu.dma_semaphore, #tpu.memory_space<semaphore_mem>>) src(%dma_wait3A_136 : memref<80xi32, #tpu.memory_space<hbm>>) dst(%dma_wait3A_135 : memref<80xi32, #tpu.memory_space<vmem>>)
        %add3A_137 = arith.constant 240 : i32
        %add3A_138 = arith.addi %add3A_100, %add3A_137 : i32
        %dma_wait3A_139 = arith.constant 3 : i32
        %dma_wait3A_140 = arith.constant 0 : i32
        %dma_wait3A_141 = tpu.memref_slice %arg5[%dma_wait3A_139, %dma_wait3A_140] : memref<5x80xi32, #tpu.memory_space<vmem>> -> memref<1x80xi32, #tpu.memory_space<vmem>>
        %dma_wait3A_142 = tpu.memref_squeeze %dma_wait3A_141 : memref<1x80xi32, #tpu.memory_space<vmem>> -> memref<80xi32, #tpu.memory_space<vmem>>
        %dma_wait3A_143 = tpu.memref_slice %arg2[%add3A_138] : memref<320000xi32, #tpu.memory_space<hbm>> -> memref<80xi32, #tpu.memory_space<hbm>>
        %dma_wait3A_144 = arith.constant 0 : i32
        %dma_wait3A_145 = tpu.memref_slice %arg5[%dma_wait3A_139, %dma_wait3A_144] : memref<5x80xi32, #tpu.memory_space<vmem>> -> memref<1x80xi32, #tpu.memory_space<vmem>>
        %dma_wait3A_146 = tpu.memref_squeeze %dma_wait3A_145 : memref<1x80xi32, #tpu.memory_space<vmem>> -> memref<80xi32, #tpu.memory_space<vmem>>
        %dma_wait3A_147 = tpu.memref_slice %arg2[%add3A_138] : memref<320000xi32, #tpu.memory_space<hbm>> -> memref<80xi32, #tpu.memory_space<hbm>>
        tpu.wait_dma2 semaphore(%arg10 : memref<!tpu.dma_semaphore, #tpu.memory_space<semaphore_mem>>) src(%dma_wait3A_147 : memref<80xi32, #tpu.memory_space<hbm>>) dst(%dma_wait3A_146 : memref<80xi32, #tpu.memory_space<vmem>>)
        %add3A_148 = arith.constant 320 : i32
        %add3A_149 = arith.addi %add3A_100, %add3A_148 : i32
        %dma_wait3A_150 = arith.constant 4 : i32
        %dma_wait3A_151 = arith.constant 0 : i32
        %dma_wait3A_152 = tpu.memref_slice %arg5[%dma_wait3A_150, %dma_wait3A_151] : memref<5x80xi32, #tpu.memory_space<vmem>> -> memref<1x80xi32, #tpu.memory_space<vmem>>
        %dma_wait3A_153 = tpu.memref_squeeze %dma_wait3A_152 : memref<1x80xi32, #tpu.memory_space<vmem>> -> memref<80xi32, #tpu.memory_space<vmem>>
        %dma_wait3A_154 = tpu.memref_slice %arg2[%add3A_149] : memref<320000xi32, #tpu.memory_space<hbm>> -> memref<80xi32, #tpu.memory_space<hbm>>
        %dma_wait3A_155 = arith.constant 0 : i32
        %dma_wait3A_156 = tpu.memref_slice %arg5[%dma_wait3A_150, %dma_wait3A_155] : memref<5x80xi32, #tpu.memory_space<vmem>> -> memref<1x80xi32, #tpu.memory_space<vmem>>
        %dma_wait3A_157 = tpu.memref_squeeze %dma_wait3A_156 : memref<1x80xi32, #tpu.memory_space<vmem>> -> memref<80xi32, #tpu.memory_space<vmem>>
        %dma_wait3A_158 = tpu.memref_slice %arg2[%add3A_149] : memref<320000xi32, #tpu.memory_space<hbm>> -> memref<80xi32, #tpu.memory_space<hbm>>
        tpu.wait_dma2 semaphore(%arg10 : memref<!tpu.dma_semaphore, #tpu.memory_space<semaphore_mem>>) src(%dma_wait3A_158 : memref<80xi32, #tpu.memory_space<hbm>>) dst(%dma_wait3A_157 : memref<80xi32, #tpu.memory_space<vmem>>)
        %add3A_159 = arith.constant 1 : i32
        %add3A_160 = arith.addi %scan3A_89, %add3A_159 : i32
        %lt3A = arith.constant 25 : i32
        %lt3A_161 = arith.cmpi slt, %add3A_160, %lt3A : i32
        %convert_element_type3A_162 = arith.extui %lt3A_161 : i1 to i32
        %cond3A_163 = arith.constant 0 : i32
        %cond3A_164 = arith.cmpi ne, %convert_element_type3A_162, %cond3A_163 : i32
        scf.if %cond3A_164 {
          %add3A_169 = arith.constant 1 : i32
          %add3A_170 = arith.addi %scan3A_89, %add3A_169 : i32
          %mul3A_171 = arith.constant 400 : i32
          %mul3A_172 = arith.muli %add3A_170, %mul3A_171 : i32
          %add3A_173 = arith.addi %add3A_14, %mul3A_172 : i32
          %dma_start3A_174 = arith.constant 0 : i32
          %dma_start3A_175 = tpu.memref_slice %arg3[%add3A_173, %dma_start3A_174] : memref<320000x64xf32, #tpu.memory_space<hbm>> -> memref<400x64xf32, #tpu.memory_space<hbm>>
          %dma_start3A_176 = arith.constant 0 : i32
          %dma_start3A_177 = tpu.memref_slice %arg3[%add3A_173, %dma_start3A_176] : memref<320000x64xf32, #tpu.memory_space<hbm>> -> memref<400x64xf32, #tpu.memory_space<hbm>>
          tpu.enqueue_dma source(%dma_start3A_177 : memref<400x64xf32, #tpu.memory_space<hbm>>) target(%arg8 : memref<400x64xf32, #tpu.memory_space<vmem>>) target_semaphore(%arg11 : memref<!tpu.dma_semaphore, #tpu.memory_space<semaphore_mem>>)
          %add3A_178 = arith.constant 0 : i32
          %add3A_179 = arith.addi %add3A_173, %add3A_178 : i32
          %dma_start3A_180 = arith.constant 0 : i32
          %dma_start3A_181 = arith.constant 0 : i32
          %dma_start3A_182 = tpu.memref_slice %arg6[%dma_start3A_180, %dma_start3A_181] : memref<5x80xi32, #tpu.memory_space<vmem>> -> memref<1x80xi32, #tpu.memory_space<vmem>>
          %dma_start3A_183 = tpu.memref_squeeze %dma_start3A_182 : memref<1x80xi32, #tpu.memory_space<vmem>> -> memref<80xi32, #tpu.memory_space<vmem>>
          %dma_start3A_184 = tpu.memref_slice %arg2[%add3A_179] : memref<320000xi32, #tpu.memory_space<hbm>> -> memref<80xi32, #tpu.memory_space<hbm>>
          %dma_start3A_185 = arith.constant 0 : i32
          %dma_start3A_186 = tpu.memref_slice %arg6[%dma_start3A_180, %dma_start3A_185] : memref<5x80xi32, #tpu.memory_space<vmem>> -> memref<1x80xi32, #tpu.memory_space<vmem>>
          %dma_start3A_187 = tpu.memref_squeeze %dma_start3A_186 : memref<1x80xi32, #tpu.memory_space<vmem>> -> memref<80xi32, #tpu.memory_space<vmem>>
          %dma_start3A_188 = tpu.memref_slice %arg2[%add3A_179] : memref<320000xi32, #tpu.memory_space<hbm>> -> memref<80xi32, #tpu.memory_space<hbm>>
          tpu.enqueue_dma source(%dma_start3A_188 : memref<80xi32, #tpu.memory_space<hbm>>) target(%dma_start3A_187 : memref<80xi32, #tpu.memory_space<vmem>>) target_semaphore(%arg11 : memref<!tpu.dma_semaphore, #tpu.memory_space<semaphore_mem>>)
          %add3A_189 = arith.constant 80 : i32
          %add3A_190 = arith.addi %add3A_173, %add3A_189 : i32
          %dma_start3A_191 = arith.constant 1 : i32
          %dma_start3A_192 = arith.constant 0 : i32
          %dma_start3A_193 = tpu.memref_slice %arg6[%dma_start3A_191, %dma_start3A_192] : memref<5x80xi32, #tpu.memory_space<vmem>> -> memref<1x80xi32, #tpu.memory_space<vmem>>
          %dma_start3A_194 = tpu.memref_squeeze %dma_start3A_193 : memref<1x80xi32, #tpu.memory_space<vmem>> -> memref<80xi32, #tpu.memory_space<vmem>>
          %dma_start3A_195 = tpu.memref_slice %arg2[%add3A_190] : memref<320000xi32, #tpu.memory_space<hbm>> -> memref<80xi32, #tpu.memory_space<hbm>>
          %dma_start3A_196 = arith.constant 0 : i32
          %dma_start3A_197 = tpu.memref_slice %arg6[%dma_start3A_191, %dma_start3A_196] : memref<5x80xi32, #tpu.memory_space<vmem>> -> memref<1x80xi32, #tpu.memory_space<vmem>>
          %dma_start3A_198 = tpu.memref_squeeze %dma_start3A_197 : memref<1x80xi32, #tpu.memory_space<vmem>> -> memref<80xi32, #tpu.memory_space<vmem>>
          %dma_start3A_199 = tpu.memref_slice %arg2[%add3A_190] : memref<320000xi32, #tpu.memory_space<hbm>> -> memref<80xi32, #tpu.memory_space<hbm>>
          tpu.enqueue_dma source(%dma_start3A_199 : memref<80xi32, #tpu.memory_space<hbm>>) target(%dma_start3A_198 : memref<80xi32, #tpu.memory_space<vmem>>) target_semaphore(%arg11 : memref<!tpu.dma_semaphore, #tpu.memory_space<semaphore_mem>>)
          %add3A_200 = arith.constant 160 : i32
          %add3A_201 = arith.addi %add3A_173, %add3A_200 : i32
          %dma_start3A_202 = arith.constant 2 : i32
          %dma_start3A_203 = arith.constant 0 : i32
          %dma_start3A_204 = tpu.memref_slice %arg6[%dma_start3A_202, %dma_start3A_203] : memref<5x80xi32, #tpu.memory_space<vmem>> -> memref<1x80xi32, #tpu.memory_space<vmem>>
          %dma_start3A_205 = tpu.memref_squeeze %dma_start3A_204 : memref<1x80xi32, #tpu.memory_space<vmem>> -> memref<80xi32, #tpu.memory_space<vmem>>
          %dma_start3A_206 = tpu.memref_slice %arg2[%add3A_201] : memref<320000xi32, #tpu.memory_space<hbm>> -> memref<80xi32, #tpu.memory_space<hbm>>
          %dma_start3A_207 = arith.constant 0 : i32
          %dma_start3A_208 = tpu.memref_slice %arg6[%dma_start3A_202, %dma_start3A_207] : memref<5x80xi32, #tpu.memory_space<vmem>> -> memref<1x80xi32, #tpu.memory_space<vmem>>
          %dma_start3A_209 = tpu.memref_squeeze %dma_start3A_208 : memref<1x80xi32, #tpu.memory_space<vmem>> -> memref<80xi32, #tpu.memory_space<vmem>>
          %dma_start3A_210 = tpu.memref_slice %arg2[%add3A_201] : memref<320000xi32, #tpu.memory_space<hbm>> -> memref<80xi32, #tpu.memory_space<hbm>>
          tpu.enqueue_dma source(%dma_start3A_210 : memref<80xi32, #tpu.memory_space<hbm>>) target(%dma_start3A_209 : memref<80xi32, #tpu.memory_space<vmem>>) target_semaphore(%arg11 : memref<!tpu.dma_semaphore, #tpu.memory_space<semaphore_mem>>)
          %add3A_211 = arith.constant 240 : i32
          %add3A_212 = arith.addi %add3A_173, %add3A_211 : i32
          %dma_start3A_213 = arith.constant 3 : i32
          %dma_start3A_214 = arith.constant 0 : i32
          %dma_start3A_215 = tpu.memref_slice %arg6[%dma_start3A_213, %dma_start3A_214] : memref<5x80xi32, #tpu.memory_space<vmem>> -> memref<1x80xi32, #tpu.memory_space<vmem>>
          %dma_start3A_216 = tpu.memref_squeeze %dma_start3A_215 : memref<1x80xi32, #tpu.memory_space<vmem>> -> memref<80xi32, #tpu.memory_space<vmem>>
          %dma_start3A_217 = tpu.memref_slice %arg2[%add3A_212] : memref<320000xi32, #tpu.memory_space<hbm>> -> memref<80xi32, #tpu.memory_space<hbm>>
          %dma_start3A_218 = arith.constant 0 : i32
          %dma_start3A_219 = tpu.memref_slice %arg6[%dma_start3A_213, %dma_start3A_218] : memref<5x80xi32, #tpu.memory_space<vmem>> -> memref<1x80xi32, #tpu.memory_space<vmem>>
          %dma_start3A_220 = tpu.memref_squeeze %dma_start3A_219 : memref<1x80xi32, #tpu.memory_space<vmem>> -> memref<80xi32, #tpu.memory_space<vmem>>
          %dma_start3A_221 = tpu.memref_slice %arg2[%add3A_212] : memref<320000xi32, #tpu.memory_space<hbm>> -> memref<80xi32, #tpu.memory_space<hbm>>
          tpu.enqueue_dma source(%dma_start3A_221 : memref<80xi32, #tpu.memory_space<hbm>>) target(%dma_start3A_220 : memref<80xi32, #tpu.memory_space<vmem>>) target_semaphore(%arg11 : memref<!tpu.dma_semaphore, #tpu.memory_space<semaphore_mem>>)
          %add3A_222 = arith.constant 320 : i32
          %add3A_223 = arith.addi %add3A_173, %add3A_222 : i32
          %dma_start3A_224 = arith.constant 4 : i32
          %dma_start3A_225 = arith.constant 0 : i32
          %dma_start3A_226 = tpu.memref_slice %arg6[%dma_start3A_224, %dma_start3A_225] : memref<5x80xi32, #tpu.memory_space<vmem>> -> memref<1x80xi32, #tpu.memory_space<vmem>>
          %dma_start3A_227 = tpu.memref_squeeze %dma_start3A_226 : memref<1x80xi32, #tpu.memory_space<vmem>> -> memref<80xi32, #tpu.memory_space<vmem>>
          %dma_start3A_228 = tpu.memref_slice %arg2[%add3A_223] : memref<320000xi32, #tpu.memory_space<hbm>> -> memref<80xi32, #tpu.memory_space<hbm>>
          %dma_start3A_229 = arith.constant 0 : i32
          %dma_start3A_230 = tpu.memref_slice %arg6[%dma_start3A_224, %dma_start3A_229] : memref<5x80xi32, #tpu.memory_space<vmem>> -> memref<1x80xi32, #tpu.memory_space<vmem>>
          %dma_start3A_231 = tpu.memref_squeeze %dma_start3A_230 : memref<1x80xi32, #tpu.memory_space<vmem>> -> memref<80xi32, #tpu.memory_space<vmem>>
          %dma_start3A_232 = tpu.memref_slice %arg2[%add3A_223] : memref<320000xi32, #tpu.memory_space<hbm>> -> memref<80xi32, #tpu.memory_space<hbm>>
          tpu.enqueue_dma source(%dma_start3A_232 : memref<80xi32, #tpu.memory_space<hbm>>) target(%dma_start3A_231 : memref<80xi32, #tpu.memory_space<vmem>>) target_semaphore(%arg11 : memref<!tpu.dma_semaphore, #tpu.memory_space<semaphore_mem>>)
        } else {
        }
        %run_scoped3A = arith.constant 0 : i32
        "tpu.region"() ({
          %run_scoped3A_169 = tpu.sem_alloc : memref<!tpu.dma_semaphore, #tpu.memory_space<semaphore_mem>>
          %dma_start3A_170 = arith.constant 0 : i32
          %dma_start3A_171 = arith.constant 0 : i32
          %dma_start3A_172 = tpu.memref_slice %arg7[%dma_start3A_170, %dma_start3A_171] : memref<400x64xf32, #tpu.memory_space<vmem>> -> memref<80x64xf32, #tpu.memory_space<vmem>>
          %dma_start3A_173 = arith.constant 0 : i32
          %dma_start3A_174 = tpu.memref_slice %arg5[%run_scoped3A, %dma_start3A_173] : memref<5x80xi32, #tpu.memory_space<vmem>> -> memref<1x80xi32, #tpu.memory_space<vmem>>
          %dma_start3A_175 = tpu.memref_squeeze %dma_start3A_174 : memref<1x80xi32, #tpu.memory_space<vmem>> -> memref<80xi32, #tpu.memory_space<vmem>>
          %dma_start3A_176 = arith.constant 0 : i32
          %dma_start3A_177 = arith.constant 0 : i32
          %dma_start3A_178 = tpu.memref_slice %arg9[%dma_start3A_176, %dma_start3A_177] : memref<10000x64xf32, #tpu.memory_space<vmem_shared>> -> memref<10000x64xf32, #tpu.memory_space<vmem_shared>>
          tpu.enqueue_indirect_dma source(%dma_start3A_172 : memref<80x64xf32, #tpu.memory_space<vmem>>) target(%dma_start3A_178 : memref<10000x64xf32, #tpu.memory_space<vmem_shared>>) offsets(%dma_start3A_175 : memref<80xi32, #tpu.memory_space<vmem>>) semaphore(%run_scoped3A_169 : memref<!tpu.dma_semaphore, #tpu.memory_space<semaphore_mem>>) {add = true}
          %dma_wait3A_179 = arith.constant 0 : i32
          %dma_wait3A_180 = arith.constant 0 : i32
          %dma_wait3A_181 = tpu.memref_slice %arg7[%dma_wait3A_179, %dma_wait3A_180] : memref<400x64xf32, #tpu.memory_space<vmem>> -> memref<80x64xf32, #tpu.memory_space<vmem>>
          %dma_wait3A_182 = arith.constant 0 : i32
          %dma_wait3A_183 = tpu.memref_slice %arg5[%run_scoped3A, %dma_wait3A_182] : memref<5x80xi32, #tpu.memory_space<vmem>> -> memref<1x80xi32, #tpu.memory_space<vmem>>
          %dma_wait3A_184 = tpu.memref_squeeze %dma_wait3A_183 : memref<1x80xi32, #tpu.memory_space<vmem>> -> memref<80xi32, #tpu.memory_space<vmem>>
          %dma_wait3A_185 = arith.constant 0 : i32
          %dma_wait3A_186 = arith.constant 0 : i32
          %dma_wait3A_187 = tpu.memref_slice %arg9[%dma_wait3A_185, %dma_wait3A_186] : memref<10000x64xf32, #tpu.memory_space<vmem_shared>> -> memref<10000x64xf32, #tpu.memory_space<vmem_shared>>
          tpu.wait_indirect_dma semaphore(%run_scoped3A_169 : memref<!tpu.dma_semaphore, #tpu.memory_space<semaphore_mem>>) src(%dma_wait3A_181 : memref<80x64xf32, #tpu.memory_space<vmem>>) dst(%dma_wait3A_187 : memref<10000x64xf32, #tpu.memory_space<vmem_shared>>)
          tpu.yield
        }) : () -> ()
        %run_scoped3A_165 = arith.constant 1 : i32
        "tpu.region"() ({
          %run_scoped3A_169 = tpu.sem_alloc : memref<!tpu.dma_semaphore, #tpu.memory_space<semaphore_mem>>
          %dma_start3A_170 = arith.constant 80 : i32
          %dma_start3A_171 = arith.constant 0 : i32
          %dma_start3A_172 = tpu.memref_slice %arg7[%dma_start3A_170, %dma_start3A_171] : memref<400x64xf32, #tpu.memory_space<vmem>> -> memref<80x64xf32, #tpu.memory_space<vmem>>
          %dma_start3A_173 = arith.constant 0 : i32
          %dma_start3A_174 = tpu.memref_slice %arg5[%run_scoped3A_165, %dma_start3A_173] : memref<5x80xi32, #tpu.memory_space<vmem>> -> memref<1x80xi32, #tpu.memory_space<vmem>>
          %dma_start3A_175 = tpu.memref_squeeze %dma_start3A_174 : memref<1x80xi32, #tpu.memory_space<vmem>> -> memref<80xi32, #tpu.memory_space<vmem>>
          %dma_start3A_176 = arith.constant 0 : i32
          %dma_start3A_177 = arith.constant 0 : i32
          %dma_start3A_178 = tpu.memref_slice %arg9[%dma_start3A_176, %dma_start3A_177] : memref<10000x64xf32, #tpu.memory_space<vmem_shared>> -> memref<10000x64xf32, #tpu.memory_space<vmem_shared>>
          tpu.enqueue_indirect_dma source(%dma_start3A_172 : memref<80x64xf32, #tpu.memory_space<vmem>>) target(%dma_start3A_178 : memref<10000x64xf32, #tpu.memory_space<vmem_shared>>) offsets(%dma_start3A_175 : memref<80xi32, #tpu.memory_space<vmem>>) semaphore(%run_scoped3A_169 : memref<!tpu.dma_semaphore, #tpu.memory_space<semaphore_mem>>) {add = true}
          %dma_wait3A_179 = arith.constant 80 : i32
          %dma_wait3A_180 = arith.constant 0 : i32
          %dma_wait3A_181 = tpu.memref_slice %arg7[%dma_wait3A_179, %dma_wait3A_180] : memref<400x64xf32, #tpu.memory_space<vmem>> -> memref<80x64xf32, #tpu.memory_space<vmem>>
          %dma_wait3A_182 = arith.constant 0 : i32
          %dma_wait3A_183 = tpu.memref_slice %arg5[%run_scoped3A_165, %dma_wait3A_182] : memref<5x80xi32, #tpu.memory_space<vmem>> -> memref<1x80xi32, #tpu.memory_space<vmem>>
          %dma_wait3A_184 = tpu.memref_squeeze %dma_wait3A_183 : memref<1x80xi32, #tpu.memory_space<vmem>> -> memref<80xi32, #tpu.memory_space<vmem>>
          %dma_wait3A_185 = arith.constant 0 : i32
          %dma_wait3A_186 = arith.constant 0 : i32
          %dma_wait3A_187 = tpu.memref_slice %arg9[%dma_wait3A_185, %dma_wait3A_186] : memref<10000x64xf32, #tpu.memory_space<vmem_shared>> -> memref<10000x64xf32, #tpu.memory_space<vmem_shared>>
          tpu.wait_indirect_dma semaphore(%run_scoped3A_169 : memref<!tpu.dma_semaphore, #tpu.memory_space<semaphore_mem>>) src(%dma_wait3A_181 : memref<80x64xf32, #tpu.memory_space<vmem>>) dst(%dma_wait3A_187 : memref<10000x64xf32, #tpu.memory_space<vmem_shared>>)
          tpu.yield
        }) : () -> ()
        %run_scoped3A_166 = arith.constant 2 : i32
        "tpu.region"() ({
          %run_scoped3A_169 = tpu.sem_alloc : memref<!tpu.dma_semaphore, #tpu.memory_space<semaphore_mem>>
          %dma_start3A_170 = arith.constant 160 : i32
          %dma_start3A_171 = arith.constant 0 : i32
          %dma_start3A_172 = tpu.memref_slice %arg7[%dma_start3A_170, %dma_start3A_171] : memref<400x64xf32, #tpu.memory_space<vmem>> -> memref<80x64xf32, #tpu.memory_space<vmem>>
          %dma_start3A_173 = arith.constant 0 : i32
          %dma_start3A_174 = tpu.memref_slice %arg5[%run_scoped3A_166, %dma_start3A_173] : memref<5x80xi32, #tpu.memory_space<vmem>> -> memref<1x80xi32, #tpu.memory_space<vmem>>
          %dma_start3A_175 = tpu.memref_squeeze %dma_start3A_174 : memref<1x80xi32, #tpu.memory_space<vmem>> -> memref<80xi32, #tpu.memory_space<vmem>>
          %dma_start3A_176 = arith.constant 0 : i32
          %dma_start3A_177 = arith.constant 0 : i32
          %dma_start3A_178 = tpu.memref_slice %arg9[%dma_start3A_176, %dma_start3A_177] : memref<10000x64xf32, #tpu.memory_space<vmem_shared>> -> memref<10000x64xf32, #tpu.memory_space<vmem_shared>>
          tpu.enqueue_indirect_dma source(%dma_start3A_172 : memref<80x64xf32, #tpu.memory_space<vmem>>) target(%dma_start3A_178 : memref<10000x64xf32, #tpu.memory_space<vmem_shared>>) offsets(%dma_start3A_175 : memref<80xi32, #tpu.memory_space<vmem>>) semaphore(%run_scoped3A_169 : memref<!tpu.dma_semaphore, #tpu.memory_space<semaphore_mem>>) {add = true}
          %dma_wait3A_179 = arith.constant 160 : i32
          %dma_wait3A_180 = arith.constant 0 : i32
          %dma_wait3A_181 = tpu.memref_slice %arg7[%dma_wait3A_179, %dma_wait3A_180] : memref<400x64xf32, #tpu.memory_space<vmem>> -> memref<80x64xf32, #tpu.memory_space<vmem>>
          %dma_wait3A_182 = arith.constant 0 : i32
          %dma_wait3A_183 = tpu.memref_slice %arg5[%run_scoped3A_166, %dma_wait3A_182] : memref<5x80xi32, #tpu.memory_space<vmem>> -> memref<1x80xi32, #tpu.memory_space<vmem>>
          %dma_wait3A_184 = tpu.memref_squeeze %dma_wait3A_183 : memref<1x80xi32, #tpu.memory_space<vmem>> -> memref<80xi32, #tpu.memory_space<vmem>>
          %dma_wait3A_185 = arith.constant 0 : i32
          %dma_wait3A_186 = arith.constant 0 : i32
          %dma_wait3A_187 = tpu.memref_slice %arg9[%dma_wait3A_185, %dma_wait3A_186] : memref<10000x64xf32, #tpu.memory_space<vmem_shared>> -> memref<10000x64xf32, #tpu.memory_space<vmem_shared>>
          tpu.wait_indirect_dma semaphore(%run_scoped3A_169 : memref<!tpu.dma_semaphore, #tpu.memory_space<semaphore_mem>>) src(%dma_wait3A_181 : memref<80x64xf32, #tpu.memory_space<vmem>>) dst(%dma_wait3A_187 : memref<10000x64xf32, #tpu.memory_space<vmem_shared>>)
          tpu.yield
        }) : () -> ()
        %run_scoped3A_167 = arith.constant 3 : i32
        "tpu.region"() ({
          %run_scoped3A_169 = tpu.sem_alloc : memref<!tpu.dma_semaphore, #tpu.memory_space<semaphore_mem>>
          %dma_start3A_170 = arith.constant 240 : i32
          %dma_start3A_171 = arith.constant 0 : i32
          %dma_start3A_172 = tpu.memref_slice %arg7[%dma_start3A_170, %dma_start3A_171] : memref<400x64xf32, #tpu.memory_space<vmem>> -> memref<80x64xf32, #tpu.memory_space<vmem>>
          %dma_start3A_173 = arith.constant 0 : i32
          %dma_start3A_174 = tpu.memref_slice %arg5[%run_scoped3A_167, %dma_start3A_173] : memref<5x80xi32, #tpu.memory_space<vmem>> -> memref<1x80xi32, #tpu.memory_space<vmem>>
          %dma_start3A_175 = tpu.memref_squeeze %dma_start3A_174 : memref<1x80xi32, #tpu.memory_space<vmem>> -> memref<80xi32, #tpu.memory_space<vmem>>
          %dma_start3A_176 = arith.constant 0 : i32
          %dma_start3A_177 = arith.constant 0 : i32
          %dma_start3A_178 = tpu.memref_slice %arg9[%dma_start3A_176, %dma_start3A_177] : memref<10000x64xf32, #tpu.memory_space<vmem_shared>> -> memref<10000x64xf32, #tpu.memory_space<vmem_shared>>
          tpu.enqueue_indirect_dma source(%dma_start3A_172 : memref<80x64xf32, #tpu.memory_space<vmem>>) target(%dma_start3A_178 : memref<10000x64xf32, #tpu.memory_space<vmem_shared>>) offsets(%dma_start3A_175 : memref<80xi32, #tpu.memory_space<vmem>>) semaphore(%run_scoped3A_169 : memref<!tpu.dma_semaphore, #tpu.memory_space<semaphore_mem>>) {add = true}
          %dma_wait3A_179 = arith.constant 240 : i32
          %dma_wait3A_180 = arith.constant 0 : i32
          %dma_wait3A_181 = tpu.memref_slice %arg7[%dma_wait3A_179, %dma_wait3A_180] : memref<400x64xf32, #tpu.memory_space<vmem>> -> memref<80x64xf32, #tpu.memory_space<vmem>>
          %dma_wait3A_182 = arith.constant 0 : i32
          %dma_wait3A_183 = tpu.memref_slice %arg5[%run_scoped3A_167, %dma_wait3A_182] : memref<5x80xi32, #tpu.memory_space<vmem>> -> memref<1x80xi32, #tpu.memory_space<vmem>>
          %dma_wait3A_184 = tpu.memref_squeeze %dma_wait3A_183 : memref<1x80xi32, #tpu.memory_space<vmem>> -> memref<80xi32, #tpu.memory_space<vmem>>
          %dma_wait3A_185 = arith.constant 0 : i32
          %dma_wait3A_186 = arith.constant 0 : i32
          %dma_wait3A_187 = tpu.memref_slice %arg9[%dma_wait3A_185, %dma_wait3A_186] : memref<10000x64xf32, #tpu.memory_space<vmem_shared>> -> memref<10000x64xf32, #tpu.memory_space<vmem_shared>>
          tpu.wait_indirect_dma semaphore(%run_scoped3A_169 : memref<!tpu.dma_semaphore, #tpu.memory_space<semaphore_mem>>) src(%dma_wait3A_181 : memref<80x64xf32, #tpu.memory_space<vmem>>) dst(%dma_wait3A_187 : memref<10000x64xf32, #tpu.memory_space<vmem_shared>>)
          tpu.yield
        }) : () -> ()
        %run_scoped3A_168 = arith.constant 4 : i32
        "tpu.region"() ({
          %run_scoped3A_169 = tpu.sem_alloc : memref<!tpu.dma_semaphore, #tpu.memory_space<semaphore_mem>>
          %dma_start3A_170 = arith.constant 320 : i32
          %dma_start3A_171 = arith.constant 0 : i32
          %dma_start3A_172 = tpu.memref_slice %arg7[%dma_start3A_170, %dma_start3A_171] : memref<400x64xf32, #tpu.memory_space<vmem>> -> memref<80x64xf32, #tpu.memory_space<vmem>>
          %dma_start3A_173 = arith.constant 0 : i32
          %dma_start3A_174 = tpu.memref_slice %arg5[%run_scoped3A_168, %dma_start3A_173] : memref<5x80xi32, #tpu.memory_space<vmem>> -> memref<1x80xi32, #tpu.memory_space<vmem>>
          %dma_start3A_175 = tpu.memref_squeeze %dma_start3A_174 : memref<1x80xi32, #tpu.memory_space<vmem>> -> memref<80xi32, #tpu.memory_space<vmem>>
          %dma_start3A_176 = arith.constant 0 : i32
          %dma_start3A_177 = arith.constant 0 : i32
          %dma_start3A_178 = tpu.memref_slice %arg9[%dma_start3A_176, %dma_start3A_177] : memref<10000x64xf32, #tpu.memory_space<vmem_shared>> -> memref<10000x64xf32, #tpu.memory_space<vmem_shared>>
          tpu.enqueue_indirect_dma source(%dma_start3A_172 : memref<80x64xf32, #tpu.memory_space<vmem>>) target(%dma_start3A_178 : memref<10000x64xf32, #tpu.memory_space<vmem_shared>>) offsets(%dma_start3A_175 : memref<80xi32, #tpu.memory_space<vmem>>) semaphore(%run_scoped3A_169 : memref<!tpu.dma_semaphore, #tpu.memory_space<semaphore_mem>>) {add = true}
          %dma_wait3A_179 = arith.constant 320 : i32
          %dma_wait3A_180 = arith.constant 0 : i32
          %dma_wait3A_181 = tpu.memref_slice %arg7[%dma_wait3A_179, %dma_wait3A_180] : memref<400x64xf32, #tpu.memory_space<vmem>> -> memref<80x64xf32, #tpu.memory_space<vmem>>
          %dma_wait3A_182 = arith.constant 0 : i32
          %dma_wait3A_183 = tpu.memref_slice %arg5[%run_scoped3A_168, %dma_wait3A_182] : memref<5x80xi32, #tpu.memory_space<vmem>> -> memref<1x80xi32, #tpu.memory_space<vmem>>
          %dma_wait3A_184 = tpu.memref_squeeze %dma_wait3A_183 : memref<1x80xi32, #tpu.memory_space<vmem>> -> memref<80xi32, #tpu.memory_space<vmem>>
          %dma_wait3A_185 = arith.constant 0 : i32
          %dma_wait3A_186 = arith.constant 0 : i32
          %dma_wait3A_187 = tpu.memref_slice %arg9[%dma_wait3A_185, %dma_wait3A_186] : memref<10000x64xf32, #tpu.memory_space<vmem_shared>> -> memref<10000x64xf32, #tpu.memory_space<vmem_shared>>
          tpu.wait_indirect_dma semaphore(%run_scoped3A_169 : memref<!tpu.dma_semaphore, #tpu.memory_space<semaphore_mem>>) src(%dma_wait3A_181 : memref<80x64xf32, #tpu.memory_space<vmem>>) dst(%dma_wait3A_187 : memref<10000x64xf32, #tpu.memory_space<vmem_shared>>)
          tpu.yield
        }) : () -> ()
      } else {
      }
      %eq3A_93 = arith.constant 1 : i32
      %eq3A_94 = arith.cmpi eq, %rem3A_90, %eq3A_93 : i32
      %convert_element_type3A_95 = arith.extui %eq3A_94 : i1 to i32
      %cond3A_96 = arith.constant 0 : i32
      %cond3A_97 = arith.cmpi ne, %convert_element_type3A_95, %cond3A_96 : i32
      scf.if %cond3A_97 {
        %mul3A_98 = arith.constant 400 : i32
        %mul3A_99 = arith.muli %scan3A_89, %mul3A_98 : i32
        %add3A_100 = arith.addi %add3A_14, %mul3A_99 : i32
        %dma_wait3A = arith.constant 0 : i32
        %dma_wait3A_101 = tpu.memref_slice %arg3[%add3A_100, %dma_wait3A] : memref<320000x64xf32, #tpu.memory_space<hbm>> -> memref<400x64xf32, #tpu.memory_space<hbm>>
        %dma_wait3A_102 = arith.constant 0 : i32
        %dma_wait3A_103 = tpu.memref_slice %arg3[%add3A_100, %dma_wait3A_102] : memref<320000x64xf32, #tpu.memory_space<hbm>> -> memref<400x64xf32, #tpu.memory_space<hbm>>
        tpu.wait_dma2 semaphore(%arg11 : memref<!tpu.dma_semaphore, #tpu.memory_space<semaphore_mem>>) src(%dma_wait3A_103 : memref<400x64xf32, #tpu.memory_space<hbm>>) dst(%arg8 : memref<400x64xf32, #tpu.memory_space<vmem>>)
        %add3A_104 = arith.constant 0 : i32
        %add3A_105 = arith.addi %add3A_100, %add3A_104 : i32
        %dma_wait3A_106 = arith.constant 0 : i32
        %dma_wait3A_107 = arith.constant 0 : i32
        %dma_wait3A_108 = tpu.memref_slice %arg6[%dma_wait3A_106, %dma_wait3A_107] : memref<5x80xi32, #tpu.memory_space<vmem>> -> memref<1x80xi32, #tpu.memory_space<vmem>>
        %dma_wait3A_109 = tpu.memref_squeeze %dma_wait3A_108 : memref<1x80xi32, #tpu.memory_space<vmem>> -> memref<80xi32, #tpu.memory_space<vmem>>
        %dma_wait3A_110 = tpu.memref_slice %arg2[%add3A_105] : memref<320000xi32, #tpu.memory_space<hbm>> -> memref<80xi32, #tpu.memory_space<hbm>>
        %dma_wait3A_111 = arith.constant 0 : i32
        %dma_wait3A_112 = tpu.memref_slice %arg6[%dma_wait3A_106, %dma_wait3A_111] : memref<5x80xi32, #tpu.memory_space<vmem>> -> memref<1x80xi32, #tpu.memory_space<vmem>>
        %dma_wait3A_113 = tpu.memref_squeeze %dma_wait3A_112 : memref<1x80xi32, #tpu.memory_space<vmem>> -> memref<80xi32, #tpu.memory_space<vmem>>
        %dma_wait3A_114 = tpu.memref_slice %arg2[%add3A_105] : memref<320000xi32, #tpu.memory_space<hbm>> -> memref<80xi32, #tpu.memory_space<hbm>>
        tpu.wait_dma2 semaphore(%arg11 : memref<!tpu.dma_semaphore, #tpu.memory_space<semaphore_mem>>) src(%dma_wait3A_114 : memref<80xi32, #tpu.memory_space<hbm>>) dst(%dma_wait3A_113 : memref<80xi32, #tpu.memory_space<vmem>>)
        %add3A_115 = arith.constant 80 : i32
        %add3A_116 = arith.addi %add3A_100, %add3A_115 : i32
        %dma_wait3A_117 = arith.constant 1 : i32
        %dma_wait3A_118 = arith.constant 0 : i32
        %dma_wait3A_119 = tpu.memref_slice %arg6[%dma_wait3A_117, %dma_wait3A_118] : memref<5x80xi32, #tpu.memory_space<vmem>> -> memref<1x80xi32, #tpu.memory_space<vmem>>
        %dma_wait3A_120 = tpu.memref_squeeze %dma_wait3A_119 : memref<1x80xi32, #tpu.memory_space<vmem>> -> memref<80xi32, #tpu.memory_space<vmem>>
        %dma_wait3A_121 = tpu.memref_slice %arg2[%add3A_116] : memref<320000xi32, #tpu.memory_space<hbm>> -> memref<80xi32, #tpu.memory_space<hbm>>
        %dma_wait3A_122 = arith.constant 0 : i32
        %dma_wait3A_123 = tpu.memref_slice %arg6[%dma_wait3A_117, %dma_wait3A_122] : memref<5x80xi32, #tpu.memory_space<vmem>> -> memref<1x80xi32, #tpu.memory_space<vmem>>
        %dma_wait3A_124 = tpu.memref_squeeze %dma_wait3A_123 : memref<1x80xi32, #tpu.memory_space<vmem>> -> memref<80xi32, #tpu.memory_space<vmem>>
        %dma_wait3A_125 = tpu.memref_slice %arg2[%add3A_116] : memref<320000xi32, #tpu.memory_space<hbm>> -> memref<80xi32, #tpu.memory_space<hbm>>
        tpu.wait_dma2 semaphore(%arg11 : memref<!tpu.dma_semaphore, #tpu.memory_space<semaphore_mem>>) src(%dma_wait3A_125 : memref<80xi32, #tpu.memory_space<hbm>>) dst(%dma_wait3A_124 : memref<80xi32, #tpu.memory_space<vmem>>)
        %add3A_126 = arith.constant 160 : i32
        %add3A_127 = arith.addi %add3A_100, %add3A_126 : i32
        %dma_wait3A_128 = arith.constant 2 : i32
        %dma_wait3A_129 = arith.constant 0 : i32
        %dma_wait3A_130 = tpu.memref_slice %arg6[%dma_wait3A_128, %dma_wait3A_129] : memref<5x80xi32, #tpu.memory_space<vmem>> -> memref<1x80xi32, #tpu.memory_space<vmem>>
        %dma_wait3A_131 = tpu.memref_squeeze %dma_wait3A_130 : memref<1x80xi32, #tpu.memory_space<vmem>> -> memref<80xi32, #tpu.memory_space<vmem>>
        %dma_wait3A_132 = tpu.memref_slice %arg2[%add3A_127] : memref<320000xi32, #tpu.memory_space<hbm>> -> memref<80xi32, #tpu.memory_space<hbm>>
        %dma_wait3A_133 = arith.constant 0 : i32
        %dma_wait3A_134 = tpu.memref_slice %arg6[%dma_wait3A_128, %dma_wait3A_133] : memref<5x80xi32, #tpu.memory_space<vmem>> -> memref<1x80xi32, #tpu.memory_space<vmem>>
        %dma_wait3A_135 = tpu.memref_squeeze %dma_wait3A_134 : memref<1x80xi32, #tpu.memory_space<vmem>> -> memref<80xi32, #tpu.memory_space<vmem>>
        %dma_wait3A_136 = tpu.memref_slice %arg2[%add3A_127] : memref<320000xi32, #tpu.memory_space<hbm>> -> memref<80xi32, #tpu.memory_space<hbm>>
        tpu.wait_dma2 semaphore(%arg11 : memref<!tpu.dma_semaphore, #tpu.memory_space<semaphore_mem>>) src(%dma_wait3A_136 : memref<80xi32, #tpu.memory_space<hbm>>) dst(%dma_wait3A_135 : memref<80xi32, #tpu.memory_space<vmem>>)
        %add3A_137 = arith.constant 240 : i32
        %add3A_138 = arith.addi %add3A_100, %add3A_137 : i32
        %dma_wait3A_139 = arith.constant 3 : i32
        %dma_wait3A_140 = arith.constant 0 : i32
        %dma_wait3A_141 = tpu.memref_slice %arg6[%dma_wait3A_139, %dma_wait3A_140] : memref<5x80xi32, #tpu.memory_space<vmem>> -> memref<1x80xi32, #tpu.memory_space<vmem>>
        %dma_wait3A_142 = tpu.memref_squeeze %dma_wait3A_141 : memref<1x80xi32, #tpu.memory_space<vmem>> -> memref<80xi32, #tpu.memory_space<vmem>>
        %dma_wait3A_143 = tpu.memref_slice %arg2[%add3A_138] : memref<320000xi32, #tpu.memory_space<hbm>> -> memref<80xi32, #tpu.memory_space<hbm>>
        %dma_wait3A_144 = arith.constant 0 : i32
        %dma_wait3A_145 = tpu.memref_slice %arg6[%dma_wait3A_139, %dma_wait3A_144] : memref<5x80xi32, #tpu.memory_space<vmem>> -> memref<1x80xi32, #tpu.memory_space<vmem>>
        %dma_wait3A_146 = tpu.memref_squeeze %dma_wait3A_145 : memref<1x80xi32, #tpu.memory_space<vmem>> -> memref<80xi32, #tpu.memory_space<vmem>>
        %dma_wait3A_147 = tpu.memref_slice %arg2[%add3A_138] : memref<320000xi32, #tpu.memory_space<hbm>> -> memref<80xi32, #tpu.memory_space<hbm>>
        tpu.wait_dma2 semaphore(%arg11 : memref<!tpu.dma_semaphore, #tpu.memory_space<semaphore_mem>>) src(%dma_wait3A_147 : memref<80xi32, #tpu.memory_space<hbm>>) dst(%dma_wait3A_146 : memref<80xi32, #tpu.memory_space<vmem>>)
        %add3A_148 = arith.constant 320 : i32
        %add3A_149 = arith.addi %add3A_100, %add3A_148 : i32
        %dma_wait3A_150 = arith.constant 4 : i32
        %dma_wait3A_151 = arith.constant 0 : i32
        %dma_wait3A_152 = tpu.memref_slice %arg6[%dma_wait3A_150, %dma_wait3A_151] : memref<5x80xi32, #tpu.memory_space<vmem>> -> memref<1x80xi32, #tpu.memory_space<vmem>>
        %dma_wait3A_153 = tpu.memref_squeeze %dma_wait3A_152 : memref<1x80xi32, #tpu.memory_space<vmem>> -> memref<80xi32, #tpu.memory_space<vmem>>
        %dma_wait3A_154 = tpu.memref_slice %arg2[%add3A_149] : memref<320000xi32, #tpu.memory_space<hbm>> -> memref<80xi32, #tpu.memory_space<hbm>>
        %dma_wait3A_155 = arith.constant 0 : i32
        %dma_wait3A_156 = tpu.memref_slice %arg6[%dma_wait3A_150, %dma_wait3A_155] : memref<5x80xi32, #tpu.memory_space<vmem>> -> memref<1x80xi32, #tpu.memory_space<vmem>>
        %dma_wait3A_157 = tpu.memref_squeeze %dma_wait3A_156 : memref<1x80xi32, #tpu.memory_space<vmem>> -> memref<80xi32, #tpu.memory_space<vmem>>
        %dma_wait3A_158 = tpu.memref_slice %arg2[%add3A_149] : memref<320000xi32, #tpu.memory_space<hbm>> -> memref<80xi32, #tpu.memory_space<hbm>>
        tpu.wait_dma2 semaphore(%arg11 : memref<!tpu.dma_semaphore, #tpu.memory_space<semaphore_mem>>) src(%dma_wait3A_158 : memref<80xi32, #tpu.memory_space<hbm>>) dst(%dma_wait3A_157 : memref<80xi32, #tpu.memory_space<vmem>>)
        %add3A_159 = arith.constant 1 : i32
        %add3A_160 = arith.addi %scan3A_89, %add3A_159 : i32
        %lt3A = arith.constant 25 : i32
        %lt3A_161 = arith.cmpi slt, %add3A_160, %lt3A : i32
        %convert_element_type3A_162 = arith.extui %lt3A_161 : i1 to i32
        %cond3A_163 = arith.constant 0 : i32
        %cond3A_164 = arith.cmpi ne, %convert_element_type3A_162, %cond3A_163 : i32
        scf.if %cond3A_164 {
          %add3A_169 = arith.constant 1 : i32
          %add3A_170 = arith.addi %scan3A_89, %add3A_169 : i32
          %mul3A_171 = arith.constant 400 : i32
          %mul3A_172 = arith.muli %add3A_170, %mul3A_171 : i32
          %add3A_173 = arith.addi %add3A_14, %mul3A_172 : i32
          %dma_start3A_174 = arith.constant 0 : i32
          %dma_start3A_175 = tpu.memref_slice %arg3[%add3A_173, %dma_start3A_174] : memref<320000x64xf32, #tpu.memory_space<hbm>> -> memref<400x64xf32, #tpu.memory_space<hbm>>
          %dma_start3A_176 = arith.constant 0 : i32
          %dma_start3A_177 = tpu.memref_slice %arg3[%add3A_173, %dma_start3A_176] : memref<320000x64xf32, #tpu.memory_space<hbm>> -> memref<400x64xf32, #tpu.memory_space<hbm>>
          tpu.enqueue_dma source(%dma_start3A_177 : memref<400x64xf32, #tpu.memory_space<hbm>>) target(%arg7 : memref<400x64xf32, #tpu.memory_space<vmem>>) target_semaphore(%arg10 : memref<!tpu.dma_semaphore, #tpu.memory_space<semaphore_mem>>)
          %add3A_178 = arith.constant 0 : i32
          %add3A_179 = arith.addi %add3A_173, %add3A_178 : i32
          %dma_start3A_180 = arith.constant 0 : i32
          %dma_start3A_181 = arith.constant 0 : i32
          %dma_start3A_182 = tpu.memref_slice %arg5[%dma_start3A_180, %dma_start3A_181] : memref<5x80xi32, #tpu.memory_space<vmem>> -> memref<1x80xi32, #tpu.memory_space<vmem>>
          %dma_start3A_183 = tpu.memref_squeeze %dma_start3A_182 : memref<1x80xi32, #tpu.memory_space<vmem>> -> memref<80xi32, #tpu.memory_space<vmem>>
          %dma_start3A_184 = tpu.memref_slice %arg2[%add3A_179] : memref<320000xi32, #tpu.memory_space<hbm>> -> memref<80xi32, #tpu.memory_space<hbm>>
          %dma_start3A_185 = arith.constant 0 : i32
          %dma_start3A_186 = tpu.memref_slice %arg5[%dma_start3A_180, %dma_start3A_185] : memref<5x80xi32, #tpu.memory_space<vmem>> -> memref<1x80xi32, #tpu.memory_space<vmem>>
          %dma_start3A_187 = tpu.memref_squeeze %dma_start3A_186 : memref<1x80xi32, #tpu.memory_space<vmem>> -> memref<80xi32, #tpu.memory_space<vmem>>
          %dma_start3A_188 = tpu.memref_slice %arg2[%add3A_179] : memref<320000xi32, #tpu.memory_space<hbm>> -> memref<80xi32, #tpu.memory_space<hbm>>
          tpu.enqueue_dma source(%dma_start3A_188 : memref<80xi32, #tpu.memory_space<hbm>>) target(%dma_start3A_187 : memref<80xi32, #tpu.memory_space<vmem>>) target_semaphore(%arg10 : memref<!tpu.dma_semaphore, #tpu.memory_space<semaphore_mem>>)
          %add3A_189 = arith.constant 80 : i32
          %add3A_190 = arith.addi %add3A_173, %add3A_189 : i32
          %dma_start3A_191 = arith.constant 1 : i32
          %dma_start3A_192 = arith.constant 0 : i32
          %dma_start3A_193 = tpu.memref_slice %arg5[%dma_start3A_191, %dma_start3A_192] : memref<5x80xi32, #tpu.memory_space<vmem>> -> memref<1x80xi32, #tpu.memory_space<vmem>>
          %dma_start3A_194 = tpu.memref_squeeze %dma_start3A_193 : memref<1x80xi32, #tpu.memory_space<vmem>> -> memref<80xi32, #tpu.memory_space<vmem>>
          %dma_start3A_195 = tpu.memref_slice %arg2[%add3A_190] : memref<320000xi32, #tpu.memory_space<hbm>> -> memref<80xi32, #tpu.memory_space<hbm>>
          %dma_start3A_196 = arith.constant 0 : i32
          %dma_start3A_197 = tpu.memref_slice %arg5[%dma_start3A_191, %dma_start3A_196] : memref<5x80xi32, #tpu.memory_space<vmem>> -> memref<1x80xi32, #tpu.memory_space<vmem>>
          %dma_start3A_198 = tpu.memref_squeeze %dma_start3A_197 : memref<1x80xi32, #tpu.memory_space<vmem>> -> memref<80xi32, #tpu.memory_space<vmem>>
          %dma_start3A_199 = tpu.memref_slice %arg2[%add3A_190] : memref<320000xi32, #tpu.memory_space<hbm>> -> memref<80xi32, #tpu.memory_space<hbm>>
          tpu.enqueue_dma source(%dma_start3A_199 : memref<80xi32, #tpu.memory_space<hbm>>) target(%dma_start3A_198 : memref<80xi32, #tpu.memory_space<vmem>>) target_semaphore(%arg10 : memref<!tpu.dma_semaphore, #tpu.memory_space<semaphore_mem>>)
          %add3A_200 = arith.constant 160 : i32
          %add3A_201 = arith.addi %add3A_173, %add3A_200 : i32
          %dma_start3A_202 = arith.constant 2 : i32
          %dma_start3A_203 = arith.constant 0 : i32
          %dma_start3A_204 = tpu.memref_slice %arg5[%dma_start3A_202, %dma_start3A_203] : memref<5x80xi32, #tpu.memory_space<vmem>> -> memref<1x80xi32, #tpu.memory_space<vmem>>
          %dma_start3A_205 = tpu.memref_squeeze %dma_start3A_204 : memref<1x80xi32, #tpu.memory_space<vmem>> -> memref<80xi32, #tpu.memory_space<vmem>>
          %dma_start3A_206 = tpu.memref_slice %arg2[%add3A_201] : memref<320000xi32, #tpu.memory_space<hbm>> -> memref<80xi32, #tpu.memory_space<hbm>>
          %dma_start3A_207 = arith.constant 0 : i32
          %dma_start3A_208 = tpu.memref_slice %arg5[%dma_start3A_202, %dma_start3A_207] : memref<5x80xi32, #tpu.memory_space<vmem>> -> memref<1x80xi32, #tpu.memory_space<vmem>>
          %dma_start3A_209 = tpu.memref_squeeze %dma_start3A_208 : memref<1x80xi32, #tpu.memory_space<vmem>> -> memref<80xi32, #tpu.memory_space<vmem>>
          %dma_start3A_210 = tpu.memref_slice %arg2[%add3A_201] : memref<320000xi32, #tpu.memory_space<hbm>> -> memref<80xi32, #tpu.memory_space<hbm>>
          tpu.enqueue_dma source(%dma_start3A_210 : memref<80xi32, #tpu.memory_space<hbm>>) target(%dma_start3A_209 : memref<80xi32, #tpu.memory_space<vmem>>) target_semaphore(%arg10 : memref<!tpu.dma_semaphore, #tpu.memory_space<semaphore_mem>>)
          %add3A_211 = arith.constant 240 : i32
          %add3A_212 = arith.addi %add3A_173, %add3A_211 : i32
          %dma_start3A_213 = arith.constant 3 : i32
          %dma_start3A_214 = arith.constant 0 : i32
          %dma_start3A_215 = tpu.memref_slice %arg5[%dma_start3A_213, %dma_start3A_214] : memref<5x80xi32, #tpu.memory_space<vmem>> -> memref<1x80xi32, #tpu.memory_space<vmem>>
          %dma_start3A_216 = tpu.memref_squeeze %dma_start3A_215 : memref<1x80xi32, #tpu.memory_space<vmem>> -> memref<80xi32, #tpu.memory_space<vmem>>
          %dma_start3A_217 = tpu.memref_slice %arg2[%add3A_212] : memref<320000xi32, #tpu.memory_space<hbm>> -> memref<80xi32, #tpu.memory_space<hbm>>
          %dma_start3A_218 = arith.constant 0 : i32
          %dma_start3A_219 = tpu.memref_slice %arg5[%dma_start3A_213, %dma_start3A_218] : memref<5x80xi32, #tpu.memory_space<vmem>> -> memref<1x80xi32, #tpu.memory_space<vmem>>
          %dma_start3A_220 = tpu.memref_squeeze %dma_start3A_219 : memref<1x80xi32, #tpu.memory_space<vmem>> -> memref<80xi32, #tpu.memory_space<vmem>>
          %dma_start3A_221 = tpu.memref_slice %arg2[%add3A_212] : memref<320000xi32, #tpu.memory_space<hbm>> -> memref<80xi32, #tpu.memory_space<hbm>>
          tpu.enqueue_dma source(%dma_start3A_221 : memref<80xi32, #tpu.memory_space<hbm>>) target(%dma_start3A_220 : memref<80xi32, #tpu.memory_space<vmem>>) target_semaphore(%arg10 : memref<!tpu.dma_semaphore, #tpu.memory_space<semaphore_mem>>)
          %add3A_222 = arith.constant 320 : i32
          %add3A_223 = arith.addi %add3A_173, %add3A_222 : i32
          %dma_start3A_224 = arith.constant 4 : i32
          %dma_start3A_225 = arith.constant 0 : i32
          %dma_start3A_226 = tpu.memref_slice %arg5[%dma_start3A_224, %dma_start3A_225] : memref<5x80xi32, #tpu.memory_space<vmem>> -> memref<1x80xi32, #tpu.memory_space<vmem>>
          %dma_start3A_227 = tpu.memref_squeeze %dma_start3A_226 : memref<1x80xi32, #tpu.memory_space<vmem>> -> memref<80xi32, #tpu.memory_space<vmem>>
          %dma_start3A_228 = tpu.memref_slice %arg2[%add3A_223] : memref<320000xi32, #tpu.memory_space<hbm>> -> memref<80xi32, #tpu.memory_space<hbm>>
          %dma_start3A_229 = arith.constant 0 : i32
          %dma_start3A_230 = tpu.memref_slice %arg5[%dma_start3A_224, %dma_start3A_229] : memref<5x80xi32, #tpu.memory_space<vmem>> -> memref<1x80xi32, #tpu.memory_space<vmem>>
          %dma_start3A_231 = tpu.memref_squeeze %dma_start3A_230 : memref<1x80xi32, #tpu.memory_space<vmem>> -> memref<80xi32, #tpu.memory_space<vmem>>
          %dma_start3A_232 = tpu.memref_slice %arg2[%add3A_223] : memref<320000xi32, #tpu.memory_space<hbm>> -> memref<80xi32, #tpu.memory_space<hbm>>
          tpu.enqueue_dma source(%dma_start3A_232 : memref<80xi32, #tpu.memory_space<hbm>>) target(%dma_start3A_231 : memref<80xi32, #tpu.memory_space<vmem>>) target_semaphore(%arg10 : memref<!tpu.dma_semaphore, #tpu.memory_space<semaphore_mem>>)
        } else {
        }
        %run_scoped3A = arith.constant 0 : i32
        "tpu.region"() ({
          %run_scoped3A_169 = tpu.sem_alloc : memref<!tpu.dma_semaphore, #tpu.memory_space<semaphore_mem>>
          %dma_start3A_170 = arith.constant 0 : i32
          %dma_start3A_171 = arith.constant 0 : i32
          %dma_start3A_172 = tpu.memref_slice %arg8[%dma_start3A_170, %dma_start3A_171] : memref<400x64xf32, #tpu.memory_space<vmem>> -> memref<80x64xf32, #tpu.memory_space<vmem>>
          %dma_start3A_173 = arith.constant 0 : i32
          %dma_start3A_174 = tpu.memref_slice %arg6[%run_scoped3A, %dma_start3A_173] : memref<5x80xi32, #tpu.memory_space<vmem>> -> memref<1x80xi32, #tpu.memory_space<vmem>>
          %dma_start3A_175 = tpu.memref_squeeze %dma_start3A_174 : memref<1x80xi32, #tpu.memory_space<vmem>> -> memref<80xi32, #tpu.memory_space<vmem>>
          %dma_start3A_176 = arith.constant 0 : i32
          %dma_start3A_177 = arith.constant 0 : i32
          %dma_start3A_178 = tpu.memref_slice %arg9[%dma_start3A_176, %dma_start3A_177] : memref<10000x64xf32, #tpu.memory_space<vmem_shared>> -> memref<10000x64xf32, #tpu.memory_space<vmem_shared>>
          tpu.enqueue_indirect_dma source(%dma_start3A_172 : memref<80x64xf32, #tpu.memory_space<vmem>>) target(%dma_start3A_178 : memref<10000x64xf32, #tpu.memory_space<vmem_shared>>) offsets(%dma_start3A_175 : memref<80xi32, #tpu.memory_space<vmem>>) semaphore(%run_scoped3A_169 : memref<!tpu.dma_semaphore, #tpu.memory_space<semaphore_mem>>) {add = true}
          %dma_wait3A_179 = arith.constant 0 : i32
          %dma_wait3A_180 = arith.constant 0 : i32
          %dma_wait3A_181 = tpu.memref_slice %arg8[%dma_wait3A_179, %dma_wait3A_180] : memref<400x64xf32, #tpu.memory_space<vmem>> -> memref<80x64xf32, #tpu.memory_space<vmem>>
          %dma_wait3A_182 = arith.constant 0 : i32
          %dma_wait3A_183 = tpu.memref_slice %arg6[%run_scoped3A, %dma_wait3A_182] : memref<5x80xi32, #tpu.memory_space<vmem>> -> memref<1x80xi32, #tpu.memory_space<vmem>>
          %dma_wait3A_184 = tpu.memref_squeeze %dma_wait3A_183 : memref<1x80xi32, #tpu.memory_space<vmem>> -> memref<80xi32, #tpu.memory_space<vmem>>
          %dma_wait3A_185 = arith.constant 0 : i32
          %dma_wait3A_186 = arith.constant 0 : i32
          %dma_wait3A_187 = tpu.memref_slice %arg9[%dma_wait3A_185, %dma_wait3A_186] : memref<10000x64xf32, #tpu.memory_space<vmem_shared>> -> memref<10000x64xf32, #tpu.memory_space<vmem_shared>>
          tpu.wait_indirect_dma semaphore(%run_scoped3A_169 : memref<!tpu.dma_semaphore, #tpu.memory_space<semaphore_mem>>) src(%dma_wait3A_181 : memref<80x64xf32, #tpu.memory_space<vmem>>) dst(%dma_wait3A_187 : memref<10000x64xf32, #tpu.memory_space<vmem_shared>>)
          tpu.yield
        }) : () -> ()
        %run_scoped3A_165 = arith.constant 1 : i32
        "tpu.region"() ({
          %run_scoped3A_169 = tpu.sem_alloc : memref<!tpu.dma_semaphore, #tpu.memory_space<semaphore_mem>>
          %dma_start3A_170 = arith.constant 80 : i32
          %dma_start3A_171 = arith.constant 0 : i32
          %dma_start3A_172 = tpu.memref_slice %arg8[%dma_start3A_170, %dma_start3A_171] : memref<400x64xf32, #tpu.memory_space<vmem>> -> memref<80x64xf32, #tpu.memory_space<vmem>>
          %dma_start3A_173 = arith.constant 0 : i32
          %dma_start3A_174 = tpu.memref_slice %arg6[%run_scoped3A_165, %dma_start3A_173] : memref<5x80xi32, #tpu.memory_space<vmem>> -> memref<1x80xi32, #tpu.memory_space<vmem>>
          %dma_start3A_175 = tpu.memref_squeeze %dma_start3A_174 : memref<1x80xi32, #tpu.memory_space<vmem>> -> memref<80xi32, #tpu.memory_space<vmem>>
          %dma_start3A_176 = arith.constant 0 : i32
          %dma_start3A_177 = arith.constant 0 : i32
          %dma_start3A_178 = tpu.memref_slice %arg9[%dma_start3A_176, %dma_start3A_177] : memref<10000x64xf32, #tpu.memory_space<vmem_shared>> -> memref<10000x64xf32, #tpu.memory_space<vmem_shared>>
          tpu.enqueue_indirect_dma source(%dma_start3A_172 : memref<80x64xf32, #tpu.memory_space<vmem>>) target(%dma_start3A_178 : memref<10000x64xf32, #tpu.memory_space<vmem_shared>>) offsets(%dma_start3A_175 : memref<80xi32, #tpu.memory_space<vmem>>) semaphore(%run_scoped3A_169 : memref<!tpu.dma_semaphore, #tpu.memory_space<semaphore_mem>>) {add = true}
          %dma_wait3A_179 = arith.constant 80 : i32
          %dma_wait3A_180 = arith.constant 0 : i32
          %dma_wait3A_181 = tpu.memref_slice %arg8[%dma_wait3A_179, %dma_wait3A_180] : memref<400x64xf32, #tpu.memory_space<vmem>> -> memref<80x64xf32, #tpu.memory_space<vmem>>
          %dma_wait3A_182 = arith.constant 0 : i32
          %dma_wait3A_183 = tpu.memref_slice %arg6[%run_scoped3A_165, %dma_wait3A_182] : memref<5x80xi32, #tpu.memory_space<vmem>> -> memref<1x80xi32, #tpu.memory_space<vmem>>
          %dma_wait3A_184 = tpu.memref_squeeze %dma_wait3A_183 : memref<1x80xi32, #tpu.memory_space<vmem>> -> memref<80xi32, #tpu.memory_space<vmem>>
          %dma_wait3A_185 = arith.constant 0 : i32
          %dma_wait3A_186 = arith.constant 0 : i32
          %dma_wait3A_187 = tpu.memref_slice %arg9[%dma_wait3A_185, %dma_wait3A_186] : memref<10000x64xf32, #tpu.memory_space<vmem_shared>> -> memref<10000x64xf32, #tpu.memory_space<vmem_shared>>
          tpu.wait_indirect_dma semaphore(%run_scoped3A_169 : memref<!tpu.dma_semaphore, #tpu.memory_space<semaphore_mem>>) src(%dma_wait3A_181 : memref<80x64xf32, #tpu.memory_space<vmem>>) dst(%dma_wait3A_187 : memref<10000x64xf32, #tpu.memory_space<vmem_shared>>)
          tpu.yield
        }) : () -> ()
        %run_scoped3A_166 = arith.constant 2 : i32
        "tpu.region"() ({
          %run_scoped3A_169 = tpu.sem_alloc : memref<!tpu.dma_semaphore, #tpu.memory_space<semaphore_mem>>
          %dma_start3A_170 = arith.constant 160 : i32
          %dma_start3A_171 = arith.constant 0 : i32
          %dma_start3A_172 = tpu.memref_slice %arg8[%dma_start3A_170, %dma_start3A_171] : memref<400x64xf32, #tpu.memory_space<vmem>> -> memref<80x64xf32, #tpu.memory_space<vmem>>
          %dma_start3A_173 = arith.constant 0 : i32
          %dma_start3A_174 = tpu.memref_slice %arg6[%run_scoped3A_166, %dma_start3A_173] : memref<5x80xi32, #tpu.memory_space<vmem>> -> memref<1x80xi32, #tpu.memory_space<vmem>>
          %dma_start3A_175 = tpu.memref_squeeze %dma_start3A_174 : memref<1x80xi32, #tpu.memory_space<vmem>> -> memref<80xi32, #tpu.memory_space<vmem>>
          %dma_start3A_176 = arith.constant 0 : i32
          %dma_start3A_177 = arith.constant 0 : i32
          %dma_start3A_178 = tpu.memref_slice %arg9[%dma_start3A_176, %dma_start3A_177] : memref<10000x64xf32, #tpu.memory_space<vmem_shared>> -> memref<10000x64xf32, #tpu.memory_space<vmem_shared>>
          tpu.enqueue_indirect_dma source(%dma_start3A_172 : memref<80x64xf32, #tpu.memory_space<vmem>>) target(%dma_start3A_178 : memref<10000x64xf32, #tpu.memory_space<vmem_shared>>) offsets(%dma_start3A_175 : memref<80xi32, #tpu.memory_space<vmem>>) semaphore(%run_scoped3A_169 : memref<!tpu.dma_semaphore, #tpu.memory_space<semaphore_mem>>) {add = true}
          %dma_wait3A_179 = arith.constant 160 : i32
          %dma_wait3A_180 = arith.constant 0 : i32
          %dma_wait3A_181 = tpu.memref_slice %arg8[%dma_wait3A_179, %dma_wait3A_180] : memref<400x64xf32, #tpu.memory_space<vmem>> -> memref<80x64xf32, #tpu.memory_space<vmem>>
          %dma_wait3A_182 = arith.constant 0 : i32
          %dma_wait3A_183 = tpu.memref_slice %arg6[%run_scoped3A_166, %dma_wait3A_182] : memref<5x80xi32, #tpu.memory_space<vmem>> -> memref<1x80xi32, #tpu.memory_space<vmem>>
          %dma_wait3A_184 = tpu.memref_squeeze %dma_wait3A_183 : memref<1x80xi32, #tpu.memory_space<vmem>> -> memref<80xi32, #tpu.memory_space<vmem>>
          %dma_wait3A_185 = arith.constant 0 : i32
          %dma_wait3A_186 = arith.constant 0 : i32
          %dma_wait3A_187 = tpu.memref_slice %arg9[%dma_wait3A_185, %dma_wait3A_186] : memref<10000x64xf32, #tpu.memory_space<vmem_shared>> -> memref<10000x64xf32, #tpu.memory_space<vmem_shared>>
          tpu.wait_indirect_dma semaphore(%run_scoped3A_169 : memref<!tpu.dma_semaphore, #tpu.memory_space<semaphore_mem>>) src(%dma_wait3A_181 : memref<80x64xf32, #tpu.memory_space<vmem>>) dst(%dma_wait3A_187 : memref<10000x64xf32, #tpu.memory_space<vmem_shared>>)
          tpu.yield
        }) : () -> ()
        %run_scoped3A_167 = arith.constant 3 : i32
        "tpu.region"() ({
          %run_scoped3A_169 = tpu.sem_alloc : memref<!tpu.dma_semaphore, #tpu.memory_space<semaphore_mem>>
          %dma_start3A_170 = arith.constant 240 : i32
          %dma_start3A_171 = arith.constant 0 : i32
          %dma_start3A_172 = tpu.memref_slice %arg8[%dma_start3A_170, %dma_start3A_171] : memref<400x64xf32, #tpu.memory_space<vmem>> -> memref<80x64xf32, #tpu.memory_space<vmem>>
          %dma_start3A_173 = arith.constant 0 : i32
          %dma_start3A_174 = tpu.memref_slice %arg6[%run_scoped3A_167, %dma_start3A_173] : memref<5x80xi32, #tpu.memory_space<vmem>> -> memref<1x80xi32, #tpu.memory_space<vmem>>
          %dma_start3A_175 = tpu.memref_squeeze %dma_start3A_174 : memref<1x80xi32, #tpu.memory_space<vmem>> -> memref<80xi32, #tpu.memory_space<vmem>>
          %dma_start3A_176 = arith.constant 0 : i32
          %dma_start3A_177 = arith.constant 0 : i32
          %dma_start3A_178 = tpu.memref_slice %arg9[%dma_start3A_176, %dma_start3A_177] : memref<10000x64xf32, #tpu.memory_space<vmem_shared>> -> memref<10000x64xf32, #tpu.memory_space<vmem_shared>>
          tpu.enqueue_indirect_dma source(%dma_start3A_172 : memref<80x64xf32, #tpu.memory_space<vmem>>) target(%dma_start3A_178 : memref<10000x64xf32, #tpu.memory_space<vmem_shared>>) offsets(%dma_start3A_175 : memref<80xi32, #tpu.memory_space<vmem>>) semaphore(%run_scoped3A_169 : memref<!tpu.dma_semaphore, #tpu.memory_space<semaphore_mem>>) {add = true}
          %dma_wait3A_179 = arith.constant 240 : i32
          %dma_wait3A_180 = arith.constant 0 : i32
          %dma_wait3A_181 = tpu.memref_slice %arg8[%dma_wait3A_179, %dma_wait3A_180] : memref<400x64xf32, #tpu.memory_space<vmem>> -> memref<80x64xf32, #tpu.memory_space<vmem>>
          %dma_wait3A_182 = arith.constant 0 : i32
          %dma_wait3A_183 = tpu.memref_slice %arg6[%run_scoped3A_167, %dma_wait3A_182] : memref<5x80xi32, #tpu.memory_space<vmem>> -> memref<1x80xi32, #tpu.memory_space<vmem>>
          %dma_wait3A_184 = tpu.memref_squeeze %dma_wait3A_183 : memref<1x80xi32, #tpu.memory_space<vmem>> -> memref<80xi32, #tpu.memory_space<vmem>>
          %dma_wait3A_185 = arith.constant 0 : i32
          %dma_wait3A_186 = arith.constant 0 : i32
          %dma_wait3A_187 = tpu.memref_slice %arg9[%dma_wait3A_185, %dma_wait3A_186] : memref<10000x64xf32, #tpu.memory_space<vmem_shared>> -> memref<10000x64xf32, #tpu.memory_space<vmem_shared>>
          tpu.wait_indirect_dma semaphore(%run_scoped3A_169 : memref<!tpu.dma_semaphore, #tpu.memory_space<semaphore_mem>>) src(%dma_wait3A_181 : memref<80x64xf32, #tpu.memory_space<vmem>>) dst(%dma_wait3A_187 : memref<10000x64xf32, #tpu.memory_space<vmem_shared>>)
          tpu.yield
        }) : () -> ()
        %run_scoped3A_168 = arith.constant 4 : i32
        "tpu.region"() ({
          %run_scoped3A_169 = tpu.sem_alloc : memref<!tpu.dma_semaphore, #tpu.memory_space<semaphore_mem>>
          %dma_start3A_170 = arith.constant 320 : i32
          %dma_start3A_171 = arith.constant 0 : i32
          %dma_start3A_172 = tpu.memref_slice %arg8[%dma_start3A_170, %dma_start3A_171] : memref<400x64xf32, #tpu.memory_space<vmem>> -> memref<80x64xf32, #tpu.memory_space<vmem>>
          %dma_start3A_173 = arith.constant 0 : i32
          %dma_start3A_174 = tpu.memref_slice %arg6[%run_scoped3A_168, %dma_start3A_173] : memref<5x80xi32, #tpu.memory_space<vmem>> -> memref<1x80xi32, #tpu.memory_space<vmem>>
          %dma_start3A_175 = tpu.memref_squeeze %dma_start3A_174 : memref<1x80xi32, #tpu.memory_space<vmem>> -> memref<80xi32, #tpu.memory_space<vmem>>
          %dma_start3A_176 = arith.constant 0 : i32
          %dma_start3A_177 = arith.constant 0 : i32
          %dma_start3A_178 = tpu.memref_slice %arg9[%dma_start3A_176, %dma_start3A_177] : memref<10000x64xf32, #tpu.memory_space<vmem_shared>> -> memref<10000x64xf32, #tpu.memory_space<vmem_shared>>
          tpu.enqueue_indirect_dma source(%dma_start3A_172 : memref<80x64xf32, #tpu.memory_space<vmem>>) target(%dma_start3A_178 : memref<10000x64xf32, #tpu.memory_space<vmem_shared>>) offsets(%dma_start3A_175 : memref<80xi32, #tpu.memory_space<vmem>>) semaphore(%run_scoped3A_169 : memref<!tpu.dma_semaphore, #tpu.memory_space<semaphore_mem>>) {add = true}
          %dma_wait3A_179 = arith.constant 320 : i32
          %dma_wait3A_180 = arith.constant 0 : i32
          %dma_wait3A_181 = tpu.memref_slice %arg8[%dma_wait3A_179, %dma_wait3A_180] : memref<400x64xf32, #tpu.memory_space<vmem>> -> memref<80x64xf32, #tpu.memory_space<vmem>>
          %dma_wait3A_182 = arith.constant 0 : i32
          %dma_wait3A_183 = tpu.memref_slice %arg6[%run_scoped3A_168, %dma_wait3A_182] : memref<5x80xi32, #tpu.memory_space<vmem>> -> memref<1x80xi32, #tpu.memory_space<vmem>>
          %dma_wait3A_184 = tpu.memref_squeeze %dma_wait3A_183 : memref<1x80xi32, #tpu.memory_space<vmem>> -> memref<80xi32, #tpu.memory_space<vmem>>
          %dma_wait3A_185 = arith.constant 0 : i32
          %dma_wait3A_186 = arith.constant 0 : i32
          %dma_wait3A_187 = tpu.memref_slice %arg9[%dma_wait3A_185, %dma_wait3A_186] : memref<10000x64xf32, #tpu.memory_space<vmem_shared>> -> memref<10000x64xf32, #tpu.memory_space<vmem_shared>>
          tpu.wait_indirect_dma semaphore(%run_scoped3A_169 : memref<!tpu.dma_semaphore, #tpu.memory_space<semaphore_mem>>) src(%dma_wait3A_181 : memref<80x64xf32, #tpu.memory_space<vmem>>) dst(%dma_wait3A_187 : memref<10000x64xf32, #tpu.memory_space<vmem_shared>>)
          tpu.yield
        }) : () -> ()
      } else {
      }
    }
    %scan3A_80 = arith.constant 25 : i32
    %barrier3A_81 = arith.constant 0 : index
    tpu.barrier barrier_id(%barrier3A_81)
    %mul3A_82 = arith.constant 625 : i32
    %mul3A_83 = arith.muli %arg1, %mul3A_82 : i32
    %mul3A_84 = arith.constant 10000 : i32
    %mul3A_85 = arith.muli %arg0, %mul3A_84 : i32
    %mul3A_86 = arith.constant 625 : i32
    %mul3A_87 = arith.muli %arg1, %mul3A_86 : i32
    %add3A_88 = arith.addi %mul3A_85, %mul3A_87 : i32
    "tpu.region"() ({
      %run_scoped3A = tpu.sem_alloc : memref<!tpu.dma_semaphore, #tpu.memory_space<semaphore_mem>>
      %dma_start3A_89 = arith.constant 0 : i32
      %dma_start3A_90 = tpu.memref_slice %arg4[%add3A_88, %dma_start3A_89] : memref<20000x64xf32, #tpu.memory_space<hbm>> -> memref<625x64xf32, #tpu.memory_space<hbm>>
      %dma_start3A_91 = arith.constant 0 : i32
      %dma_start3A_92 = tpu.memref_slice %arg9[%mul3A_83, %dma_start3A_91] : memref<10000x64xf32, #tpu.memory_space<vmem_shared>> -> memref<625x64xf32, #tpu.memory_space<vmem_shared>>
      tpu.enqueue_dma source(%dma_start3A_92 : memref<625x64xf32, #tpu.memory_space<vmem_shared>>) target(%dma_start3A_90 : memref<625x64xf32, #tpu.memory_space<hbm>>) target_semaphore(%run_scoped3A : memref<!tpu.dma_semaphore, #tpu.memory_space<semaphore_mem>>)
      %dma_wait3A = arith.constant 0 : i32
      %dma_wait3A_93 = tpu.memref_slice %arg4[%add3A_88, %dma_wait3A] : memref<20000x64xf32, #tpu.memory_space<hbm>> -> memref<625x64xf32, #tpu.memory_space<hbm>>
      %dma_wait3A_94 = arith.constant 0 : i32
      %dma_wait3A_95 = tpu.memref_slice %arg9[%mul3A_83, %dma_wait3A_94] : memref<10000x64xf32, #tpu.memory_space<vmem_shared>> -> memref<625x64xf32, #tpu.memory_space<vmem_shared>>
      tpu.wait_dma2 semaphore(%run_scoped3A : memref<!tpu.dma_semaphore, #tpu.memory_space<semaphore_mem>>) src(%dma_wait3A_95 : memref<625x64xf32, #tpu.memory_space<vmem_shared>>) dst(%dma_wait3A_93 : memref<625x64xf32, #tpu.memory_space<hbm>>)
      tpu.yield
    }) : () -> ()
    return
  }
}

#map = affine_map<(d0, d1) -> (0)>
#map1 = affine_map<(d0, d1) -> (0, 0)>
module attributes {stable_mosaic.version = 14 : i64} {
  func.func @_sc_gather(%arg0: i32, %arg1: i32, %arg2: memref<320000xi32, #tpu.memory_space<hbm>>, %arg3: memref<320000xi32, #tpu.memory_space<hbm>>, %arg4: memref<10000x64xf32, #tpu.memory_space<hbm>>, %arg5: memref<10000x64xf32, #tpu.memory_space<hbm>>, %arg6: memref<320000x128xf32, #tpu.memory_space<hbm>>, %arg7: memref<10000xi32, #tpu.memory_space<vmem>>, %arg8: memref<10000xi32, #tpu.memory_space<vmem>>, %arg9: memref<400x64xf32, #tpu.memory_space<vmem>>, %arg10: memref<400x64xf32, #tpu.memory_space<vmem>>, %arg11: memref<400x64xf32, #tpu.memory_space<vmem>>, %arg12: memref<400x64xf32, #tpu.memory_space<vmem>>, %arg13: memref<!tpu.dma_semaphore, #tpu.memory_space<semaphore_mem>>, %arg14: memref<!tpu.dma_semaphore, #tpu.memory_space<semaphore_mem>>, %arg15: memref<!tpu.dma_semaphore, #tpu.memory_space<semaphore_mem>>, %arg16: memref<!tpu.dma_semaphore, #tpu.memory_space<semaphore_mem>>) attributes {dimension_semantics = [#tpu.dimension_semantics<core_parallel>, #tpu.dimension_semantics<subcore_parallel>], iteration_bounds = array<i64: 2, 16>, scalar_prefetch = 0 : i64, scratch_operands = 10 : i64, tpu.core_type = #tpu.core_type<sc_vector_subcore>, window_params = [{transform_indices = #map}, {transform_indices = #map}, {transform_indices = #map1}, {transform_indices = #map1}, {transform_indices = #map1}]} {
    %mul3A = arith.constant 2 : i32
    %mul3A_0 = arith.muli %arg1, %mul3A : i32
    %add3A = arith.addi %mul3A_0, %arg0 : i32
    %mul3A_1 = arith.constant 10000 : i32
    %mul3A_2 = arith.muli %add3A, %mul3A_1 : i32
    "tpu.region"() ({
      %run_scoped3A = tpu.sem_alloc : memref<!tpu.dma_semaphore, #tpu.memory_space<semaphore_mem>>
      %dma_start3A_96 = tpu.memref_slice %arg2[%mul3A_2] : memref<320000xi32, #tpu.memory_space<hbm>> -> memref<10000xi32, #tpu.memory_space<hbm>>
      %dma_start3A_97 = tpu.memref_slice %arg2[%mul3A_2] : memref<320000xi32, #tpu.memory_space<hbm>> -> memref<10000xi32, #tpu.memory_space<hbm>>
      tpu.enqueue_dma source(%dma_start3A_97 : memref<10000xi32, #tpu.memory_space<hbm>>) target(%arg7 : memref<10000xi32, #tpu.memory_space<vmem>>) target_semaphore(%run_scoped3A : memref<!tpu.dma_semaphore, #tpu.memory_space<semaphore_mem>>)
      %dma_wait3A_98 = tpu.memref_slice %arg2[%mul3A_2] : memref<320000xi32, #tpu.memory_space<hbm>> -> memref<10000xi32, #tpu.memory_space<hbm>>
      %dma_wait3A_99 = tpu.memref_slice %arg2[%mul3A_2] : memref<320000xi32, #tpu.memory_space<hbm>> -> memref<10000xi32, #tpu.memory_space<hbm>>
      tpu.wait_dma2 semaphore(%run_scoped3A : memref<!tpu.dma_semaphore, #tpu.memory_space<semaphore_mem>>) src(%dma_wait3A_99 : memref<10000xi32, #tpu.memory_space<hbm>>) dst(%arg7 : memref<10000xi32, #tpu.memory_space<vmem>>)
      tpu.yield
    }) : () -> ()
    "tpu.region"() ({
      %run_scoped3A = tpu.sem_alloc : memref<!tpu.dma_semaphore, #tpu.memory_space<semaphore_mem>>
      %dma_start3A_96 = tpu.memref_slice %arg3[%mul3A_2] : memref<320000xi32, #tpu.memory_space<hbm>> -> memref<10000xi32, #tpu.memory_space<hbm>>
      %dma_start3A_97 = tpu.memref_slice %arg3[%mul3A_2] : memref<320000xi32, #tpu.memory_space<hbm>> -> memref<10000xi32, #tpu.memory_space<hbm>>
      tpu.enqueue_dma source(%dma_start3A_97 : memref<10000xi32, #tpu.memory_space<hbm>>) target(%arg8 : memref<10000xi32, #tpu.memory_space<vmem>>) target_semaphore(%run_scoped3A : memref<!tpu.dma_semaphore, #tpu.memory_space<semaphore_mem>>)
      %dma_wait3A_98 = tpu.memref_slice %arg3[%mul3A_2] : memref<320000xi32, #tpu.memory_space<hbm>> -> memref<10000xi32, #tpu.memory_space<hbm>>
      %dma_wait3A_99 = tpu.memref_slice %arg3[%mul3A_2] : memref<320000xi32, #tpu.memory_space<hbm>> -> memref<10000xi32, #tpu.memory_space<hbm>>
      tpu.wait_dma2 semaphore(%run_scoped3A : memref<!tpu.dma_semaphore, #tpu.memory_space<semaphore_mem>>) src(%dma_wait3A_99 : memref<10000xi32, #tpu.memory_space<hbm>>) dst(%arg8 : memref<10000xi32, #tpu.memory_space<vmem>>)
      tpu.yield
    }) : () -> ()
    %dma_start3A = arith.constant 0 : i32
    %dma_start3A_3 = arith.constant 0 : i32
    %dma_start3A_4 = tpu.memref_slice %arg9[%dma_start3A, %dma_start3A_3] : memref<400x64xf32, #tpu.memory_space<vmem>> -> memref<80x64xf32, #tpu.memory_space<vmem>>
    %dma_start3A_5 = arith.constant 0 : i32
    %dma_start3A_6 = tpu.memref_slice %arg7[%dma_start3A_5] : memref<10000xi32, #tpu.memory_space<vmem>> -> memref<80xi32, #tpu.memory_space<vmem>>
    %dma_start3A_7 = arith.constant 0 : i32
    %dma_start3A_8 = arith.constant 0 : i32
    %dma_start3A_9 = tpu.memref_slice %arg4[%dma_start3A_7, %dma_start3A_8] : memref<10000x64xf32, #tpu.memory_space<hbm>> -> memref<10000x64xf32, #tpu.memory_space<hbm>>
    tpu.enqueue_indirect_dma source(%dma_start3A_9 : memref<10000x64xf32, #tpu.memory_space<hbm>>) target(%dma_start3A_4 : memref<80x64xf32, #tpu.memory_space<vmem>>) offsets(%dma_start3A_6 : memref<80xi32, #tpu.memory_space<vmem>>) semaphore(%arg13 : memref<!tpu.dma_semaphore, #tpu.memory_space<semaphore_mem>>)
    %dma_start3A_10 = arith.constant 0 : i32
    %dma_start3A_11 = arith.constant 0 : i32
    %dma_start3A_12 = tpu.memref_slice %arg10[%dma_start3A_10, %dma_start3A_11] : memref<400x64xf32, #tpu.memory_space<vmem>> -> memref<80x64xf32, #tpu.memory_space<vmem>>
    %dma_start3A_13 = arith.constant 0 : i32
    %dma_start3A_14 = tpu.memref_slice %arg8[%dma_start3A_13] : memref<10000xi32, #tpu.memory_space<vmem>> -> memref<80xi32, #tpu.memory_space<vmem>>
    %dma_start3A_15 = arith.constant 0 : i32
    %dma_start3A_16 = arith.constant 0 : i32
    %dma_start3A_17 = tpu.memref_slice %arg5[%dma_start3A_15, %dma_start3A_16] : memref<10000x64xf32, #tpu.memory_space<hbm>> -> memref<10000x64xf32, #tpu.memory_space<hbm>>
    tpu.enqueue_indirect_dma source(%dma_start3A_17 : memref<10000x64xf32, #tpu.memory_space<hbm>>) target(%dma_start3A_12 : memref<80x64xf32, #tpu.memory_space<vmem>>) offsets(%dma_start3A_14 : memref<80xi32, #tpu.memory_space<vmem>>) semaphore(%arg13 : memref<!tpu.dma_semaphore, #tpu.memory_space<semaphore_mem>>)
    %dma_start3A_18 = arith.constant 80 : i32
    %dma_start3A_19 = arith.constant 0 : i32
    %dma_start3A_20 = tpu.memref_slice %arg9[%dma_start3A_18, %dma_start3A_19] : memref<400x64xf32, #tpu.memory_space<vmem>> -> memref<80x64xf32, #tpu.memory_space<vmem>>
    %dma_start3A_21 = arith.constant 80 : i32
    %dma_start3A_22 = tpu.memref_slice %arg7[%dma_start3A_21] : memref<10000xi32, #tpu.memory_space<vmem>> -> memref<80xi32, #tpu.memory_space<vmem>>
    %dma_start3A_23 = arith.constant 0 : i32
    %dma_start3A_24 = arith.constant 0 : i32
    %dma_start3A_25 = tpu.memref_slice %arg4[%dma_start3A_23, %dma_start3A_24] : memref<10000x64xf32, #tpu.memory_space<hbm>> -> memref<10000x64xf32, #tpu.memory_space<hbm>>
    tpu.enqueue_indirect_dma source(%dma_start3A_25 : memref<10000x64xf32, #tpu.memory_space<hbm>>) target(%dma_start3A_20 : memref<80x64xf32, #tpu.memory_space<vmem>>) offsets(%dma_start3A_22 : memref<80xi32, #tpu.memory_space<vmem>>) semaphore(%arg13 : memref<!tpu.dma_semaphore, #tpu.memory_space<semaphore_mem>>)
    %dma_start3A_26 = arith.constant 80 : i32
    %dma_start3A_27 = arith.constant 0 : i32
    %dma_start3A_28 = tpu.memref_slice %arg10[%dma_start3A_26, %dma_start3A_27] : memref<400x64xf32, #tpu.memory_space<vmem>> -> memref<80x64xf32, #tpu.memory_space<vmem>>
    %dma_start3A_29 = arith.constant 80 : i32
    %dma_start3A_30 = tpu.memref_slice %arg8[%dma_start3A_29] : memref<10000xi32, #tpu.memory_space<vmem>> -> memref<80xi32, #tpu.memory_space<vmem>>
    %dma_start3A_31 = arith.constant 0 : i32
    %dma_start3A_32 = arith.constant 0 : i32
    %dma_start3A_33 = tpu.memref_slice %arg5[%dma_start3A_31, %dma_start3A_32] : memref<10000x64xf32, #tpu.memory_space<hbm>> -> memref<10000x64xf32, #tpu.memory_space<hbm>>
    tpu.enqueue_indirect_dma source(%dma_start3A_33 : memref<10000x64xf32, #tpu.memory_space<hbm>>) target(%dma_start3A_28 : memref<80x64xf32, #tpu.memory_space<vmem>>) offsets(%dma_start3A_30 : memref<80xi32, #tpu.memory_space<vmem>>) semaphore(%arg13 : memref<!tpu.dma_semaphore, #tpu.memory_space<semaphore_mem>>)
    %dma_start3A_34 = arith.constant 160 : i32
    %dma_start3A_35 = arith.constant 0 : i32
    %dma_start3A_36 = tpu.memref_slice %arg9[%dma_start3A_34, %dma_start3A_35] : memref<400x64xf32, #tpu.memory_space<vmem>> -> memref<80x64xf32, #tpu.memory_space<vmem>>
    %dma_start3A_37 = arith.constant 160 : i32
    %dma_start3A_38 = tpu.memref_slice %arg7[%dma_start3A_37] : memref<10000xi32, #tpu.memory_space<vmem>> -> memref<80xi32, #tpu.memory_space<vmem>>
    %dma_start3A_39 = arith.constant 0 : i32
    %dma_start3A_40 = arith.constant 0 : i32
    %dma_start3A_41 = tpu.memref_slice %arg4[%dma_start3A_39, %dma_start3A_40] : memref<10000x64xf32, #tpu.memory_space<hbm>> -> memref<10000x64xf32, #tpu.memory_space<hbm>>
    tpu.enqueue_indirect_dma source(%dma_start3A_41 : memref<10000x64xf32, #tpu.memory_space<hbm>>) target(%dma_start3A_36 : memref<80x64xf32, #tpu.memory_space<vmem>>) offsets(%dma_start3A_38 : memref<80xi32, #tpu.memory_space<vmem>>) semaphore(%arg13 : memref<!tpu.dma_semaphore, #tpu.memory_space<semaphore_mem>>)
    %dma_start3A_42 = arith.constant 160 : i32
    %dma_start3A_43 = arith.constant 0 : i32
    %dma_start3A_44 = tpu.memref_slice %arg10[%dma_start3A_42, %dma_start3A_43] : memref<400x64xf32, #tpu.memory_space<vmem>> -> memref<80x64xf32, #tpu.memory_space<vmem>>
    %dma_start3A_45 = arith.constant 160 : i32
    %dma_start3A_46 = tpu.memref_slice %arg8[%dma_start3A_45] : memref<10000xi32, #tpu.memory_space<vmem>> -> memref<80xi32, #tpu.memory_space<vmem>>
    %dma_start3A_47 = arith.constant 0 : i32
    %dma_start3A_48 = arith.constant 0 : i32
    %dma_start3A_49 = tpu.memref_slice %arg5[%dma_start3A_47, %dma_start3A_48] : memref<10000x64xf32, #tpu.memory_space<hbm>> -> memref<10000x64xf32, #tpu.memory_space<hbm>>
    tpu.enqueue_indirect_dma source(%dma_start3A_49 : memref<10000x64xf32, #tpu.memory_space<hbm>>) target(%dma_start3A_44 : memref<80x64xf32, #tpu.memory_space<vmem>>) offsets(%dma_start3A_46 : memref<80xi32, #tpu.memory_space<vmem>>) semaphore(%arg13 : memref<!tpu.dma_semaphore, #tpu.memory_space<semaphore_mem>>)
    %dma_start3A_50 = arith.constant 240 : i32
    %dma_start3A_51 = arith.constant 0 : i32
    %dma_start3A_52 = tpu.memref_slice %arg9[%dma_start3A_50, %dma_start3A_51] : memref<400x64xf32, #tpu.memory_space<vmem>> -> memref<80x64xf32, #tpu.memory_space<vmem>>
    %dma_start3A_53 = arith.constant 240 : i32
    %dma_start3A_54 = tpu.memref_slice %arg7[%dma_start3A_53] : memref<10000xi32, #tpu.memory_space<vmem>> -> memref<80xi32, #tpu.memory_space<vmem>>
    %dma_start3A_55 = arith.constant 0 : i32
    %dma_start3A_56 = arith.constant 0 : i32
    %dma_start3A_57 = tpu.memref_slice %arg4[%dma_start3A_55, %dma_start3A_56] : memref<10000x64xf32, #tpu.memory_space<hbm>> -> memref<10000x64xf32, #tpu.memory_space<hbm>>
    tpu.enqueue_indirect_dma source(%dma_start3A_57 : memref<10000x64xf32, #tpu.memory_space<hbm>>) target(%dma_start3A_52 : memref<80x64xf32, #tpu.memory_space<vmem>>) offsets(%dma_start3A_54 : memref<80xi32, #tpu.memory_space<vmem>>) semaphore(%arg13 : memref<!tpu.dma_semaphore, #tpu.memory_space<semaphore_mem>>)
    %dma_start3A_58 = arith.constant 240 : i32
    %dma_start3A_59 = arith.constant 0 : i32
    %dma_start3A_60 = tpu.memref_slice %arg10[%dma_start3A_58, %dma_start3A_59] : memref<400x64xf32, #tpu.memory_space<vmem>> -> memref<80x64xf32, #tpu.memory_space<vmem>>
    %dma_start3A_61 = arith.constant 240 : i32
    %dma_start3A_62 = tpu.memref_slice %arg8[%dma_start3A_61] : memref<10000xi32, #tpu.memory_space<vmem>> -> memref<80xi32, #tpu.memory_space<vmem>>
    %dma_start3A_63 = arith.constant 0 : i32
    %dma_start3A_64 = arith.constant 0 : i32
    %dma_start3A_65 = tpu.memref_slice %arg5[%dma_start3A_63, %dma_start3A_64] : memref<10000x64xf32, #tpu.memory_space<hbm>> -> memref<10000x64xf32, #tpu.memory_space<hbm>>
    tpu.enqueue_indirect_dma source(%dma_start3A_65 : memref<10000x64xf32, #tpu.memory_space<hbm>>) target(%dma_start3A_60 : memref<80x64xf32, #tpu.memory_space<vmem>>) offsets(%dma_start3A_62 : memref<80xi32, #tpu.memory_space<vmem>>) semaphore(%arg13 : memref<!tpu.dma_semaphore, #tpu.memory_space<semaphore_mem>>)
    %dma_start3A_66 = arith.constant 320 : i32
    %dma_start3A_67 = arith.constant 0 : i32
    %dma_start3A_68 = tpu.memref_slice %arg9[%dma_start3A_66, %dma_start3A_67] : memref<400x64xf32, #tpu.memory_space<vmem>> -> memref<80x64xf32, #tpu.memory_space<vmem>>
    %dma_start3A_69 = arith.constant 320 : i32
    %dma_start3A_70 = tpu.memref_slice %arg7[%dma_start3A_69] : memref<10000xi32, #tpu.memory_space<vmem>> -> memref<80xi32, #tpu.memory_space<vmem>>
    %dma_start3A_71 = arith.constant 0 : i32
    %dma_start3A_72 = arith.constant 0 : i32
    %dma_start3A_73 = tpu.memref_slice %arg4[%dma_start3A_71, %dma_start3A_72] : memref<10000x64xf32, #tpu.memory_space<hbm>> -> memref<10000x64xf32, #tpu.memory_space<hbm>>
    tpu.enqueue_indirect_dma source(%dma_start3A_73 : memref<10000x64xf32, #tpu.memory_space<hbm>>) target(%dma_start3A_68 : memref<80x64xf32, #tpu.memory_space<vmem>>) offsets(%dma_start3A_70 : memref<80xi32, #tpu.memory_space<vmem>>) semaphore(%arg13 : memref<!tpu.dma_semaphore, #tpu.memory_space<semaphore_mem>>)
    %dma_start3A_74 = arith.constant 320 : i32
    %dma_start3A_75 = arith.constant 0 : i32
    %dma_start3A_76 = tpu.memref_slice %arg10[%dma_start3A_74, %dma_start3A_75] : memref<400x64xf32, #tpu.memory_space<vmem>> -> memref<80x64xf32, #tpu.memory_space<vmem>>
    %dma_start3A_77 = arith.constant 320 : i32
    %dma_start3A_78 = tpu.memref_slice %arg8[%dma_start3A_77] : memref<10000xi32, #tpu.memory_space<vmem>> -> memref<80xi32, #tpu.memory_space<vmem>>
    %dma_start3A_79 = arith.constant 0 : i32
    %dma_start3A_80 = arith.constant 0 : i32
    %dma_start3A_81 = tpu.memref_slice %arg5[%dma_start3A_79, %dma_start3A_80] : memref<10000x64xf32, #tpu.memory_space<hbm>> -> memref<10000x64xf32, #tpu.memory_space<hbm>>
    tpu.enqueue_indirect_dma source(%dma_start3A_81 : memref<10000x64xf32, #tpu.memory_space<hbm>>) target(%dma_start3A_76 : memref<80x64xf32, #tpu.memory_space<vmem>>) offsets(%dma_start3A_78 : memref<80xi32, #tpu.memory_space<vmem>>) semaphore(%arg13 : memref<!tpu.dma_semaphore, #tpu.memory_space<semaphore_mem>>)
    %scan3A = arith.constant 0 : i32
    %scan3A_82 = arith.constant 0 : i32
    %scan3A_83 = arith.constant 25 : i32
    %scan3A_84 = arith.addi %scan3A_82, %scan3A_83 : i32
    %scan3A_85 = arith.constant 1 : i32
    scf.for %scan3A_96 = %scan3A_82 to %scan3A_84 step %scan3A_85  : i32 {
      %rem3A = arith.constant 2 : i32
      %rem3A_97 = arith.remsi %scan3A_96, %rem3A : i32
      %eq3A = arith.constant 0 : i32
      %eq3A_98 = arith.cmpi eq, %rem3A_97, %eq3A : i32
      %convert_element_type3A = arith.extui %eq3A_98 : i1 to i32
      %cond3A = arith.constant 0 : i32
      %cond3A_99 = arith.cmpi ne, %convert_element_type3A, %cond3A : i32
      scf.if %cond3A_99 {
        %mul3A_105 = arith.constant 400 : i32
        %mul3A_106 = arith.muli %scan3A_96, %mul3A_105 : i32
        %add3A_107 = arith.constant 0 : i32
        %add3A_108 = arith.addi %mul3A_106, %add3A_107 : i32
        %dma_wait3A_109 = arith.constant 0 : i32
        %dma_wait3A_110 = arith.constant 0 : i32
        %dma_wait3A_111 = tpu.memref_slice %arg9[%dma_wait3A_109, %dma_wait3A_110] : memref<400x64xf32, #tpu.memory_space<vmem>> -> memref<80x64xf32, #tpu.memory_space<vmem>>
        %dma_wait3A_112 = tpu.memref_slice %arg7[%add3A_108] : memref<10000xi32, #tpu.memory_space<vmem>> -> memref<80xi32, #tpu.memory_space<vmem>>
        %dma_wait3A_113 = arith.constant 0 : i32
        %dma_wait3A_114 = arith.constant 0 : i32
        %dma_wait3A_115 = tpu.memref_slice %arg4[%dma_wait3A_113, %dma_wait3A_114] : memref<10000x64xf32, #tpu.memory_space<hbm>> -> memref<10000x64xf32, #tpu.memory_space<hbm>>
        tpu.wait_indirect_dma semaphore(%arg13 : memref<!tpu.dma_semaphore, #tpu.memory_space<semaphore_mem>>) src(%dma_wait3A_115 : memref<10000x64xf32, #tpu.memory_space<hbm>>) dst(%dma_wait3A_111 : memref<80x64xf32, #tpu.memory_space<vmem>>)
        %dma_wait3A_116 = arith.constant 0 : i32
        %dma_wait3A_117 = arith.constant 0 : i32
        %dma_wait3A_118 = tpu.memref_slice %arg10[%dma_wait3A_116, %dma_wait3A_117] : memref<400x64xf32, #tpu.memory_space<vmem>> -> memref<80x64xf32, #tpu.memory_space<vmem>>
        %dma_wait3A_119 = tpu.memref_slice %arg8[%add3A_108] : memref<10000xi32, #tpu.memory_space<vmem>> -> memref<80xi32, #tpu.memory_space<vmem>>
        %dma_wait3A_120 = arith.constant 0 : i32
        %dma_wait3A_121 = arith.constant 0 : i32
        %dma_wait3A_122 = tpu.memref_slice %arg5[%dma_wait3A_120, %dma_wait3A_121] : memref<10000x64xf32, #tpu.memory_space<hbm>> -> memref<10000x64xf32, #tpu.memory_space<hbm>>
        tpu.wait_indirect_dma semaphore(%arg13 : memref<!tpu.dma_semaphore, #tpu.memory_space<semaphore_mem>>) src(%dma_wait3A_122 : memref<10000x64xf32, #tpu.memory_space<hbm>>) dst(%dma_wait3A_118 : memref<80x64xf32, #tpu.memory_space<vmem>>)
        %mul3A_123 = arith.constant 400 : i32
        %mul3A_124 = arith.muli %scan3A_96, %mul3A_123 : i32
        %add3A_125 = arith.constant 80 : i32
        %add3A_126 = arith.addi %mul3A_124, %add3A_125 : i32
        %dma_wait3A_127 = arith.constant 80 : i32
        %dma_wait3A_128 = arith.constant 0 : i32
        %dma_wait3A_129 = tpu.memref_slice %arg9[%dma_wait3A_127, %dma_wait3A_128] : memref<400x64xf32, #tpu.memory_space<vmem>> -> memref<80x64xf32, #tpu.memory_space<vmem>>
        %dma_wait3A_130 = tpu.memref_slice %arg7[%add3A_126] : memref<10000xi32, #tpu.memory_space<vmem>> -> memref<80xi32, #tpu.memory_space<vmem>>
        %dma_wait3A_131 = arith.constant 0 : i32
        %dma_wait3A_132 = arith.constant 0 : i32
        %dma_wait3A_133 = tpu.memref_slice %arg4[%dma_wait3A_131, %dma_wait3A_132] : memref<10000x64xf32, #tpu.memory_space<hbm>> -> memref<10000x64xf32, #tpu.memory_space<hbm>>
        tpu.wait_indirect_dma semaphore(%arg13 : memref<!tpu.dma_semaphore, #tpu.memory_space<semaphore_mem>>) src(%dma_wait3A_133 : memref<10000x64xf32, #tpu.memory_space<hbm>>) dst(%dma_wait3A_129 : memref<80x64xf32, #tpu.memory_space<vmem>>)
        %dma_wait3A_134 = arith.constant 80 : i32
        %dma_wait3A_135 = arith.constant 0 : i32
        %dma_wait3A_136 = tpu.memref_slice %arg10[%dma_wait3A_134, %dma_wait3A_135] : memref<400x64xf32, #tpu.memory_space<vmem>> -> memref<80x64xf32, #tpu.memory_space<vmem>>
        %dma_wait3A_137 = tpu.memref_slice %arg8[%add3A_126] : memref<10000xi32, #tpu.memory_space<vmem>> -> memref<80xi32, #tpu.memory_space<vmem>>
        %dma_wait3A_138 = arith.constant 0 : i32
        %dma_wait3A_139 = arith.constant 0 : i32
        %dma_wait3A_140 = tpu.memref_slice %arg5[%dma_wait3A_138, %dma_wait3A_139] : memref<10000x64xf32, #tpu.memory_space<hbm>> -> memref<10000x64xf32, #tpu.memory_space<hbm>>
        tpu.wait_indirect_dma semaphore(%arg13 : memref<!tpu.dma_semaphore, #tpu.memory_space<semaphore_mem>>) src(%dma_wait3A_140 : memref<10000x64xf32, #tpu.memory_space<hbm>>) dst(%dma_wait3A_136 : memref<80x64xf32, #tpu.memory_space<vmem>>)
        %mul3A_141 = arith.constant 400 : i32
        %mul3A_142 = arith.muli %scan3A_96, %mul3A_141 : i32
        %add3A_143 = arith.constant 160 : i32
        %add3A_144 = arith.addi %mul3A_142, %add3A_143 : i32
        %dma_wait3A_145 = arith.constant 160 : i32
        %dma_wait3A_146 = arith.constant 0 : i32
        %dma_wait3A_147 = tpu.memref_slice %arg9[%dma_wait3A_145, %dma_wait3A_146] : memref<400x64xf32, #tpu.memory_space<vmem>> -> memref<80x64xf32, #tpu.memory_space<vmem>>
        %dma_wait3A_148 = tpu.memref_slice %arg7[%add3A_144] : memref<10000xi32, #tpu.memory_space<vmem>> -> memref<80xi32, #tpu.memory_space<vmem>>
        %dma_wait3A_149 = arith.constant 0 : i32
        %dma_wait3A_150 = arith.constant 0 : i32
        %dma_wait3A_151 = tpu.memref_slice %arg4[%dma_wait3A_149, %dma_wait3A_150] : memref<10000x64xf32, #tpu.memory_space<hbm>> -> memref<10000x64xf32, #tpu.memory_space<hbm>>
        tpu.wait_indirect_dma semaphore(%arg13 : memref<!tpu.dma_semaphore, #tpu.memory_space<semaphore_mem>>) src(%dma_wait3A_151 : memref<10000x64xf32, #tpu.memory_space<hbm>>) dst(%dma_wait3A_147 : memref<80x64xf32, #tpu.memory_space<vmem>>)
        %dma_wait3A_152 = arith.constant 160 : i32
        %dma_wait3A_153 = arith.constant 0 : i32
        %dma_wait3A_154 = tpu.memref_slice %arg10[%dma_wait3A_152, %dma_wait3A_153] : memref<400x64xf32, #tpu.memory_space<vmem>> -> memref<80x64xf32, #tpu.memory_space<vmem>>
        %dma_wait3A_155 = tpu.memref_slice %arg8[%add3A_144] : memref<10000xi32, #tpu.memory_space<vmem>> -> memref<80xi32, #tpu.memory_space<vmem>>
        %dma_wait3A_156 = arith.constant 0 : i32
        %dma_wait3A_157 = arith.constant 0 : i32
        %dma_wait3A_158 = tpu.memref_slice %arg5[%dma_wait3A_156, %dma_wait3A_157] : memref<10000x64xf32, #tpu.memory_space<hbm>> -> memref<10000x64xf32, #tpu.memory_space<hbm>>
        tpu.wait_indirect_dma semaphore(%arg13 : memref<!tpu.dma_semaphore, #tpu.memory_space<semaphore_mem>>) src(%dma_wait3A_158 : memref<10000x64xf32, #tpu.memory_space<hbm>>) dst(%dma_wait3A_154 : memref<80x64xf32, #tpu.memory_space<vmem>>)
        %mul3A_159 = arith.constant 400 : i32
        %mul3A_160 = arith.muli %scan3A_96, %mul3A_159 : i32
        %add3A_161 = arith.constant 240 : i32
        %add3A_162 = arith.addi %mul3A_160, %add3A_161 : i32
        %dma_wait3A_163 = arith.constant 240 : i32
        %dma_wait3A_164 = arith.constant 0 : i32
        %dma_wait3A_165 = tpu.memref_slice %arg9[%dma_wait3A_163, %dma_wait3A_164] : memref<400x64xf32, #tpu.memory_space<vmem>> -> memref<80x64xf32, #tpu.memory_space<vmem>>
        %dma_wait3A_166 = tpu.memref_slice %arg7[%add3A_162] : memref<10000xi32, #tpu.memory_space<vmem>> -> memref<80xi32, #tpu.memory_space<vmem>>
        %dma_wait3A_167 = arith.constant 0 : i32
        %dma_wait3A_168 = arith.constant 0 : i32
        %dma_wait3A_169 = tpu.memref_slice %arg4[%dma_wait3A_167, %dma_wait3A_168] : memref<10000x64xf32, #tpu.memory_space<hbm>> -> memref<10000x64xf32, #tpu.memory_space<hbm>>
        tpu.wait_indirect_dma semaphore(%arg13 : memref<!tpu.dma_semaphore, #tpu.memory_space<semaphore_mem>>) src(%dma_wait3A_169 : memref<10000x64xf32, #tpu.memory_space<hbm>>) dst(%dma_wait3A_165 : memref<80x64xf32, #tpu.memory_space<vmem>>)
        %dma_wait3A_170 = arith.constant 240 : i32
        %dma_wait3A_171 = arith.constant 0 : i32
        %dma_wait3A_172 = tpu.memref_slice %arg10[%dma_wait3A_170, %dma_wait3A_171] : memref<400x64xf32, #tpu.memory_space<vmem>> -> memref<80x64xf32, #tpu.memory_space<vmem>>
        %dma_wait3A_173 = tpu.memref_slice %arg8[%add3A_162] : memref<10000xi32, #tpu.memory_space<vmem>> -> memref<80xi32, #tpu.memory_space<vmem>>
        %dma_wait3A_174 = arith.constant 0 : i32
        %dma_wait3A_175 = arith.constant 0 : i32
        %dma_wait3A_176 = tpu.memref_slice %arg5[%dma_wait3A_174, %dma_wait3A_175] : memref<10000x64xf32, #tpu.memory_space<hbm>> -> memref<10000x64xf32, #tpu.memory_space<hbm>>
        tpu.wait_indirect_dma semaphore(%arg13 : memref<!tpu.dma_semaphore, #tpu.memory_space<semaphore_mem>>) src(%dma_wait3A_176 : memref<10000x64xf32, #tpu.memory_space<hbm>>) dst(%dma_wait3A_172 : memref<80x64xf32, #tpu.memory_space<vmem>>)
        %mul3A_177 = arith.constant 400 : i32
        %mul3A_178 = arith.muli %scan3A_96, %mul3A_177 : i32
        %add3A_179 = arith.constant 320 : i32
        %add3A_180 = arith.addi %mul3A_178, %add3A_179 : i32
        %dma_wait3A_181 = arith.constant 320 : i32
        %dma_wait3A_182 = arith.constant 0 : i32
        %dma_wait3A_183 = tpu.memref_slice %arg9[%dma_wait3A_181, %dma_wait3A_182] : memref<400x64xf32, #tpu.memory_space<vmem>> -> memref<80x64xf32, #tpu.memory_space<vmem>>
        %dma_wait3A_184 = tpu.memref_slice %arg7[%add3A_180] : memref<10000xi32, #tpu.memory_space<vmem>> -> memref<80xi32, #tpu.memory_space<vmem>>
        %dma_wait3A_185 = arith.constant 0 : i32
        %dma_wait3A_186 = arith.constant 0 : i32
        %dma_wait3A_187 = tpu.memref_slice %arg4[%dma_wait3A_185, %dma_wait3A_186] : memref<10000x64xf32, #tpu.memory_space<hbm>> -> memref<10000x64xf32, #tpu.memory_space<hbm>>
        tpu.wait_indirect_dma semaphore(%arg13 : memref<!tpu.dma_semaphore, #tpu.memory_space<semaphore_mem>>) src(%dma_wait3A_187 : memref<10000x64xf32, #tpu.memory_space<hbm>>) dst(%dma_wait3A_183 : memref<80x64xf32, #tpu.memory_space<vmem>>)
        %dma_wait3A_188 = arith.constant 320 : i32
        %dma_wait3A_189 = arith.constant 0 : i32
        %dma_wait3A_190 = tpu.memref_slice %arg10[%dma_wait3A_188, %dma_wait3A_189] : memref<400x64xf32, #tpu.memory_space<vmem>> -> memref<80x64xf32, #tpu.memory_space<vmem>>
        %dma_wait3A_191 = tpu.memref_slice %arg8[%add3A_180] : memref<10000xi32, #tpu.memory_space<vmem>> -> memref<80xi32, #tpu.memory_space<vmem>>
        %dma_wait3A_192 = arith.constant 0 : i32
        %dma_wait3A_193 = arith.constant 0 : i32
        %dma_wait3A_194 = tpu.memref_slice %arg5[%dma_wait3A_192, %dma_wait3A_193] : memref<10000x64xf32, #tpu.memory_space<hbm>> -> memref<10000x64xf32, #tpu.memory_space<hbm>>
        tpu.wait_indirect_dma semaphore(%arg13 : memref<!tpu.dma_semaphore, #tpu.memory_space<semaphore_mem>>) src(%dma_wait3A_194 : memref<10000x64xf32, #tpu.memory_space<hbm>>) dst(%dma_wait3A_190 : memref<80x64xf32, #tpu.memory_space<vmem>>)
        %mul3A_195 = arith.constant 400 : i32
        %mul3A_196 = arith.muli %scan3A_96, %mul3A_195 : i32
        %add3A_197 = arith.addi %mul3A_2, %mul3A_196 : i32
        %dma_start3A_198 = arith.constant 0 : i32
        %dma_start3A_199 = tpu.memref_slice %arg6[%add3A_197, %dma_start3A_198] : memref<320000x128xf32, #tpu.memory_space<hbm>> -> memref<400x64xf32, #tpu.memory_space<hbm>>
        %dma_start3A_200 = arith.constant 0 : i32
        %dma_start3A_201 = tpu.memref_slice %arg6[%add3A_197, %dma_start3A_200] : memref<320000x128xf32, #tpu.memory_space<hbm>> -> memref<400x64xf32, #tpu.memory_space<hbm>>
        tpu.enqueue_dma source(%arg9 : memref<400x64xf32, #tpu.memory_space<vmem>>) target(%dma_start3A_201 : memref<400x64xf32, #tpu.memory_space<hbm>>) target_semaphore(%arg15 : memref<!tpu.dma_semaphore, #tpu.memory_space<semaphore_mem>>)
        %dma_start3A_202 = arith.constant 64 : i32
        %dma_start3A_203 = tpu.memref_slice %arg6[%add3A_197, %dma_start3A_202] : memref<320000x128xf32, #tpu.memory_space<hbm>> -> memref<400x64xf32, #tpu.memory_space<hbm>>
        %dma_start3A_204 = arith.constant 64 : i32
        %dma_start3A_205 = tpu.memref_slice %arg6[%add3A_197, %dma_start3A_204] : memref<320000x128xf32, #tpu.memory_space<hbm>> -> memref<400x64xf32, #tpu.memory_space<hbm>>
        tpu.enqueue_dma source(%arg10 : memref<400x64xf32, #tpu.memory_space<vmem>>) target(%dma_start3A_205 : memref<400x64xf32, #tpu.memory_space<hbm>>) target_semaphore(%arg15 : memref<!tpu.dma_semaphore, #tpu.memory_space<semaphore_mem>>)
        %ge3A = arith.constant 1 : i32
        %ge3A_206 = arith.cmpi sge, %scan3A_96, %ge3A : i32
        %convert_element_type3A_207 = arith.extui %ge3A_206 : i1 to i32
        %cond3A_208 = arith.constant 0 : i32
        %cond3A_209 = arith.cmpi ne, %convert_element_type3A_207, %cond3A_208 : i32
        scf.if %cond3A_209 {
          %sub3A = arith.constant 1 : i32
          %sub3A_216 = arith.subi %scan3A_96, %sub3A : i32
          %mul3A_217 = arith.constant 400 : i32
          %mul3A_218 = arith.muli %sub3A_216, %mul3A_217 : i32
          %add3A_219 = arith.addi %mul3A_2, %mul3A_218 : i32
          %dma_wait3A_220 = arith.constant 0 : i32
          %dma_wait3A_221 = tpu.memref_slice %arg6[%add3A_219, %dma_wait3A_220] : memref<320000x128xf32, #tpu.memory_space<hbm>> -> memref<400x64xf32, #tpu.memory_space<hbm>>
          %dma_wait3A_222 = arith.constant 0 : i32
          %dma_wait3A_223 = tpu.memref_slice %arg6[%add3A_219, %dma_wait3A_222] : memref<320000x128xf32, #tpu.memory_space<hbm>> -> memref<400x64xf32, #tpu.memory_space<hbm>>
          tpu.wait_dma2 semaphore(%arg16 : memref<!tpu.dma_semaphore, #tpu.memory_space<semaphore_mem>>) src(%arg11 : memref<400x64xf32, #tpu.memory_space<vmem>>) dst(%dma_wait3A_223 : memref<400x64xf32, #tpu.memory_space<hbm>>)
          %dma_wait3A_224 = arith.constant 64 : i32
          %dma_wait3A_225 = tpu.memref_slice %arg6[%add3A_219, %dma_wait3A_224] : memref<320000x128xf32, #tpu.memory_space<hbm>> -> memref<400x64xf32, #tpu.memory_space<hbm>>
          %dma_wait3A_226 = arith.constant 64 : i32
          %dma_wait3A_227 = tpu.memref_slice %arg6[%add3A_219, %dma_wait3A_226] : memref<320000x128xf32, #tpu.memory_space<hbm>> -> memref<400x64xf32, #tpu.memory_space<hbm>>
          tpu.wait_dma2 semaphore(%arg16 : memref<!tpu.dma_semaphore, #tpu.memory_space<semaphore_mem>>) src(%arg12 : memref<400x64xf32, #tpu.memory_space<vmem>>) dst(%dma_wait3A_227 : memref<400x64xf32, #tpu.memory_space<hbm>>)
        } else {
        }
        %add3A_210 = arith.constant 1 : i32
        %add3A_211 = arith.addi %scan3A_96, %add3A_210 : i32
        %lt3A = arith.constant 25 : i32
        %lt3A_212 = arith.cmpi slt, %add3A_211, %lt3A : i32
        %convert_element_type3A_213 = arith.extui %lt3A_212 : i1 to i32
        %cond3A_214 = arith.constant 0 : i32
        %cond3A_215 = arith.cmpi ne, %convert_element_type3A_213, %cond3A_214 : i32
        scf.if %cond3A_215 {
          %add3A_216 = arith.constant 1 : i32
          %add3A_217 = arith.addi %scan3A_96, %add3A_216 : i32
          %mul3A_218 = arith.constant 400 : i32
          %mul3A_219 = arith.muli %add3A_217, %mul3A_218 : i32
          %add3A_220 = arith.constant 0 : i32
          %add3A_221 = arith.addi %mul3A_219, %add3A_220 : i32
          %dma_start3A_222 = arith.constant 0 : i32
          %dma_start3A_223 = arith.constant 0 : i32
          %dma_start3A_224 = tpu.memref_slice %arg11[%dma_start3A_222, %dma_start3A_223] : memref<400x64xf32, #tpu.memory_space<vmem>> -> memref<80x64xf32, #tpu.memory_space<vmem>>
          %dma_start3A_225 = tpu.memref_slice %arg7[%add3A_221] : memref<10000xi32, #tpu.memory_space<vmem>> -> memref<80xi32, #tpu.memory_space<vmem>>
          %dma_start3A_226 = arith.constant 0 : i32
          %dma_start3A_227 = arith.constant 0 : i32
          %dma_start3A_228 = tpu.memref_slice %arg4[%dma_start3A_226, %dma_start3A_227] : memref<10000x64xf32, #tpu.memory_space<hbm>> -> memref<10000x64xf32, #tpu.memory_space<hbm>>
          tpu.enqueue_indirect_dma source(%dma_start3A_228 : memref<10000x64xf32, #tpu.memory_space<hbm>>) target(%dma_start3A_224 : memref<80x64xf32, #tpu.memory_space<vmem>>) offsets(%dma_start3A_225 : memref<80xi32, #tpu.memory_space<vmem>>) semaphore(%arg14 : memref<!tpu.dma_semaphore, #tpu.memory_space<semaphore_mem>>)
          %dma_start3A_229 = arith.constant 0 : i32
          %dma_start3A_230 = arith.constant 0 : i32
          %dma_start3A_231 = tpu.memref_slice %arg12[%dma_start3A_229, %dma_start3A_230] : memref<400x64xf32, #tpu.memory_space<vmem>> -> memref<80x64xf32, #tpu.memory_space<vmem>>
          %dma_start3A_232 = tpu.memref_slice %arg8[%add3A_221] : memref<10000xi32, #tpu.memory_space<vmem>> -> memref<80xi32, #tpu.memory_space<vmem>>
          %dma_start3A_233 = arith.constant 0 : i32
          %dma_start3A_234 = arith.constant 0 : i32
          %dma_start3A_235 = tpu.memref_slice %arg5[%dma_start3A_233, %dma_start3A_234] : memref<10000x64xf32, #tpu.memory_space<hbm>> -> memref<10000x64xf32, #tpu.memory_space<hbm>>
          tpu.enqueue_indirect_dma source(%dma_start3A_235 : memref<10000x64xf32, #tpu.memory_space<hbm>>) target(%dma_start3A_231 : memref<80x64xf32, #tpu.memory_space<vmem>>) offsets(%dma_start3A_232 : memref<80xi32, #tpu.memory_space<vmem>>) semaphore(%arg14 : memref<!tpu.dma_semaphore, #tpu.memory_space<semaphore_mem>>)
          %mul3A_236 = arith.constant 400 : i32
          %mul3A_237 = arith.muli %add3A_217, %mul3A_236 : i32
          %add3A_238 = arith.constant 80 : i32
          %add3A_239 = arith.addi %mul3A_237, %add3A_238 : i32
          %dma_start3A_240 = arith.constant 80 : i32
          %dma_start3A_241 = arith.constant 0 : i32
          %dma_start3A_242 = tpu.memref_slice %arg11[%dma_start3A_240, %dma_start3A_241] : memref<400x64xf32, #tpu.memory_space<vmem>> -> memref<80x64xf32, #tpu.memory_space<vmem>>
          %dma_start3A_243 = tpu.memref_slice %arg7[%add3A_239] : memref<10000xi32, #tpu.memory_space<vmem>> -> memref<80xi32, #tpu.memory_space<vmem>>
          %dma_start3A_244 = arith.constant 0 : i32
          %dma_start3A_245 = arith.constant 0 : i32
          %dma_start3A_246 = tpu.memref_slice %arg4[%dma_start3A_244, %dma_start3A_245] : memref<10000x64xf32, #tpu.memory_space<hbm>> -> memref<10000x64xf32, #tpu.memory_space<hbm>>
          tpu.enqueue_indirect_dma source(%dma_start3A_246 : memref<10000x64xf32, #tpu.memory_space<hbm>>) target(%dma_start3A_242 : memref<80x64xf32, #tpu.memory_space<vmem>>) offsets(%dma_start3A_243 : memref<80xi32, #tpu.memory_space<vmem>>) semaphore(%arg14 : memref<!tpu.dma_semaphore, #tpu.memory_space<semaphore_mem>>)
          %dma_start3A_247 = arith.constant 80 : i32
          %dma_start3A_248 = arith.constant 0 : i32
          %dma_start3A_249 = tpu.memref_slice %arg12[%dma_start3A_247, %dma_start3A_248] : memref<400x64xf32, #tpu.memory_space<vmem>> -> memref<80x64xf32, #tpu.memory_space<vmem>>
          %dma_start3A_250 = tpu.memref_slice %arg8[%add3A_239] : memref<10000xi32, #tpu.memory_space<vmem>> -> memref<80xi32, #tpu.memory_space<vmem>>
          %dma_start3A_251 = arith.constant 0 : i32
          %dma_start3A_252 = arith.constant 0 : i32
          %dma_start3A_253 = tpu.memref_slice %arg5[%dma_start3A_251, %dma_start3A_252] : memref<10000x64xf32, #tpu.memory_space<hbm>> -> memref<10000x64xf32, #tpu.memory_space<hbm>>
          tpu.enqueue_indirect_dma source(%dma_start3A_253 : memref<10000x64xf32, #tpu.memory_space<hbm>>) target(%dma_start3A_249 : memref<80x64xf32, #tpu.memory_space<vmem>>) offsets(%dma_start3A_250 : memref<80xi32, #tpu.memory_space<vmem>>) semaphore(%arg14 : memref<!tpu.dma_semaphore, #tpu.memory_space<semaphore_mem>>)
          %mul3A_254 = arith.constant 400 : i32
          %mul3A_255 = arith.muli %add3A_217, %mul3A_254 : i32
          %add3A_256 = arith.constant 160 : i32
          %add3A_257 = arith.addi %mul3A_255, %add3A_256 : i32
          %dma_start3A_258 = arith.constant 160 : i32
          %dma_start3A_259 = arith.constant 0 : i32
          %dma_start3A_260 = tpu.memref_slice %arg11[%dma_start3A_258, %dma_start3A_259] : memref<400x64xf32, #tpu.memory_space<vmem>> -> memref<80x64xf32, #tpu.memory_space<vmem>>
          %dma_start3A_261 = tpu.memref_slice %arg7[%add3A_257] : memref<10000xi32, #tpu.memory_space<vmem>> -> memref<80xi32, #tpu.memory_space<vmem>>
          %dma_start3A_262 = arith.constant 0 : i32
          %dma_start3A_263 = arith.constant 0 : i32
          %dma_start3A_264 = tpu.memref_slice %arg4[%dma_start3A_262, %dma_start3A_263] : memref<10000x64xf32, #tpu.memory_space<hbm>> -> memref<10000x64xf32, #tpu.memory_space<hbm>>
          tpu.enqueue_indirect_dma source(%dma_start3A_264 : memref<10000x64xf32, #tpu.memory_space<hbm>>) target(%dma_start3A_260 : memref<80x64xf32, #tpu.memory_space<vmem>>) offsets(%dma_start3A_261 : memref<80xi32, #tpu.memory_space<vmem>>) semaphore(%arg14 : memref<!tpu.dma_semaphore, #tpu.memory_space<semaphore_mem>>)
          %dma_start3A_265 = arith.constant 160 : i32
          %dma_start3A_266 = arith.constant 0 : i32
          %dma_start3A_267 = tpu.memref_slice %arg12[%dma_start3A_265, %dma_start3A_266] : memref<400x64xf32, #tpu.memory_space<vmem>> -> memref<80x64xf32, #tpu.memory_space<vmem>>
          %dma_start3A_268 = tpu.memref_slice %arg8[%add3A_257] : memref<10000xi32, #tpu.memory_space<vmem>> -> memref<80xi32, #tpu.memory_space<vmem>>
          %dma_start3A_269 = arith.constant 0 : i32
          %dma_start3A_270 = arith.constant 0 : i32
          %dma_start3A_271 = tpu.memref_slice %arg5[%dma_start3A_269, %dma_start3A_270] : memref<10000x64xf32, #tpu.memory_space<hbm>> -> memref<10000x64xf32, #tpu.memory_space<hbm>>
          tpu.enqueue_indirect_dma source(%dma_start3A_271 : memref<10000x64xf32, #tpu.memory_space<hbm>>) target(%dma_start3A_267 : memref<80x64xf32, #tpu.memory_space<vmem>>) offsets(%dma_start3A_268 : memref<80xi32, #tpu.memory_space<vmem>>) semaphore(%arg14 : memref<!tpu.dma_semaphore, #tpu.memory_space<semaphore_mem>>)
          %mul3A_272 = arith.constant 400 : i32
          %mul3A_273 = arith.muli %add3A_217, %mul3A_272 : i32
          %add3A_274 = arith.constant 240 : i32
          %add3A_275 = arith.addi %mul3A_273, %add3A_274 : i32
          %dma_start3A_276 = arith.constant 240 : i32
          %dma_start3A_277 = arith.constant 0 : i32
          %dma_start3A_278 = tpu.memref_slice %arg11[%dma_start3A_276, %dma_start3A_277] : memref<400x64xf32, #tpu.memory_space<vmem>> -> memref<80x64xf32, #tpu.memory_space<vmem>>
          %dma_start3A_279 = tpu.memref_slice %arg7[%add3A_275] : memref<10000xi32, #tpu.memory_space<vmem>> -> memref<80xi32, #tpu.memory_space<vmem>>
          %dma_start3A_280 = arith.constant 0 : i32
          %dma_start3A_281 = arith.constant 0 : i32
          %dma_start3A_282 = tpu.memref_slice %arg4[%dma_start3A_280, %dma_start3A_281] : memref<10000x64xf32, #tpu.memory_space<hbm>> -> memref<10000x64xf32, #tpu.memory_space<hbm>>
          tpu.enqueue_indirect_dma source(%dma_start3A_282 : memref<10000x64xf32, #tpu.memory_space<hbm>>) target(%dma_start3A_278 : memref<80x64xf32, #tpu.memory_space<vmem>>) offsets(%dma_start3A_279 : memref<80xi32, #tpu.memory_space<vmem>>) semaphore(%arg14 : memref<!tpu.dma_semaphore, #tpu.memory_space<semaphore_mem>>)
          %dma_start3A_283 = arith.constant 240 : i32
          %dma_start3A_284 = arith.constant 0 : i32
          %dma_start3A_285 = tpu.memref_slice %arg12[%dma_start3A_283, %dma_start3A_284] : memref<400x64xf32, #tpu.memory_space<vmem>> -> memref<80x64xf32, #tpu.memory_space<vmem>>
          %dma_start3A_286 = tpu.memref_slice %arg8[%add3A_275] : memref<10000xi32, #tpu.memory_space<vmem>> -> memref<80xi32, #tpu.memory_space<vmem>>
          %dma_start3A_287 = arith.constant 0 : i32
          %dma_start3A_288 = arith.constant 0 : i32
          %dma_start3A_289 = tpu.memref_slice %arg5[%dma_start3A_287, %dma_start3A_288] : memref<10000x64xf32, #tpu.memory_space<hbm>> -> memref<10000x64xf32, #tpu.memory_space<hbm>>
          tpu.enqueue_indirect_dma source(%dma_start3A_289 : memref<10000x64xf32, #tpu.memory_space<hbm>>) target(%dma_start3A_285 : memref<80x64xf32, #tpu.memory_space<vmem>>) offsets(%dma_start3A_286 : memref<80xi32, #tpu.memory_space<vmem>>) semaphore(%arg14 : memref<!tpu.dma_semaphore, #tpu.memory_space<semaphore_mem>>)
          %mul3A_290 = arith.constant 400 : i32
          %mul3A_291 = arith.muli %add3A_217, %mul3A_290 : i32
          %add3A_292 = arith.constant 320 : i32
          %add3A_293 = arith.addi %mul3A_291, %add3A_292 : i32
          %dma_start3A_294 = arith.constant 320 : i32
          %dma_start3A_295 = arith.constant 0 : i32
          %dma_start3A_296 = tpu.memref_slice %arg11[%dma_start3A_294, %dma_start3A_295] : memref<400x64xf32, #tpu.memory_space<vmem>> -> memref<80x64xf32, #tpu.memory_space<vmem>>
          %dma_start3A_297 = tpu.memref_slice %arg7[%add3A_293] : memref<10000xi32, #tpu.memory_space<vmem>> -> memref<80xi32, #tpu.memory_space<vmem>>
          %dma_start3A_298 = arith.constant 0 : i32
          %dma_start3A_299 = arith.constant 0 : i32
          %dma_start3A_300 = tpu.memref_slice %arg4[%dma_start3A_298, %dma_start3A_299] : memref<10000x64xf32, #tpu.memory_space<hbm>> -> memref<10000x64xf32, #tpu.memory_space<hbm>>
          tpu.enqueue_indirect_dma source(%dma_start3A_300 : memref<10000x64xf32, #tpu.memory_space<hbm>>) target(%dma_start3A_296 : memref<80x64xf32, #tpu.memory_space<vmem>>) offsets(%dma_start3A_297 : memref<80xi32, #tpu.memory_space<vmem>>) semaphore(%arg14 : memref<!tpu.dma_semaphore, #tpu.memory_space<semaphore_mem>>)
          %dma_start3A_301 = arith.constant 320 : i32
          %dma_start3A_302 = arith.constant 0 : i32
          %dma_start3A_303 = tpu.memref_slice %arg12[%dma_start3A_301, %dma_start3A_302] : memref<400x64xf32, #tpu.memory_space<vmem>> -> memref<80x64xf32, #tpu.memory_space<vmem>>
          %dma_start3A_304 = tpu.memref_slice %arg8[%add3A_293] : memref<10000xi32, #tpu.memory_space<vmem>> -> memref<80xi32, #tpu.memory_space<vmem>>
          %dma_start3A_305 = arith.constant 0 : i32
          %dma_start3A_306 = arith.constant 0 : i32
          %dma_start3A_307 = tpu.memref_slice %arg5[%dma_start3A_305, %dma_start3A_306] : memref<10000x64xf32, #tpu.memory_space<hbm>> -> memref<10000x64xf32, #tpu.memory_space<hbm>>
          tpu.enqueue_indirect_dma source(%dma_start3A_307 : memref<10000x64xf32, #tpu.memory_space<hbm>>) target(%dma_start3A_303 : memref<80x64xf32, #tpu.memory_space<vmem>>) offsets(%dma_start3A_304 : memref<80xi32, #tpu.memory_space<vmem>>) semaphore(%arg14 : memref<!tpu.dma_semaphore, #tpu.memory_space<semaphore_mem>>)
        } else {
        }
      } else {
      }
      %eq3A_100 = arith.constant 1 : i32
      %eq3A_101 = arith.cmpi eq, %rem3A_97, %eq3A_100 : i32
      %convert_element_type3A_102 = arith.extui %eq3A_101 : i1 to i32
      %cond3A_103 = arith.constant 0 : i32
      %cond3A_104 = arith.cmpi ne, %convert_element_type3A_102, %cond3A_103 : i32
      scf.if %cond3A_104 {
        %mul3A_105 = arith.constant 400 : i32
        %mul3A_106 = arith.muli %scan3A_96, %mul3A_105 : i32
        %add3A_107 = arith.constant 0 : i32
        %add3A_108 = arith.addi %mul3A_106, %add3A_107 : i32
        %dma_wait3A_109 = arith.constant 0 : i32
        %dma_wait3A_110 = arith.constant 0 : i32
        %dma_wait3A_111 = tpu.memref_slice %arg11[%dma_wait3A_109, %dma_wait3A_110] : memref<400x64xf32, #tpu.memory_space<vmem>> -> memref<80x64xf32, #tpu.memory_space<vmem>>
        %dma_wait3A_112 = tpu.memref_slice %arg7[%add3A_108] : memref<10000xi32, #tpu.memory_space<vmem>> -> memref<80xi32, #tpu.memory_space<vmem>>
        %dma_wait3A_113 = arith.constant 0 : i32
        %dma_wait3A_114 = arith.constant 0 : i32
        %dma_wait3A_115 = tpu.memref_slice %arg4[%dma_wait3A_113, %dma_wait3A_114] : memref<10000x64xf32, #tpu.memory_space<hbm>> -> memref<10000x64xf32, #tpu.memory_space<hbm>>
        tpu.wait_indirect_dma semaphore(%arg14 : memref<!tpu.dma_semaphore, #tpu.memory_space<semaphore_mem>>) src(%dma_wait3A_115 : memref<10000x64xf32, #tpu.memory_space<hbm>>) dst(%dma_wait3A_111 : memref<80x64xf32, #tpu.memory_space<vmem>>)
        %dma_wait3A_116 = arith.constant 0 : i32
        %dma_wait3A_117 = arith.constant 0 : i32
        %dma_wait3A_118 = tpu.memref_slice %arg12[%dma_wait3A_116, %dma_wait3A_117] : memref<400x64xf32, #tpu.memory_space<vmem>> -> memref<80x64xf32, #tpu.memory_space<vmem>>
        %dma_wait3A_119 = tpu.memref_slice %arg8[%add3A_108] : memref<10000xi32, #tpu.memory_space<vmem>> -> memref<80xi32, #tpu.memory_space<vmem>>
        %dma_wait3A_120 = arith.constant 0 : i32
        %dma_wait3A_121 = arith.constant 0 : i32
        %dma_wait3A_122 = tpu.memref_slice %arg5[%dma_wait3A_120, %dma_wait3A_121] : memref<10000x64xf32, #tpu.memory_space<hbm>> -> memref<10000x64xf32, #tpu.memory_space<hbm>>
        tpu.wait_indirect_dma semaphore(%arg14 : memref<!tpu.dma_semaphore, #tpu.memory_space<semaphore_mem>>) src(%dma_wait3A_122 : memref<10000x64xf32, #tpu.memory_space<hbm>>) dst(%dma_wait3A_118 : memref<80x64xf32, #tpu.memory_space<vmem>>)
        %mul3A_123 = arith.constant 400 : i32
        %mul3A_124 = arith.muli %scan3A_96, %mul3A_123 : i32
        %add3A_125 = arith.constant 80 : i32
        %add3A_126 = arith.addi %mul3A_124, %add3A_125 : i32
        %dma_wait3A_127 = arith.constant 80 : i32
        %dma_wait3A_128 = arith.constant 0 : i32
        %dma_wait3A_129 = tpu.memref_slice %arg11[%dma_wait3A_127, %dma_wait3A_128] : memref<400x64xf32, #tpu.memory_space<vmem>> -> memref<80x64xf32, #tpu.memory_space<vmem>>
        %dma_wait3A_130 = tpu.memref_slice %arg7[%add3A_126] : memref<10000xi32, #tpu.memory_space<vmem>> -> memref<80xi32, #tpu.memory_space<vmem>>
        %dma_wait3A_131 = arith.constant 0 : i32
        %dma_wait3A_132 = arith.constant 0 : i32
        %dma_wait3A_133 = tpu.memref_slice %arg4[%dma_wait3A_131, %dma_wait3A_132] : memref<10000x64xf32, #tpu.memory_space<hbm>> -> memref<10000x64xf32, #tpu.memory_space<hbm>>
        tpu.wait_indirect_dma semaphore(%arg14 : memref<!tpu.dma_semaphore, #tpu.memory_space<semaphore_mem>>) src(%dma_wait3A_133 : memref<10000x64xf32, #tpu.memory_space<hbm>>) dst(%dma_wait3A_129 : memref<80x64xf32, #tpu.memory_space<vmem>>)
        %dma_wait3A_134 = arith.constant 80 : i32
        %dma_wait3A_135 = arith.constant 0 : i32
        %dma_wait3A_136 = tpu.memref_slice %arg12[%dma_wait3A_134, %dma_wait3A_135] : memref<400x64xf32, #tpu.memory_space<vmem>> -> memref<80x64xf32, #tpu.memory_space<vmem>>
        %dma_wait3A_137 = tpu.memref_slice %arg8[%add3A_126] : memref<10000xi32, #tpu.memory_space<vmem>> -> memref<80xi32, #tpu.memory_space<vmem>>
        %dma_wait3A_138 = arith.constant 0 : i32
        %dma_wait3A_139 = arith.constant 0 : i32
        %dma_wait3A_140 = tpu.memref_slice %arg5[%dma_wait3A_138, %dma_wait3A_139] : memref<10000x64xf32, #tpu.memory_space<hbm>> -> memref<10000x64xf32, #tpu.memory_space<hbm>>
        tpu.wait_indirect_dma semaphore(%arg14 : memref<!tpu.dma_semaphore, #tpu.memory_space<semaphore_mem>>) src(%dma_wait3A_140 : memref<10000x64xf32, #tpu.memory_space<hbm>>) dst(%dma_wait3A_136 : memref<80x64xf32, #tpu.memory_space<vmem>>)
        %mul3A_141 = arith.constant 400 : i32
        %mul3A_142 = arith.muli %scan3A_96, %mul3A_141 : i32
        %add3A_143 = arith.constant 160 : i32
        %add3A_144 = arith.addi %mul3A_142, %add3A_143 : i32
        %dma_wait3A_145 = arith.constant 160 : i32
        %dma_wait3A_146 = arith.constant 0 : i32
        %dma_wait3A_147 = tpu.memref_slice %arg11[%dma_wait3A_145, %dma_wait3A_146] : memref<400x64xf32, #tpu.memory_space<vmem>> -> memref<80x64xf32, #tpu.memory_space<vmem>>
        %dma_wait3A_148 = tpu.memref_slice %arg7[%add3A_144] : memref<10000xi32, #tpu.memory_space<vmem>> -> memref<80xi32, #tpu.memory_space<vmem>>
        %dma_wait3A_149 = arith.constant 0 : i32
        %dma_wait3A_150 = arith.constant 0 : i32
        %dma_wait3A_151 = tpu.memref_slice %arg4[%dma_wait3A_149, %dma_wait3A_150] : memref<10000x64xf32, #tpu.memory_space<hbm>> -> memref<10000x64xf32, #tpu.memory_space<hbm>>
        tpu.wait_indirect_dma semaphore(%arg14 : memref<!tpu.dma_semaphore, #tpu.memory_space<semaphore_mem>>) src(%dma_wait3A_151 : memref<10000x64xf32, #tpu.memory_space<hbm>>) dst(%dma_wait3A_147 : memref<80x64xf32, #tpu.memory_space<vmem>>)
        %dma_wait3A_152 = arith.constant 160 : i32
        %dma_wait3A_153 = arith.constant 0 : i32
        %dma_wait3A_154 = tpu.memref_slice %arg12[%dma_wait3A_152, %dma_wait3A_153] : memref<400x64xf32, #tpu.memory_space<vmem>> -> memref<80x64xf32, #tpu.memory_space<vmem>>
        %dma_wait3A_155 = tpu.memref_slice %arg8[%add3A_144] : memref<10000xi32, #tpu.memory_space<vmem>> -> memref<80xi32, #tpu.memory_space<vmem>>
        %dma_wait3A_156 = arith.constant 0 : i32
        %dma_wait3A_157 = arith.constant 0 : i32
        %dma_wait3A_158 = tpu.memref_slice %arg5[%dma_wait3A_156, %dma_wait3A_157] : memref<10000x64xf32, #tpu.memory_space<hbm>> -> memref<10000x64xf32, #tpu.memory_space<hbm>>
        tpu.wait_indirect_dma semaphore(%arg14 : memref<!tpu.dma_semaphore, #tpu.memory_space<semaphore_mem>>) src(%dma_wait3A_158 : memref<10000x64xf32, #tpu.memory_space<hbm>>) dst(%dma_wait3A_154 : memref<80x64xf32, #tpu.memory_space<vmem>>)
        %mul3A_159 = arith.constant 400 : i32
        %mul3A_160 = arith.muli %scan3A_96, %mul3A_159 : i32
        %add3A_161 = arith.constant 240 : i32
        %add3A_162 = arith.addi %mul3A_160, %add3A_161 : i32
        %dma_wait3A_163 = arith.constant 240 : i32
        %dma_wait3A_164 = arith.constant 0 : i32
        %dma_wait3A_165 = tpu.memref_slice %arg11[%dma_wait3A_163, %dma_wait3A_164] : memref<400x64xf32, #tpu.memory_space<vmem>> -> memref<80x64xf32, #tpu.memory_space<vmem>>
        %dma_wait3A_166 = tpu.memref_slice %arg7[%add3A_162] : memref<10000xi32, #tpu.memory_space<vmem>> -> memref<80xi32, #tpu.memory_space<vmem>>
        %dma_wait3A_167 = arith.constant 0 : i32
        %dma_wait3A_168 = arith.constant 0 : i32
        %dma_wait3A_169 = tpu.memref_slice %arg4[%dma_wait3A_167, %dma_wait3A_168] : memref<10000x64xf32, #tpu.memory_space<hbm>> -> memref<10000x64xf32, #tpu.memory_space<hbm>>
        tpu.wait_indirect_dma semaphore(%arg14 : memref<!tpu.dma_semaphore, #tpu.memory_space<semaphore_mem>>) src(%dma_wait3A_169 : memref<10000x64xf32, #tpu.memory_space<hbm>>) dst(%dma_wait3A_165 : memref<80x64xf32, #tpu.memory_space<vmem>>)
        %dma_wait3A_170 = arith.constant 240 : i32
        %dma_wait3A_171 = arith.constant 0 : i32
        %dma_wait3A_172 = tpu.memref_slice %arg12[%dma_wait3A_170, %dma_wait3A_171] : memref<400x64xf32, #tpu.memory_space<vmem>> -> memref<80x64xf32, #tpu.memory_space<vmem>>
        %dma_wait3A_173 = tpu.memref_slice %arg8[%add3A_162] : memref<10000xi32, #tpu.memory_space<vmem>> -> memref<80xi32, #tpu.memory_space<vmem>>
        %dma_wait3A_174 = arith.constant 0 : i32
        %dma_wait3A_175 = arith.constant 0 : i32
        %dma_wait3A_176 = tpu.memref_slice %arg5[%dma_wait3A_174, %dma_wait3A_175] : memref<10000x64xf32, #tpu.memory_space<hbm>> -> memref<10000x64xf32, #tpu.memory_space<hbm>>
        tpu.wait_indirect_dma semaphore(%arg14 : memref<!tpu.dma_semaphore, #tpu.memory_space<semaphore_mem>>) src(%dma_wait3A_176 : memref<10000x64xf32, #tpu.memory_space<hbm>>) dst(%dma_wait3A_172 : memref<80x64xf32, #tpu.memory_space<vmem>>)
        %mul3A_177 = arith.constant 400 : i32
        %mul3A_178 = arith.muli %scan3A_96, %mul3A_177 : i32
        %add3A_179 = arith.constant 320 : i32
        %add3A_180 = arith.addi %mul3A_178, %add3A_179 : i32
        %dma_wait3A_181 = arith.constant 320 : i32
        %dma_wait3A_182 = arith.constant 0 : i32
        %dma_wait3A_183 = tpu.memref_slice %arg11[%dma_wait3A_181, %dma_wait3A_182] : memref<400x64xf32, #tpu.memory_space<vmem>> -> memref<80x64xf32, #tpu.memory_space<vmem>>
        %dma_wait3A_184 = tpu.memref_slice %arg7[%add3A_180] : memref<10000xi32, #tpu.memory_space<vmem>> -> memref<80xi32, #tpu.memory_space<vmem>>
        %dma_wait3A_185 = arith.constant 0 : i32
        %dma_wait3A_186 = arith.constant 0 : i32
        %dma_wait3A_187 = tpu.memref_slice %arg4[%dma_wait3A_185, %dma_wait3A_186] : memref<10000x64xf32, #tpu.memory_space<hbm>> -> memref<10000x64xf32, #tpu.memory_space<hbm>>
        tpu.wait_indirect_dma semaphore(%arg14 : memref<!tpu.dma_semaphore, #tpu.memory_space<semaphore_mem>>) src(%dma_wait3A_187 : memref<10000x64xf32, #tpu.memory_space<hbm>>) dst(%dma_wait3A_183 : memref<80x64xf32, #tpu.memory_space<vmem>>)
        %dma_wait3A_188 = arith.constant 320 : i32
        %dma_wait3A_189 = arith.constant 0 : i32
        %dma_wait3A_190 = tpu.memref_slice %arg12[%dma_wait3A_188, %dma_wait3A_189] : memref<400x64xf32, #tpu.memory_space<vmem>> -> memref<80x64xf32, #tpu.memory_space<vmem>>
        %dma_wait3A_191 = tpu.memref_slice %arg8[%add3A_180] : memref<10000xi32, #tpu.memory_space<vmem>> -> memref<80xi32, #tpu.memory_space<vmem>>
        %dma_wait3A_192 = arith.constant 0 : i32
        %dma_wait3A_193 = arith.constant 0 : i32
        %dma_wait3A_194 = tpu.memref_slice %arg5[%dma_wait3A_192, %dma_wait3A_193] : memref<10000x64xf32, #tpu.memory_space<hbm>> -> memref<10000x64xf32, #tpu.memory_space<hbm>>
        tpu.wait_indirect_dma semaphore(%arg14 : memref<!tpu.dma_semaphore, #tpu.memory_space<semaphore_mem>>) src(%dma_wait3A_194 : memref<10000x64xf32, #tpu.memory_space<hbm>>) dst(%dma_wait3A_190 : memref<80x64xf32, #tpu.memory_space<vmem>>)
        %mul3A_195 = arith.constant 400 : i32
        %mul3A_196 = arith.muli %scan3A_96, %mul3A_195 : i32
        %add3A_197 = arith.addi %mul3A_2, %mul3A_196 : i32
        %dma_start3A_198 = arith.constant 0 : i32
        %dma_start3A_199 = tpu.memref_slice %arg6[%add3A_197, %dma_start3A_198] : memref<320000x128xf32, #tpu.memory_space<hbm>> -> memref<400x64xf32, #tpu.memory_space<hbm>>
        %dma_start3A_200 = arith.constant 0 : i32
        %dma_start3A_201 = tpu.memref_slice %arg6[%add3A_197, %dma_start3A_200] : memref<320000x128xf32, #tpu.memory_space<hbm>> -> memref<400x64xf32, #tpu.memory_space<hbm>>
        tpu.enqueue_dma source(%arg11 : memref<400x64xf32, #tpu.memory_space<vmem>>) target(%dma_start3A_201 : memref<400x64xf32, #tpu.memory_space<hbm>>) target_semaphore(%arg16 : memref<!tpu.dma_semaphore, #tpu.memory_space<semaphore_mem>>)
        %dma_start3A_202 = arith.constant 64 : i32
        %dma_start3A_203 = tpu.memref_slice %arg6[%add3A_197, %dma_start3A_202] : memref<320000x128xf32, #tpu.memory_space<hbm>> -> memref<400x64xf32, #tpu.memory_space<hbm>>
        %dma_start3A_204 = arith.constant 64 : i32
        %dma_start3A_205 = tpu.memref_slice %arg6[%add3A_197, %dma_start3A_204] : memref<320000x128xf32, #tpu.memory_space<hbm>> -> memref<400x64xf32, #tpu.memory_space<hbm>>
        tpu.enqueue_dma source(%arg12 : memref<400x64xf32, #tpu.memory_space<vmem>>) target(%dma_start3A_205 : memref<400x64xf32, #tpu.memory_space<hbm>>) target_semaphore(%arg16 : memref<!tpu.dma_semaphore, #tpu.memory_space<semaphore_mem>>)
        %ge3A = arith.constant 1 : i32
        %ge3A_206 = arith.cmpi sge, %scan3A_96, %ge3A : i32
        %convert_element_type3A_207 = arith.extui %ge3A_206 : i1 to i32
        %cond3A_208 = arith.constant 0 : i32
        %cond3A_209 = arith.cmpi ne, %convert_element_type3A_207, %cond3A_208 : i32
        scf.if %cond3A_209 {
          %sub3A = arith.constant 1 : i32
          %sub3A_216 = arith.subi %scan3A_96, %sub3A : i32
          %mul3A_217 = arith.constant 400 : i32
          %mul3A_218 = arith.muli %sub3A_216, %mul3A_217 : i32
          %add3A_219 = arith.addi %mul3A_2, %mul3A_218 : i32
          %dma_wait3A_220 = arith.constant 0 : i32
          %dma_wait3A_221 = tpu.memref_slice %arg6[%add3A_219, %dma_wait3A_220] : memref<320000x128xf32, #tpu.memory_space<hbm>> -> memref<400x64xf32, #tpu.memory_space<hbm>>
          %dma_wait3A_222 = arith.constant 0 : i32
          %dma_wait3A_223 = tpu.memref_slice %arg6[%add3A_219, %dma_wait3A_222] : memref<320000x128xf32, #tpu.memory_space<hbm>> -> memref<400x64xf32, #tpu.memory_space<hbm>>
          tpu.wait_dma2 semaphore(%arg15 : memref<!tpu.dma_semaphore, #tpu.memory_space<semaphore_mem>>) src(%arg9 : memref<400x64xf32, #tpu.memory_space<vmem>>) dst(%dma_wait3A_223 : memref<400x64xf32, #tpu.memory_space<hbm>>)
          %dma_wait3A_224 = arith.constant 64 : i32
          %dma_wait3A_225 = tpu.memref_slice %arg6[%add3A_219, %dma_wait3A_224] : memref<320000x128xf32, #tpu.memory_space<hbm>> -> memref<400x64xf32, #tpu.memory_space<hbm>>
          %dma_wait3A_226 = arith.constant 64 : i32
          %dma_wait3A_227 = tpu.memref_slice %arg6[%add3A_219, %dma_wait3A_226] : memref<320000x128xf32, #tpu.memory_space<hbm>> -> memref<400x64xf32, #tpu.memory_space<hbm>>
          tpu.wait_dma2 semaphore(%arg15 : memref<!tpu.dma_semaphore, #tpu.memory_space<semaphore_mem>>) src(%arg10 : memref<400x64xf32, #tpu.memory_space<vmem>>) dst(%dma_wait3A_227 : memref<400x64xf32, #tpu.memory_space<hbm>>)
        } else {
        }
        %add3A_210 = arith.constant 1 : i32
        %add3A_211 = arith.addi %scan3A_96, %add3A_210 : i32
        %lt3A = arith.constant 25 : i32
        %lt3A_212 = arith.cmpi slt, %add3A_211, %lt3A : i32
        %convert_element_type3A_213 = arith.extui %lt3A_212 : i1 to i32
        %cond3A_214 = arith.constant 0 : i32
        %cond3A_215 = arith.cmpi ne, %convert_element_type3A_213, %cond3A_214 : i32
        scf.if %cond3A_215 {
          %add3A_216 = arith.constant 1 : i32
          %add3A_217 = arith.addi %scan3A_96, %add3A_216 : i32
          %mul3A_218 = arith.constant 400 : i32
          %mul3A_219 = arith.muli %add3A_217, %mul3A_218 : i32
          %add3A_220 = arith.constant 0 : i32
          %add3A_221 = arith.addi %mul3A_219, %add3A_220 : i32
          %dma_start3A_222 = arith.constant 0 : i32
          %dma_start3A_223 = arith.constant 0 : i32
          %dma_start3A_224 = tpu.memref_slice %arg9[%dma_start3A_222, %dma_start3A_223] : memref<400x64xf32, #tpu.memory_space<vmem>> -> memref<80x64xf32, #tpu.memory_space<vmem>>
          %dma_start3A_225 = tpu.memref_slice %arg7[%add3A_221] : memref<10000xi32, #tpu.memory_space<vmem>> -> memref<80xi32, #tpu.memory_space<vmem>>
          %dma_start3A_226 = arith.constant 0 : i32
          %dma_start3A_227 = arith.constant 0 : i32
          %dma_start3A_228 = tpu.memref_slice %arg4[%dma_start3A_226, %dma_start3A_227] : memref<10000x64xf32, #tpu.memory_space<hbm>> -> memref<10000x64xf32, #tpu.memory_space<hbm>>
          tpu.enqueue_indirect_dma source(%dma_start3A_228 : memref<10000x64xf32, #tpu.memory_space<hbm>>) target(%dma_start3A_224 : memref<80x64xf32, #tpu.memory_space<vmem>>) offsets(%dma_start3A_225 : memref<80xi32, #tpu.memory_space<vmem>>) semaphore(%arg13 : memref<!tpu.dma_semaphore, #tpu.memory_space<semaphore_mem>>)
          %dma_start3A_229 = arith.constant 0 : i32
          %dma_start3A_230 = arith.constant 0 : i32
          %dma_start3A_231 = tpu.memref_slice %arg10[%dma_start3A_229, %dma_start3A_230] : memref<400x64xf32, #tpu.memory_space<vmem>> -> memref<80x64xf32, #tpu.memory_space<vmem>>
          %dma_start3A_232 = tpu.memref_slice %arg8[%add3A_221] : memref<10000xi32, #tpu.memory_space<vmem>> -> memref<80xi32, #tpu.memory_space<vmem>>
          %dma_start3A_233 = arith.constant 0 : i32
          %dma_start3A_234 = arith.constant 0 : i32
          %dma_start3A_235 = tpu.memref_slice %arg5[%dma_start3A_233, %dma_start3A_234] : memref<10000x64xf32, #tpu.memory_space<hbm>> -> memref<10000x64xf32, #tpu.memory_space<hbm>>
          tpu.enqueue_indirect_dma source(%dma_start3A_235 : memref<10000x64xf32, #tpu.memory_space<hbm>>) target(%dma_start3A_231 : memref<80x64xf32, #tpu.memory_space<vmem>>) offsets(%dma_start3A_232 : memref<80xi32, #tpu.memory_space<vmem>>) semaphore(%arg13 : memref<!tpu.dma_semaphore, #tpu.memory_space<semaphore_mem>>)
          %mul3A_236 = arith.constant 400 : i32
          %mul3A_237 = arith.muli %add3A_217, %mul3A_236 : i32
          %add3A_238 = arith.constant 80 : i32
          %add3A_239 = arith.addi %mul3A_237, %add3A_238 : i32
          %dma_start3A_240 = arith.constant 80 : i32
          %dma_start3A_241 = arith.constant 0 : i32
          %dma_start3A_242 = tpu.memref_slice %arg9[%dma_start3A_240, %dma_start3A_241] : memref<400x64xf32, #tpu.memory_space<vmem>> -> memref<80x64xf32, #tpu.memory_space<vmem>>
          %dma_start3A_243 = tpu.memref_slice %arg7[%add3A_239] : memref<10000xi32, #tpu.memory_space<vmem>> -> memref<80xi32, #tpu.memory_space<vmem>>
          %dma_start3A_244 = arith.constant 0 : i32
          %dma_start3A_245 = arith.constant 0 : i32
          %dma_start3A_246 = tpu.memref_slice %arg4[%dma_start3A_244, %dma_start3A_245] : memref<10000x64xf32, #tpu.memory_space<hbm>> -> memref<10000x64xf32, #tpu.memory_space<hbm>>
          tpu.enqueue_indirect_dma source(%dma_start3A_246 : memref<10000x64xf32, #tpu.memory_space<hbm>>) target(%dma_start3A_242 : memref<80x64xf32, #tpu.memory_space<vmem>>) offsets(%dma_start3A_243 : memref<80xi32, #tpu.memory_space<vmem>>) semaphore(%arg13 : memref<!tpu.dma_semaphore, #tpu.memory_space<semaphore_mem>>)
          %dma_start3A_247 = arith.constant 80 : i32
          %dma_start3A_248 = arith.constant 0 : i32
          %dma_start3A_249 = tpu.memref_slice %arg10[%dma_start3A_247, %dma_start3A_248] : memref<400x64xf32, #tpu.memory_space<vmem>> -> memref<80x64xf32, #tpu.memory_space<vmem>>
          %dma_start3A_250 = tpu.memref_slice %arg8[%add3A_239] : memref<10000xi32, #tpu.memory_space<vmem>> -> memref<80xi32, #tpu.memory_space<vmem>>
          %dma_start3A_251 = arith.constant 0 : i32
          %dma_start3A_252 = arith.constant 0 : i32
          %dma_start3A_253 = tpu.memref_slice %arg5[%dma_start3A_251, %dma_start3A_252] : memref<10000x64xf32, #tpu.memory_space<hbm>> -> memref<10000x64xf32, #tpu.memory_space<hbm>>
          tpu.enqueue_indirect_dma source(%dma_start3A_253 : memref<10000x64xf32, #tpu.memory_space<hbm>>) target(%dma_start3A_249 : memref<80x64xf32, #tpu.memory_space<vmem>>) offsets(%dma_start3A_250 : memref<80xi32, #tpu.memory_space<vmem>>) semaphore(%arg13 : memref<!tpu.dma_semaphore, #tpu.memory_space<semaphore_mem>>)
          %mul3A_254 = arith.constant 400 : i32
          %mul3A_255 = arith.muli %add3A_217, %mul3A_254 : i32
          %add3A_256 = arith.constant 160 : i32
          %add3A_257 = arith.addi %mul3A_255, %add3A_256 : i32
          %dma_start3A_258 = arith.constant 160 : i32
          %dma_start3A_259 = arith.constant 0 : i32
          %dma_start3A_260 = tpu.memref_slice %arg9[%dma_start3A_258, %dma_start3A_259] : memref<400x64xf32, #tpu.memory_space<vmem>> -> memref<80x64xf32, #tpu.memory_space<vmem>>
          %dma_start3A_261 = tpu.memref_slice %arg7[%add3A_257] : memref<10000xi32, #tpu.memory_space<vmem>> -> memref<80xi32, #tpu.memory_space<vmem>>
          %dma_start3A_262 = arith.constant 0 : i32
          %dma_start3A_263 = arith.constant 0 : i32
          %dma_start3A_264 = tpu.memref_slice %arg4[%dma_start3A_262, %dma_start3A_263] : memref<10000x64xf32, #tpu.memory_space<hbm>> -> memref<10000x64xf32, #tpu.memory_space<hbm>>
          tpu.enqueue_indirect_dma source(%dma_start3A_264 : memref<10000x64xf32, #tpu.memory_space<hbm>>) target(%dma_start3A_260 : memref<80x64xf32, #tpu.memory_space<vmem>>) offsets(%dma_start3A_261 : memref<80xi32, #tpu.memory_space<vmem>>) semaphore(%arg13 : memref<!tpu.dma_semaphore, #tpu.memory_space<semaphore_mem>>)
          %dma_start3A_265 = arith.constant 160 : i32
          %dma_start3A_266 = arith.constant 0 : i32
          %dma_start3A_267 = tpu.memref_slice %arg10[%dma_start3A_265, %dma_start3A_266] : memref<400x64xf32, #tpu.memory_space<vmem>> -> memref<80x64xf32, #tpu.memory_space<vmem>>
          %dma_start3A_268 = tpu.memref_slice %arg8[%add3A_257] : memref<10000xi32, #tpu.memory_space<vmem>> -> memref<80xi32, #tpu.memory_space<vmem>>
          %dma_start3A_269 = arith.constant 0 : i32
          %dma_start3A_270 = arith.constant 0 : i32
          %dma_start3A_271 = tpu.memref_slice %arg5[%dma_start3A_269, %dma_start3A_270] : memref<10000x64xf32, #tpu.memory_space<hbm>> -> memref<10000x64xf32, #tpu.memory_space<hbm>>
          tpu.enqueue_indirect_dma source(%dma_start3A_271 : memref<10000x64xf32, #tpu.memory_space<hbm>>) target(%dma_start3A_267 : memref<80x64xf32, #tpu.memory_space<vmem>>) offsets(%dma_start3A_268 : memref<80xi32, #tpu.memory_space<vmem>>) semaphore(%arg13 : memref<!tpu.dma_semaphore, #tpu.memory_space<semaphore_mem>>)
          %mul3A_272 = arith.constant 400 : i32
          %mul3A_273 = arith.muli %add3A_217, %mul3A_272 : i32
          %add3A_274 = arith.constant 240 : i32
          %add3A_275 = arith.addi %mul3A_273, %add3A_274 : i32
          %dma_start3A_276 = arith.constant 240 : i32
          %dma_start3A_277 = arith.constant 0 : i32
          %dma_start3A_278 = tpu.memref_slice %arg9[%dma_start3A_276, %dma_start3A_277] : memref<400x64xf32, #tpu.memory_space<vmem>> -> memref<80x64xf32, #tpu.memory_space<vmem>>
          %dma_start3A_279 = tpu.memref_slice %arg7[%add3A_275] : memref<10000xi32, #tpu.memory_space<vmem>> -> memref<80xi32, #tpu.memory_space<vmem>>
          %dma_start3A_280 = arith.constant 0 : i32
          %dma_start3A_281 = arith.constant 0 : i32
          %dma_start3A_282 = tpu.memref_slice %arg4[%dma_start3A_280, %dma_start3A_281] : memref<10000x64xf32, #tpu.memory_space<hbm>> -> memref<10000x64xf32, #tpu.memory_space<hbm>>
          tpu.enqueue_indirect_dma source(%dma_start3A_282 : memref<10000x64xf32, #tpu.memory_space<hbm>>) target(%dma_start3A_278 : memref<80x64xf32, #tpu.memory_space<vmem>>) offsets(%dma_start3A_279 : memref<80xi32, #tpu.memory_space<vmem>>) semaphore(%arg13 : memref<!tpu.dma_semaphore, #tpu.memory_space<semaphore_mem>>)
          %dma_start3A_283 = arith.constant 240 : i32
          %dma_start3A_284 = arith.constant 0 : i32
          %dma_start3A_285 = tpu.memref_slice %arg10[%dma_start3A_283, %dma_start3A_284] : memref<400x64xf32, #tpu.memory_space<vmem>> -> memref<80x64xf32, #tpu.memory_space<vmem>>
          %dma_start3A_286 = tpu.memref_slice %arg8[%add3A_275] : memref<10000xi32, #tpu.memory_space<vmem>> -> memref<80xi32, #tpu.memory_space<vmem>>
          %dma_start3A_287 = arith.constant 0 : i32
          %dma_start3A_288 = arith.constant 0 : i32
          %dma_start3A_289 = tpu.memref_slice %arg5[%dma_start3A_287, %dma_start3A_288] : memref<10000x64xf32, #tpu.memory_space<hbm>> -> memref<10000x64xf32, #tpu.memory_space<hbm>>
          tpu.enqueue_indirect_dma source(%dma_start3A_289 : memref<10000x64xf32, #tpu.memory_space<hbm>>) target(%dma_start3A_285 : memref<80x64xf32, #tpu.memory_space<vmem>>) offsets(%dma_start3A_286 : memref<80xi32, #tpu.memory_space<vmem>>) semaphore(%arg13 : memref<!tpu.dma_semaphore, #tpu.memory_space<semaphore_mem>>)
          %mul3A_290 = arith.constant 400 : i32
          %mul3A_291 = arith.muli %add3A_217, %mul3A_290 : i32
          %add3A_292 = arith.constant 320 : i32
          %add3A_293 = arith.addi %mul3A_291, %add3A_292 : i32
          %dma_start3A_294 = arith.constant 320 : i32
          %dma_start3A_295 = arith.constant 0 : i32
          %dma_start3A_296 = tpu.memref_slice %arg9[%dma_start3A_294, %dma_start3A_295] : memref<400x64xf32, #tpu.memory_space<vmem>> -> memref<80x64xf32, #tpu.memory_space<vmem>>
          %dma_start3A_297 = tpu.memref_slice %arg7[%add3A_293] : memref<10000xi32, #tpu.memory_space<vmem>> -> memref<80xi32, #tpu.memory_space<vmem>>
          %dma_start3A_298 = arith.constant 0 : i32
          %dma_start3A_299 = arith.constant 0 : i32
          %dma_start3A_300 = tpu.memref_slice %arg4[%dma_start3A_298, %dma_start3A_299] : memref<10000x64xf32, #tpu.memory_space<hbm>> -> memref<10000x64xf32, #tpu.memory_space<hbm>>
          tpu.enqueue_indirect_dma source(%dma_start3A_300 : memref<10000x64xf32, #tpu.memory_space<hbm>>) target(%dma_start3A_296 : memref<80x64xf32, #tpu.memory_space<vmem>>) offsets(%dma_start3A_297 : memref<80xi32, #tpu.memory_space<vmem>>) semaphore(%arg13 : memref<!tpu.dma_semaphore, #tpu.memory_space<semaphore_mem>>)
          %dma_start3A_301 = arith.constant 320 : i32
          %dma_start3A_302 = arith.constant 0 : i32
          %dma_start3A_303 = tpu.memref_slice %arg10[%dma_start3A_301, %dma_start3A_302] : memref<400x64xf32, #tpu.memory_space<vmem>> -> memref<80x64xf32, #tpu.memory_space<vmem>>
          %dma_start3A_304 = tpu.memref_slice %arg8[%add3A_293] : memref<10000xi32, #tpu.memory_space<vmem>> -> memref<80xi32, #tpu.memory_space<vmem>>
          %dma_start3A_305 = arith.constant 0 : i32
          %dma_start3A_306 = arith.constant 0 : i32
          %dma_start3A_307 = tpu.memref_slice %arg5[%dma_start3A_305, %dma_start3A_306] : memref<10000x64xf32, #tpu.memory_space<hbm>> -> memref<10000x64xf32, #tpu.memory_space<hbm>>
          tpu.enqueue_indirect_dma source(%dma_start3A_307 : memref<10000x64xf32, #tpu.memory_space<hbm>>) target(%dma_start3A_303 : memref<80x64xf32, #tpu.memory_space<vmem>>) offsets(%dma_start3A_304 : memref<80xi32, #tpu.memory_space<vmem>>) semaphore(%arg13 : memref<!tpu.dma_semaphore, #tpu.memory_space<semaphore_mem>>)
        } else {
        }
      } else {
      }
    }
    %scan3A_86 = arith.constant 25 : i32
    %add3A_87 = arith.constant 9600 : i32
    %add3A_88 = arith.addi %mul3A_2, %add3A_87 : i32
    %dma_wait3A = arith.constant 0 : i32
    %dma_wait3A_89 = tpu.memref_slice %arg6[%add3A_88, %dma_wait3A] : memref<320000x128xf32, #tpu.memory_space<hbm>> -> memref<400x64xf32, #tpu.memory_space<hbm>>
    %dma_wait3A_90 = arith.constant 0 : i32
    %dma_wait3A_91 = tpu.memref_slice %arg6[%add3A_88, %dma_wait3A_90] : memref<320000x128xf32, #tpu.memory_space<hbm>> -> memref<400x64xf32, #tpu.memory_space<hbm>>
    tpu.wait_dma2 semaphore(%arg15 : memref<!tpu.dma_semaphore, #tpu.memory_space<semaphore_mem>>) src(%arg9 : memref<400x64xf32, #tpu.memory_space<vmem>>) dst(%dma_wait3A_91 : memref<400x64xf32, #tpu.memory_space<hbm>>)
    %dma_wait3A_92 = arith.constant 64 : i32
    %dma_wait3A_93 = tpu.memref_slice %arg6[%add3A_88, %dma_wait3A_92] : memref<320000x128xf32, #tpu.memory_space<hbm>> -> memref<400x64xf32, #tpu.memory_space<hbm>>
    %dma_wait3A_94 = arith.constant 64 : i32
    %dma_wait3A_95 = tpu.memref_slice %arg6[%add3A_88, %dma_wait3A_94] : memref<320000x128xf32, #tpu.memory_space<hbm>> -> memref<400x64xf32, #tpu.memory_space<hbm>>
    tpu.wait_dma2 semaphore(%arg15 : memref<!tpu.dma_semaphore, #tpu.memory_space<semaphore_mem>>) src(%arg10 : memref<400x64xf32, #tpu.memory_space<vmem>>) dst(%dma_wait3A_95 : memref<400x64xf32, #tpu.memory_space<hbm>>)
    return
  }
}

module attributes {stable_mosaic.version = 14 : i64} {
  func.func @_proj_body(%arg0: memref<10000x128xf32, #tpu.memory_space<vmem>>, %arg1: memref<128x64xf32, #tpu.memory_space<vmem>>, %arg2: memref<128x64xf32, #tpu.memory_space<vmem>>, %arg3: memref<10000x64xf32, #tpu.memory_space<vmem>>, %arg4: memref<10000x64xf32, #tpu.memory_space<vmem>>) attributes {dimension_semantics = [], scalar_prefetch = 0 : i64, scratch_operands = 0 : i64, tpu.core_type = #tpu.core_type<tc>} {
    %get3A = arith.constant 0 : index
    %get3A_0 = arith.constant 0 : index
    %get3A_1 = vector.load %arg0[%get3A, %get3A_0] : memref<10000x128xf32, #tpu.memory_space<vmem>>, vector<10000x128xf32>
    %get3A_2 = arith.constant 0 : index
    %get3A_3 = arith.constant 0 : index
    %get3A_4 = vector.load %arg1[%get3A_2, %get3A_3] : memref<128x64xf32, #tpu.memory_space<vmem>>, vector<128x64xf32>
    %dot_general3A = arith.constant dense<0.000000e+00> : vector<10000x64xf32>
    %dot_general3A_5 = tpu.matmul %get3A_1, %get3A_4, %dot_general3A {dimension_numbers = #tpu.dot_dimension_numbers<[1], [0], [0], [1], [0, 0, 1, 1], [], []>, transpose_lhs_hint = false} : vector<10000x128xf32>, vector<128x64xf32>, vector<10000x64xf32> -> vector<10000x64xf32>
    %swap3A = arith.constant 0 : index
    %swap3A_6 = arith.constant 0 : index
    %swap3A_7 = vector.load %arg3[%swap3A, %swap3A_6] : memref<10000x64xf32, #tpu.memory_space<vmem>>, vector<10000x64xf32>
    tpu.vector_store %arg3[%swap3A, %swap3A_6], %dot_general3A_5 {strides = array<i32>} : memref<10000x64xf32, #tpu.memory_space<vmem>>, vector<10000x64xf32>,
    %get3A_8 = arith.constant 0 : index
    %get3A_9 = arith.constant 0 : index
    %get3A_10 = vector.load %arg2[%get3A_8, %get3A_9] : memref<128x64xf32, #tpu.memory_space<vmem>>, vector<128x64xf32>
    %dot_general3A_11 = arith.constant dense<0.000000e+00> : vector<10000x64xf32>
    %dot_general3A_12 = tpu.matmul %get3A_1, %get3A_10, %dot_general3A_11 {dimension_numbers = #tpu.dot_dimension_numbers<[1], [0], [0], [1], [0, 0, 1, 1], [], []>, transpose_lhs_hint = false} : vector<10000x128xf32>, vector<128x64xf32>, vector<10000x64xf32> -> vector<10000x64xf32>
    %swap3A_13 = arith.constant 0 : index
    %swap3A_14 = arith.constant 0 : index
    %swap3A_15 = vector.load %arg4[%swap3A_13, %swap3A_14] : memref<10000x64xf32, #tpu.memory_space<vmem>>, vector<10000x64xf32>
    tpu.vector_store %arg4[%swap3A_13, %swap3A_14], %dot_general3A_12 {strides = array<i32>} : memref<10000x64xf32, #tpu.memory_space<vmem>>, vector<10000x64xf32>,
    return
  }
}

module attributes {stable_mosaic.version = 14 : i64} {
  func.func @_edge_body(%arg0: i32, %arg1: memref<4000x128xf32, #tpu.memory_space<vmem>>, %arg2: memref<4000x16xf32, #tpu.memory_space<vmem>>, %arg3: memref<16x64xf32, #tpu.memory_space<vmem>>, %arg4: memref<1x64xf32, #tpu.memory_space<vmem>>, %arg5: memref<64x64xf32, #tpu.memory_space<vmem>>, %arg6: memref<1x64xf32, #tpu.memory_space<vmem>>, %arg7: memref<4000x64xf32, #tpu.memory_space<vmem>>) attributes {dimension_semantics = [#tpu.dimension_semantics<arbitrary>], iteration_bounds = array<i64: 80>, scalar_prefetch = 0 : i64, scratch_operands = 0 : i64, tpu.core_type = #tpu.core_type<tc>, window_params = [{transform_indices = @transform_0, window_bounds = array<i64: 4000, 128>}, {transform_indices = @transform_1, window_bounds = array<i64: 4000, 16>}, {pipeline_mode = #tpu.pipeline_mode<synchronous>, transform_indices = @transform_2, window_bounds = array<i64: 16, 64>}, {pipeline_mode = #tpu.pipeline_mode<synchronous>, transform_indices = @transform_3, window_bounds = array<i64: 1, 64>}, {pipeline_mode = #tpu.pipeline_mode<synchronous>, transform_indices = @transform_4, window_bounds = array<i64: 64, 64>}, {pipeline_mode = #tpu.pipeline_mode<synchronous>, transform_indices = @transform_5, window_bounds = array<i64: 1, 64>}, {transform_indices = @transform_6, window_bounds = array<i64: 4000, 64>}]} {
    %get3A = arith.constant 0 : index
    %get3A_0 = arith.constant 0 : index
    %get3A_1 = vector.load %arg1[%get3A, %get3A_0] : memref<4000x128xf32, #tpu.memory_space<vmem>>, vector<4000x64xf32>
    %get3A_2 = arith.constant 0 : index
    %get3A_3 = arith.constant 64 : index
    %get3A_4 = vector.load %arg1[%get3A_2, %get3A_3] : memref<4000x128xf32, #tpu.memory_space<vmem>>, vector<4000x64xf32>
    %add3A = arith.addf %get3A_1, %get3A_4 : vector<4000x64xf32>
    %get3A_5 = arith.constant 0 : index
    %get3A_6 = arith.constant 0 : index
    %get3A_7 = vector.load %arg2[%get3A_5, %get3A_6] : memref<4000x16xf32, #tpu.memory_space<vmem>>, vector<4000x16xf32>
    %get3A_8 = arith.constant 0 : index
    %get3A_9 = arith.constant 0 : index
    %get3A_10 = vector.load %arg3[%get3A_8, %get3A_9] : memref<16x64xf32, #tpu.memory_space<vmem>>, vector<16x64xf32>
    %dot_general3A = arith.constant dense<0.000000e+00> : vector<4000x64xf32>
    %dot_general3A_11 = tpu.matmul %get3A_7, %get3A_10, %dot_general3A {dimension_numbers = #tpu.dot_dimension_numbers<[1], [0], [0], [1], [0, 0, 1, 1], [], []>, transpose_lhs_hint = false} : vector<4000x16xf32>, vector<16x64xf32>, vector<4000x64xf32> -> vector<4000x64xf32>
    %add3A_12 = arith.addf %add3A, %dot_general3A_11 : vector<4000x64xf32>
    %get3A_13 = arith.constant 0 : index
    %get3A_14 = arith.constant 0 : index
    %get3A_15 = vector.load %arg4[%get3A_13, %get3A_14] : memref<1x64xf32, #tpu.memory_space<vmem>>, vector<1x64xf32>
    %add3A_16 = vector.broadcast %get3A_15 : vector<1x64xf32> to vector<4000x64xf32>
    %add3A_17 = arith.addf %add3A_12, %add3A_16 : vector<4000x64xf32>
    %logistic3A = arith.negf %add3A_17 : vector<4000x64xf32>
    %logistic3A_18 = math.exp %logistic3A : vector<4000x64xf32>
    %logistic3A_19 = arith.constant 1.000000e+00 : f32
    %logistic3A_20 = vector.broadcast %logistic3A_19 : f32 to vector<4000x64xf32>
    %logistic3A_21 = arith.addf %logistic3A_20, %logistic3A_18 : vector<4000x64xf32>
    %logistic3A_22 = arith.divf %logistic3A_20, %logistic3A_21 : vector<4000x64xf32>
    %mul3A = arith.mulf %add3A_17, %logistic3A_22 : vector<4000x64xf32>
    %get3A_23 = arith.constant 0 : index
    %get3A_24 = arith.constant 0 : index
    %get3A_25 = vector.load %arg5[%get3A_23, %get3A_24] : memref<64x64xf32, #tpu.memory_space<vmem>>, vector<64x64xf32>
    %dot_general3A_26 = arith.constant dense<0.000000e+00> : vector<4000x64xf32>
    %dot_general3A_27 = tpu.matmul %mul3A, %get3A_25, %dot_general3A_26 {dimension_numbers = #tpu.dot_dimension_numbers<[1], [0], [0], [1], [0, 0, 1, 1], [], []>, transpose_lhs_hint = false} : vector<4000x64xf32>, vector<64x64xf32>, vector<4000x64xf32> -> vector<4000x64xf32>
    %get3A_28 = arith.constant 0 : index
    %get3A_29 = arith.constant 0 : index
    %get3A_30 = vector.load %arg6[%get3A_28, %get3A_29] : memref<1x64xf32, #tpu.memory_space<vmem>>, vector<1x64xf32>
    %add3A_31 = vector.broadcast %get3A_30 : vector<1x64xf32> to vector<4000x64xf32>
    %add3A_32 = arith.addf %dot_general3A_27, %add3A_31 : vector<4000x64xf32>
    %logistic3A_33 = arith.negf %add3A_32 : vector<4000x64xf32>
    %logistic3A_34 = math.exp %logistic3A_33 : vector<4000x64xf32>
    %logistic3A_35 = arith.constant 1.000000e+00 : f32
    %logistic3A_36 = vector.broadcast %logistic3A_35 : f32 to vector<4000x64xf32>
    %logistic3A_37 = arith.addf %logistic3A_36, %logistic3A_34 : vector<4000x64xf32>
    %logistic3A_38 = arith.divf %logistic3A_36, %logistic3A_37 : vector<4000x64xf32>
    %mul3A_39 = arith.mulf %add3A_32, %logistic3A_38 : vector<4000x64xf32>
    %swap3A = arith.constant 0 : index
    %swap3A_40 = arith.constant 0 : index
    %swap3A_41 = vector.load %arg7[%swap3A, %swap3A_40] : memref<4000x64xf32, #tpu.memory_space<vmem>>, vector<4000x64xf32>
    tpu.vector_store %arg7[%swap3A, %swap3A_40], %mul3A_39 {strides = array<i32>} : memref<4000x64xf32, #tpu.memory_space<vmem>>, vector<4000x64xf32>,
    return
  }
  func.func @transform_0(%arg0: i32) -> (i32, i32) {
    %c0_i32 = arith.constant 0 : i32
    %c0_i32_0 = arith.constant 0 : i32
    return %arg0, %c0_i32 : i32, i32
  }
  func.func @transform_1(%arg0: i32) -> (i32, i32) {
    %c0_i32 = arith.constant 0 : i32
    %c0_i32_0 = arith.constant 0 : i32
    return %arg0, %c0_i32 : i32, i32
  }
  func.func @transform_2(%arg0: i32) -> (i32, i32) {
    %c0_i32 = arith.constant 0 : i32
    %c0_i32_0 = arith.constant 0 : i32
    %c0_i32_1 = arith.constant 0 : i32
    return %c0_i32, %c0_i32_0 : i32, i32
  }
  func.func @transform_3(%arg0: i32) -> (i32, i32) {
    %c0_i32 = arith.constant 0 : i32
    %c0_i32_0 = arith.constant 0 : i32
    %c0_i32_1 = arith.constant 0 : i32
    return %c0_i32, %c0_i32_0 : i32, i32
  }
  func.func @transform_4(%arg0: i32) -> (i32, i32) {
    %c0_i32 = arith.constant 0 : i32
    %c0_i32_0 = arith.constant 0 : i32
    %c0_i32_1 = arith.constant 0 : i32
    return %c0_i32, %c0_i32_0 : i32, i32
  }
  func.func @transform_5(%arg0: i32) -> (i32, i32) {
    %c0_i32 = arith.constant 0 : i32
    %c0_i32_0 = arith.constant 0 : i32
    %c0_i32_1 = arith.constant 0 : i32
    return %c0_i32, %c0_i32_0 : i32, i32
  }
  func.func @transform_6(%arg0: i32) -> (i32, i32) {
    %c0_i32 = arith.constant 0 : i32
    %c0_i32_0 = arith.constant 0 : i32
    return %arg0, %c0_i32 : i32, i32
  }
}

module attributes {stable_mosaic.version = 14 : i64} {
  func.func @_node_body(%arg0: memref<20000x64xf32, #tpu.memory_space<vmem>>, %arg1: memref<10000x128xf32, #tpu.memory_space<vmem>>, %arg2: memref<1x192xf32, #tpu.memory_space<vmem>>, %arg3: memref<1x192xf32, #tpu.memory_space<vmem>>, %arg4: memref<192x64xf32, #tpu.memory_space<vmem>>, %arg5: memref<1x64xf32, #tpu.memory_space<vmem>>, %arg6: memref<64x64xf32, #tpu.memory_space<vmem>>, %arg7: memref<1x64xf32, #tpu.memory_space<vmem>>, %arg8: memref<64x128xf32, #tpu.memory_space<vmem>>, %arg9: memref<1x128xf32, #tpu.memory_space<vmem>>, %arg10: memref<10000x128xf32, #tpu.memory_space<vmem>>) attributes {dimension_semantics = [], scalar_prefetch = 0 : i64, scratch_operands = 0 : i64, tpu.core_type = #tpu.core_type<tc>} {
    %get3A = arith.constant 0 : index
    %get3A_0 = arith.constant 0 : index
    %get3A_1 = vector.load %arg0[%get3A, %get3A_0] : memref<20000x64xf32, #tpu.memory_space<vmem>>, vector<10000x64xf32>
    %get3A_2 = arith.constant 10000 : index
    %get3A_3 = arith.constant 0 : index
    %get3A_4 = vector.load %arg0[%get3A_2, %get3A_3] : memref<20000x64xf32, #tpu.memory_space<vmem>>, vector<10000x64xf32>
    %add3A = arith.addf %get3A_1, %get3A_4 : vector<10000x64xf32>
    %get3A_5 = arith.constant 0 : index
    %get3A_6 = arith.constant 0 : index
    %get3A_7 = vector.load %arg1[%get3A_5, %get3A_6] : memref<10000x128xf32, #tpu.memory_space<vmem>>, vector<10000x128xf32>
    %concatenate3A = tpu.concatenate %add3A, %get3A_7 in 1 : vector<10000x64xf32>, vector<10000x128xf32> -> vector<10000x192xf32>
    %reduce_sum3A = arith.constant dense<0.000000e+00> : vector<192xf32>
    %reduce_sum3A_8 = vector.multi_reduction <add>, %concatenate3A, %reduce_sum3A [0] : vector<10000x192xf32> to vector<192xf32>
    %broadcast_in_dim3A = vector.shape_cast %reduce_sum3A_8 : vector<192xf32> to vector<1x192xf32>
    %div3A = arith.constant 1.000000e+04 : f32
    %div3A_9 = vector.broadcast %div3A : f32 to vector<1x192xf32>
    %div3A_10 = arith.divf %broadcast_in_dim3A, %div3A_9 : vector<1x192xf32>
    %sub3A = vector.broadcast %div3A_10 : vector<1x192xf32> to vector<10000x192xf32>
    %sub3A_11 = arith.subf %concatenate3A, %sub3A : vector<10000x192xf32>
    %mul3A = arith.mulf %sub3A_11, %sub3A_11 : vector<10000x192xf32>
    %reduce_sum3A_12 = arith.constant dense<0.000000e+00> : vector<192xf32>
    %reduce_sum3A_13 = vector.multi_reduction <add>, %mul3A, %reduce_sum3A_12 [0] : vector<10000x192xf32> to vector<192xf32>
    %broadcast_in_dim3A_14 = vector.shape_cast %reduce_sum3A_13 : vector<192xf32> to vector<1x192xf32>
    %div3A_15 = arith.constant 1.000000e+04 : f32
    %div3A_16 = vector.broadcast %div3A_15 : f32 to vector<1x192xf32>
    %div3A_17 = arith.divf %broadcast_in_dim3A_14, %div3A_16 : vector<1x192xf32>
    %get3A_18 = arith.constant 0 : index
    %get3A_19 = arith.constant 0 : index
    %get3A_20 = vector.load %arg2[%get3A_18, %get3A_19] : memref<1x192xf32, #tpu.memory_space<vmem>>, vector<1x192xf32>
    %add3A_21 = arith.constant 9.99999974E-6 : f32
    %add3A_22 = vector.broadcast %add3A_21 : f32 to vector<1x192xf32>
    %add3A_23 = arith.addf %div3A_17, %add3A_22 : vector<1x192xf32>
    %rsqrt3A = math.rsqrt %add3A_23 : vector<1x192xf32>
    %mul3A_24 = arith.mulf %get3A_20, %rsqrt3A : vector<1x192xf32>
    %mul3A_25 = vector.broadcast %mul3A_24 : vector<1x192xf32> to vector<10000x192xf32>
    %mul3A_26 = arith.mulf %sub3A_11, %mul3A_25 : vector<10000x192xf32>
    %get3A_27 = arith.constant 0 : index
    %get3A_28 = arith.constant 0 : index
    %get3A_29 = vector.load %arg3[%get3A_27, %get3A_28] : memref<1x192xf32, #tpu.memory_space<vmem>>, vector<1x192xf32>
    %add3A_30 = vector.broadcast %get3A_29 : vector<1x192xf32> to vector<10000x192xf32>
    %add3A_31 = arith.addf %mul3A_26, %add3A_30 : vector<10000x192xf32>
    %get3A_32 = arith.constant 0 : index
    %get3A_33 = arith.constant 0 : index
    %get3A_34 = vector.load %arg4[%get3A_32, %get3A_33] : memref<192x64xf32, #tpu.memory_space<vmem>>, vector<192x64xf32>
    %dot_general3A = arith.constant dense<0.000000e+00> : vector<10000x64xf32>
    %dot_general3A_35 = tpu.matmul %add3A_31, %get3A_34, %dot_general3A {dimension_numbers = #tpu.dot_dimension_numbers<[1], [0], [0], [1], [0, 0, 1, 1], [], []>, transpose_lhs_hint = false} : vector<10000x192xf32>, vector<192x64xf32>, vector<10000x64xf32> -> vector<10000x64xf32>
    %get3A_36 = arith.constant 0 : index
    %get3A_37 = arith.constant 0 : index
    %get3A_38 = vector.load %arg5[%get3A_36, %get3A_37] : memref<1x64xf32, #tpu.memory_space<vmem>>, vector<1x64xf32>
    %add3A_39 = vector.broadcast %get3A_38 : vector<1x64xf32> to vector<10000x64xf32>
    %add3A_40 = arith.addf %dot_general3A_35, %add3A_39 : vector<10000x64xf32>
    %logistic3A = arith.negf %add3A_40 : vector<10000x64xf32>
    %logistic3A_41 = math.exp %logistic3A : vector<10000x64xf32>
    %logistic3A_42 = arith.constant 1.000000e+00 : f32
    %logistic3A_43 = vector.broadcast %logistic3A_42 : f32 to vector<10000x64xf32>
    %logistic3A_44 = arith.addf %logistic3A_43, %logistic3A_41 : vector<10000x64xf32>
    %logistic3A_45 = arith.divf %logistic3A_43, %logistic3A_44 : vector<10000x64xf32>
    %mul3A_46 = arith.mulf %add3A_40, %logistic3A_45 : vector<10000x64xf32>
    %get3A_47 = arith.constant 0 : index
    %get3A_48 = arith.constant 0 : index
    %get3A_49 = vector.load %arg6[%get3A_47, %get3A_48] : memref<64x64xf32, #tpu.memory_space<vmem>>, vector<64x64xf32>
    %dot_general3A_50 = arith.constant dense<0.000000e+00> : vector<10000x64xf32>
    %dot_general3A_51 = tpu.matmul %mul3A_46, %get3A_49, %dot_general3A_50 {dimension_numbers = #tpu.dot_dimension_numbers<[1], [0], [0], [1], [0, 0, 1, 1], [], []>, transpose_lhs_hint = false} : vector<10000x64xf32>, vector<64x64xf32>, vector<10000x64xf32> -> vector<10000x64xf32>
    %get3A_52 = arith.constant 0 : index
    %get3A_53 = arith.constant 0 : index
    %get3A_54 = vector.load %arg7[%get3A_52, %get3A_53] : memref<1x64xf32, #tpu.memory_space<vmem>>, vector<1x64xf32>
    %add3A_55 = vector.broadcast %get3A_54 : vector<1x64xf32> to vector<10000x64xf32>
    %add3A_56 = arith.addf %dot_general3A_51, %add3A_55 : vector<10000x64xf32>
    %logistic3A_57 = arith.negf %add3A_56 : vector<10000x64xf32>
    %logistic3A_58 = math.exp %logistic3A_57 : vector<10000x64xf32>
    %logistic3A_59 = arith.constant 1.000000e+00 : f32
    %logistic3A_60 = vector.broadcast %logistic3A_59 : f32 to vector<10000x64xf32>
    %logistic3A_61 = arith.addf %logistic3A_60, %logistic3A_58 : vector<10000x64xf32>
    %logistic3A_62 = arith.divf %logistic3A_60, %logistic3A_61 : vector<10000x64xf32>
    %mul3A_63 = arith.mulf %add3A_56, %logistic3A_62 : vector<10000x64xf32>
    %get3A_64 = arith.constant 0 : index
    %get3A_65 = arith.constant 0 : index
    %get3A_66 = vector.load %arg8[%get3A_64, %get3A_65] : memref<64x128xf32, #tpu.memory_space<vmem>>, vector<64x128xf32>
    %dot_general3A_67 = arith.constant dense<0.000000e+00> : vector<10000x128xf32>
    %dot_general3A_68 = tpu.matmul %mul3A_63, %get3A_66, %dot_general3A_67 {dimension_numbers = #tpu.dot_dimension_numbers<[1], [0], [0], [1], [0, 0, 1, 1], [], []>, transpose_lhs_hint = false} : vector<10000x64xf32>, vector<64x128xf32>, vector<10000x128xf32> -> vector<10000x128xf32>
    %get3A_69 = arith.constant 0 : index
    %get3A_70 = arith.constant 0 : index
    %get3A_71 = vector.load %arg9[%get3A_69, %get3A_70] : memref<1x128xf32, #tpu.memory_space<vmem>>, vector<1x128xf32>
    %add3A_72 = vector.broadcast %get3A_71 : vector<1x128xf32> to vector<10000x128xf32>
    %add3A_73 = arith.addf %dot_general3A_68, %add3A_72 : vector<10000x128xf32>
    %add3A_74 = arith.addf %get3A_7, %add3A_73 : vector<10000x128xf32>
    %swap3A = arith.constant 0 : index
    %swap3A_75 = arith.constant 0 : index
    %swap3A_76 = vector.load %arg10[%swap3A, %swap3A_75] : memref<10000x128xf32, #tpu.memory_space<vmem>>, vector<10000x128xf32>
    tpu.vector_store %arg10[%swap3A, %swap3A_75], %add3A_74 {strides = array<i32>} : memref<10000x128xf32, #tpu.memory_space<vmem>>, vector<10000x128xf32>,
    return
  }
}

</mosaic_0001>

<sc_bundles>
// kernel: kernel.10.cloned.1.call-start
scs
__scs_entry_jumppad:
0x0: {  	(pc) =	sbr.rel $0x88, $3  }
0x1: {  	(tag) =	ssettag $0x0;
	lr =	simm.s32 $0x1  }
0x2: {  	[smem:$0x3F92] =	sst lr;
	_ =	strace $0xD0000000  }
0x3: {  	_ = 	snop  }
0x4: {  	_ = 	snop  }
0x5: {  	_ = 	snop  }
0x6: {  	_ = 	snop  }
0x7: {  	_ = 	snop  }
__scs_overlays_trampoline_lowered:
0x8: {  	[smem:$0x3FA1] =	sst s0  }
0x9: {  	[smem:$0x3FA2] =	sst s1  }
0xa: {  	[smem:$0x3FA3] =	sst s2  }
0xb: {  	[smem:$0x3FA4] =	sst s3  }
0xc: {  	[smem:$0x3FA5] =	sst s4  }
0xd: {  	[smem:$0x3FA6] =	sst s5  }
0xe: {  	[smem:$0x3FA7] =	sst s6  }
0xf: {  	[smem:$0x3FA8] =	sst s7  }
0x10: {  	[smem:$0x3FA9] =	sst s8  }
0x11: {  	[smem:$0x3FAA] =	sst s9;
	s0 =	simm.s32 @!p0 $0x0  }
0x12: {  	s1 =	sld [smem:$0x3F90];
	s0 =	simm.s32 @p0 $0x1  }
0x13: {  	[smem:$0x3FAB] =	sst s0;
	s0 =	simm.s32 @!p1 $0x0  }
0x14: {  	s2 =	sld [smem:$0x3F8F];
	s0 =	simm.s32 @p1 $0x1  }
0x15: {  	[smem:$0x3FAC] =	sst s0;
	s0 =	simm.s32 @!p2 $0x0  }
0x16: {  	s3 =	sld [smem:$0x3FDB];
	s0 =	simm.s32 @p2 $0x1  }
0x17: {  	s4 =	simm.s32 $0x1BF5;
	[smem:$0x3FAE] =	sst s0  }
0x18: {  	s0 =	sld [smem:$0x3F91];
	_ =	swait.ge [sflag:s4], $0x0  }
0x19: {  	s7 =	sld [smem:$0x3F92]  }
0x1a: {  	s8 =	sadd.s32 $0xFFFFE003, lr  }
0x1b: {  	s9 =	sadd.s32 $0xFFFFFEF7, lr;
	s5 =	simm.s32 $0xFFFFFFFF;
	p2 =	slt.u32 s8, $0xFFFFF086  }
0x1c: {  	p1 =	slt.u32 s9, $0xF7A;
	s5 =	simm.s32 @!p2 $0x0  }
0x1d: {  	s5 =	simm.s32 @p1 $0x1;
	p0 =	seq.s32 s7, s2  }
0x1e: {  	s7 =	smul.u32 @!p0 $0xF7A, s2;
	p2 =	seq.s32 @!p0 s5, $0x0  }
0x1f: {  	s9 =	smul.u32 $0xF7A, s1;
	s8 =	simm.s32 @!p0 $0x1BF5;
	p2 =	por !p2, p0  }
0x20: {  	[sflag:s8] =	ssyncset.s32 @!p0 $0xFFFFF086;
	s6 =	sadd.s32 @!p0 s3, s7;
	s7 =	simm.s32 @!p0 $0x108  }
0x21: {  	s3 =	sadd.s32 s3, s9;
	s6 =	sadd.s32 @!p0 $0x88, s6;
	s7 =	simm.s32 @p2 $0x1082  }
0x22: {  	[simem:s7], [sflag:s8] =	dma.local @!p0 [hbm:s6], $0xF7A  }
0x23: {  	s9 =	sor.u32 $0xD0000000, s2;
	s6 =	simm.s32 $0x108;
	_ =	swait.ge @!p0 [sflag:s8], $0x0  }
0x24: {  	s3 =	sadd.s32 $0x88, s3;
	s6 =	simm.s32 @!p1 $0x1082;
	[sflag:s4] =	ssyncset.s32 $0xFFFFF086  }
0x25: {  	[simem:s6], [sflag:s4] =	dma.local [hbm:s3], $0xF7A  }
0x26: {  	[smem:$0x3F92] =	sst s1;
	(tag) =	ssettag s2;
	_ =	strace s9  }
0x27: {  	s1 =	sld [smem:$0x3FA2]  }
0x28: {  	s2 =	sld [smem:$0x3FA3]  }
0x29: {  	s4 =	sld [smem:$0x3FA5]  }
0x2a: {  	p0 =	seq.s32 s5, $0x0;
	s5 =	sld [smem:$0x3FA6]  }
0x2b: {  	s6 =	sld [smem:$0x3FA7]  }
0x2c: {  	s7 =	sld [smem:$0x3FA8]  }
0x2d: {  	s3 =	simm.s32 $0x108;
	s8 =	sld [smem:$0x3FA9]  }
0x2e: {  	s3 =	simm.s32 @!p0 $0x1082;
	s9 =	sld [smem:$0x3FAA]  }
0x2f: {  	lr =	sadd.s32 s0, s3;
	s0 =	sld [smem:$0x3FA1]  }
0x30: {  	s3 =	sld [smem:$0x3FA4]  }
0x31: {  	[smem:$0x3FAD] =	sst s10  }
0x32: {  	s10 =	sld [smem:$0x3FAB];
	_ =	sdelay $0x3  }
0x33: {  	p0 =	seq.s32 s10, $0x1;
	s10 =	sld [smem:$0x3FAD];
	_ =	sdelay $0x3  }
0x34: {  	[smem:$0x3FAD] =	sst s10  }
0x35: {  	s10 =	sld [smem:$0x3FAC];
	_ =	sdelay $0x3  }
0x36: {  	p1 =	seq.s32 s10, $0x1;
	s10 =	sld [smem:$0x3FAD];
	_ =	sdelay $0x3  }
0x37: {  	[smem:$0x3FAD] =	sst s10  }
0x38: {  	s10 =	sld [smem:$0x3FAE]  }
0x39: {  	_ = 	snop;
	(pc) =	sbr.ind lr, $3  }
0x3a: {  	_ = 	snop  }
0x3b: {  	_ = 	snop  }
0x3c: {  	p2 =	seq.s32 s10, $0x1;
	s10 =	sld [smem:$0x3FAD]  }
0x3d: {  	_ =	shalt  }
0x3e: {  	_ =	shalt  }
0x3f: {  	_ =	shalt  }
0x40: {  	_ =	shalt  }
0x41: {  	_ =	shalt  }
0x42: {  	_ =	shalt  }
0x43: {  	_ =	shalt  }
0x44: {  	_ =	shalt  }
0x45: {  	_ =	shalt  }
0x46: {  	_ =	shalt  }
0x47: {  	_ =	shalt  }
0x48: {  	_ =	shalt  }
0x49: {  	_ =	shalt  }
0x4a: {  	_ =	shalt  }
0x4b: {  	_ =	shalt  }
0x4c: {  	_ =	shalt  }
0x4d: {  	_ =	shalt  }
0x4e: {  	_ =	shalt  }
0x4f: {  	_ =	shalt  }
0x50: {  	_ =	shalt  }
0x51: {  	_ =	shalt  }
0x52: {  	_ =	shalt  }
0x53: {  	_ =	shalt  }
0x54: {  	_ =	shalt  }
0x55: {  	_ =	shalt  }
0x56: {  	_ =	shalt  }
0x57: {  	_ =	shalt  }
0x58: {  	_ =	shalt  }
0x59: {  	_ =	shalt  }
0x5a: {  	_ =	shalt  }
0x5b: {  	_ =	shalt  }
0x5c: {  	_ =	shalt  }
0x5d: {  	_ =	shalt  }
0x5e: {  	_ =	shalt  }
0x5f: {  	_ =	shalt  }
0x60: {  	_ =	shalt  }
0x61: {  	_ =	shalt  }
0x62: {  	_ =	shalt  }
0x63: {  	_ =	shalt  }
0x64: {  	_ =	shalt  }
0x65: {  	_ =	shalt  }
0x66: {  	_ =	shalt  }
0x67: {  	_ =	shalt  }
0x68: {  	_ =	shalt  }
0x69: {  	_ =	shalt  }
0x6a: {  	_ =	shalt  }
0x6b: {  	_ =	shalt  }
0x6c: {  	_ =	shalt  }
0x6d: {  	_ =	shalt  }
0x6e: {  	_ =	shalt  }
0x6f: {  	_ =	shalt  }
0x70: {  	_ =	shalt  }
0x71: {  	_ =	shalt  }
0x72: {  	_ =	shalt  }
0x73: {  	_ =	shalt  }
0x74: {  	_ =	shalt  }
0x75: {  	_ =	shalt  }
0x76: {  	_ =	shalt  }
0x77: {  	_ =	shalt  }
0x78: {  	_ =	shalt  }
0x79: {  	_ =	shalt  }
0x7a: {  	_ =	shalt  }
0x7b: {  	_ =	shalt  }
0x7c: {  	_ =	shalt  }
0x7d: {  	_ =	shalt  }
0x7e: {  	_ =	shalt  }
0x7f: {  	_ =	shalt  }
0x80: {  	_ =	shalt  }
0x81: {  	_ =	shalt  }
0x82: {  	_ =	shalt  }
0x83: {  	_ =	shalt  }
0x84: {  	_ =	shalt  }
0x85: {  	_ =	shalt  }
0x86: {  	_ =	shalt  }
0x87: {  	_ =	shalt  }
.Lfunc_end0:
.L_simem_size_0:
called_computation.1_lowered:
.L_overlay_start_0:
0x88: {  	s2 =	sld [smem:$0x3FD9]  }
0x89: {  	s3 =	sld [smem:$0x3FFE];
	_ =	sdelay $0x1  }
0x8a: {  	s1 =	srdreg.scid  }
0x8b: {  	s0 =	sand.u32 $0x1, s1  }
0x8c: {  	s17 =	sshll.u32 s0, $0xA;
	s2 =	sadd.s32 s3, s2  }
0x8d: {  	s2 =	sadd.s32 s2, s17  }
0x8e: {  	[smem:$0x3FB9] =	sst s2  }
0x8f: {  	_ = 	snop  }
0x90: {  	s2 =	sld [smem:$0x3FD0];
	(tm) =	ssettm $0x1  }
0x91: {  	s18 =	sld [smem:$0x3FFB];
	_ =	sdelay $0x3  }
0x92: {  	_ =	strace s18  }
0x93: {  	s3 =	sld [smem:$0x3FFC];
	_ =	sdelay $0x3  }
0x94: {  	_ =	strace s3  }
0x95: {  	s3 =	sld [smem:$0x3FFD];
	_ =	sdelay $0x3  }
0x96: {  	_ =	strace s3  }
0x97: {  	_ =	strace $0x8FFFFFFF  }
0x98: {  	s19 =	sld [smem:$0x3FDB];
	_ =	sdelay $0x1  }
0x99: {  	s4 =	simm.s32 $_scs_section_size  }
0x9a: {  	s5 =	simm.s32 $_size__tile_overlayer_lowered;
	s6 =	simm.s32 $_tile_overlayer_lowered  }
0x9b: {  	s22 =	simm.s32 $0x1BFF;
	s21 =	sshll.u32 s6, $0x1;
	s3 =	sadd.s32 s4, s19  }
0x9c: {  	s7 =	simm.s32 $0x0;
	s20 =	sshll.u32 s5, $0x1;
	s5 =	sadd.s32 s21, s3  }
0x9d: {  	[timem:s7], [sflag:s22] =	dma.local [hbm:s5], s20  }
0x9e: {  	_ =	swait.ge [sflag:s22], s20  }
0x9f: {  	s4 =	ssub.s32 $0x0, s20;
	[sflag:s22] =	ssyncset.done $0x0  }
0xa0: {  	[sflag:s22] =	ssyncadd.s32 s4;
	_ =	sdelay $0x1  }
0xa1: {  	s23 =	simm.s32 $0x1B8B  }
0xa2: {  	_ =	swait.ge [sflag:s23], $0x1  }
0xa3: {  	[sflag:s23] =	ssyncset.done $0x0  }
0xa4: {  	s25 =	simm.s32 $0x1B8E;
	s24 =	sld [smem:$0x3FFE];
	[sflag:s23] =	ssyncadd.s32 $0xFFFFFFFF  }
0xa5: {  	s26 =	simm.s32 $execute0_lowered;
	[smem:$0x3FD2] =	sst s25  }
0xa6: {  	s5 =	sshll.u32 s26, $0x1;
	_ =	strace $0x80000049;
	[dreg:$0x1] =	wrdreg $0xFFFFFFFF  }
0xa7: {  	s28 =	simm.s32 $_size_execute0_lowered;
	s3 =	sadd.s32 s3, s5;
	[dreg:$0x0] =	wrdreg $0x0  }
0xa8: {  	s5 =	sshll.u32 s28, $0x1;
	[dreg:$0x2] =	wrdreg s3  }
0xa9: {  	[dreg:$0x3] =	wrdreg s5  }
0xaa: {  	[dreg:$0x4] =	wrdreg $0xC0  }
0xab: {  	_ =	task [dreg:s7], $0x5FFFF  }
0xac: {  	[dreg:$0x1] =	wrdreg $0xFFFFFFFF  }
0xad: {  	[dreg:$0x0] =	wrdreg $0x60  }
0xae: {  	[dreg:$0x2] =	wrdreg s24  }
0xaf: {  	[dreg:$0x3] =	wrdreg s2  }
0xb0: {  	[dreg:$0x4] =	wrdreg $0xCB200  }
0xb1: {  	[dreg:$0x5] =	wrdreg $0x9  }
0xb2: {  	_ =	task.clear_ibuf [dreg:s7], $0x6FFFF;
	_ =	strace $0x90000049  }
0xb3: {  	s29 =	simm.s32 $0x9;
	_ =	strace $0x8000004B  }
0xb4: {  	_ =	swait.ge [sflag:s29], $0x1  }
0xb5: {  	[sflag:s29] =	ssyncadd.s32 $0xFFFFFFFF  }
0xb6: {  	_ =	strace $0x9000004B  }
0xb7: {  	_ =	sfence  }
0xb8: {  	s30 =	sld [smem:$0x0];
	_ =	sdelay $0x2  }
0xb9: {  	s31 =	sshll.u32 s1, $0xD;
	s1 =	sshrl.u32 s1, $0x2  }
0xba: {  	s3 =	sand.u32 $0x4000, s31;
	s1 =	sadd.s32 s1, s30  }
0xbb: {  	s0 =	sor.u32 s3, s0;
	s1 =	sshll.u32 s1, $0x11  }
0xbc: {  	s0 =	sor.u32 s1, s0  }
0xbd: {  	s0 =	sadd.s32 $0x8F2B, s0  }
0xbe: {  	[sflag:s0] =	ssyncadd.remote.s32 $0x1  }
0xbf: {  	_ =	sfence.sel $0xFFFF  }
0xc0: {  	[dreg:$0x0] =	wrdreg $0xFFFFFFFF;
	(pc) =	sbr.abs _section_cstart, $3  }
0xc1: {  	[dreg:$0x1] =	wrdreg $0xFFFFFFFF  }
0xc2: {  	_ =	task.clear_ibuf [dreg:s7], $0x2FFFF;
	_ =	strace $0x9FFFFFFF  }
0xc3: {  	(tm) =	ssettm $0x7FFFFFFF  }
tec
execute0_lowered:
.L_overlay_start_1:
0x0: {  	(tag) =	ssettag $0x1  }
0x1: {  	s0 =	rddreg [dreg:$0x0]  }
0x2: {  	s1 =	rddreg [dreg:$0x1]  }
0x3: {  	s2 =	rddreg [dreg:$0x2];
	s11 =	stileid.u32  }
0x4: {  	s4 =	srdreg.scid;
	s6 =	smul.u32 $0x27100, s11  }
0x5: {  	s3 =	simm.s32 $0x0;
	s28 =	simm.s32 $0x1;
	s9 =	smul.u32 $0x2710, s11  }
0x6: {  	s5 =	sand.u32 $0x1, s4;
	[smem:$0x7FF] =	sst s3;
	s31 =	smul.u32 $0x1388, s11  }
0x7: {  	s4 =	sadd.s32 $0x20200, s0;
	s0 =	sadd.s32 $0x2A000, s0;
	s22 =	smul.u32 $0x13880, s11  }
0x8: {  	s11 =	simm.s32 $0x7B20;
	s7 =	smul.u32 $0x27100, s5;
	s8 =	ssub.s32 $0x2, s5  }
0x9: {  	_ =	strace $0x8000004A;
	s18 =	smul.u32 $0x13880, s5;
	s10 =	sshrl.u32 s8, $0x1  }
0xa: {  	s5 =	smul.u32 $0x138800, s5;
	s6 =	sshrl.u32 s6, $0x2;
	s8 =	ssub.s32 s8, s10  }
0xb: {  	s7 =	sadd.s32 s9, s7;
	s30 =	sadd.s32 s6, s2;
	s6 =	sadd.s32 s31, s18  }
0xc: {  	s9 =	simm.s32 $0x4;
	s10 =	simm.s32 $0x1E0;
	s13 =	sshrl.u32 s7, $0x3  }
0xd: {  	s14 =	sadd.s32 $0x6400, s30;
	s15 =	sshll.u32 s7, $0x3;
	s1 =	sadd.s32 s1, s6  }
0xe: {  	s23 =	sadd.s32 $0x2D0, s7;
	s24 =	smax.u32 s8, $0x1;
	s25 =	sadd.s32 $0x190, s7  }
0xf: {  	s26 =	sadd.s32 $0x280, s7;
	s29 =	sadd.s32 $0x230, s7;
	[dreg:$0x4] =	wrdreg s30  }
0x10: {  	s31 =	sadd.s32 $0x1E0, s7;
	s6 =	simm.s32 $0x3;
	[dreg:$0x5] =	wrdreg s14  }
0x11: {  	s8 =	simm.s32 $0x6720;
	s7 =	simm.s32 $0xB720;
	[dreg:$0xc] =	wrdreg s1  }
0x12: {  	s12 =	sadd.s32 s4, s13;
	s16 =	sadd.s32 s0, s15;
	[dreg:$0xd] =	wrdreg s24  }
0x13: {  	s0 =	sadd.s32 s5, s0;
	s1 =	sshrl.u32 s23, $0x3;
	[dreg:$0xf] =	wrdreg s25  }
0x14: {  	s5 =	sshrl.u32 s31, $0x3;
	s23 =	simm.s32 $0x50;
	s24 =	simm.s32 $0xA0  }
0x15: {  	s25 =	simm.s32 $0xF0;
	s13 =	simm.s32 $0x8F20;
	[dreg:$0x7] =	wrdreg s16  }
0x16: {  	s14 =	simm.s32 $0x280;
	s17 =	sadd.s32 $0xA, s12;
	[dreg:$0x6] =	wrdreg s12  }
0x17: {  	s15 =	simm.s32 $0xA320;
	s19 =	sadd.s32 $0x14, s12;
	[dreg:$0x8] =	wrdreg s17  }
0x18: {  	s20 =	sadd.s32 $0x1E, s12;
	s21 =	sadd.s32 $0x28, s12;
	[dreg:$0x9] =	wrdreg s19  }
0x19: {  	s0 =	sadd.s32 s22, s0;
	s12 =	simm.s32 $0x230;
	[dreg:$0xa] =	wrdreg s20  }
.Ltmp0:
0x1a: {  	s16 =	simm.s32 $0x2D0;
	[dreg:$0xb] =	wrdreg s21;
	(pc) =	sbr.rel .LBB2_1-.Ltmp0, $4  }
0x1b: {  	s0 =	sadd.s32 $0xC80, s0;
	s17 =	sadd.s32 s1, s4;
	s1 =	sshrl.u32 s29, $0x3  }
0x1c: {  	s20 =	sadd.s32 s5, s4;
	s21 =	simm.s32 $0x320;
	s5 =	simm.s32 $0x0  }
0x1d: {  	[dreg:$0xe] =	wrdreg s0;
	s0 =	sshrl.u32 s26, $0x3;
	s19 =	sadd.s32 s1, s4  }
0x1e: {  	v0 =	vimm.f32 $0.0e+00;
	s26 =	simm.s32 $0x140;
	s1 =	simm.s32 $0x2;
	s18 =	sadd.s32 s0, s4  }
.LBB2_8:
0x1f: {  	s0 =	stileid.u32;
	[bflag:$0x0] =	sbarrier.arrive $0xFFFF  }
0x20: {  	s0 =	sshll.u32 s0, $0x6;
	s30 =	rddreg [dreg:$0x4]  }
0x21: {  	s6 =	rddreg [dreg:$0xc];
	s0 =	sor.u32 $0x1C03, s0;
	s5 =	sshrl.u32 s30, $0x3  }
0x22: {  	[hbm:s6], [sflag:s0] =	dma.local [spmem:s5], $0x1388  }
0x23: {  	s6 =	simm.s32 $0x3  }
0x24: {  	_ =	swait.ge [sflag:s6], $0x1388  }
0x25: {  	s29 =	rddreg [dreg:$0x10]  }
0x26: {  	s31 =	rddreg [dreg:$0xd];
	s5 =	sadd.s32 $0x1, s29  }
0x27: {  	p0 =	sne.s32 s5, s31  }
.Ltmp1:
0x28: {  	_ = 	snop;
	(pc) =	sbr.rel @!p0 .LBB2_9-.Ltmp1, $3  }
0x29: {  	_ =	sdelay $0x1  }
0x2a: {  	[sflag:s6] =	ssyncset.done $0x0  }
0x2b: {  	[sflag:s6] =	ssyncadd.s32 $0xFFFFEC78  }
.LBB2_1:
0x2c: {  	[dreg:$0x10] =	wrdreg s5;
	s22 =	simm.s32 $0x100;
	s5 =	simm.s32 $0x0  }
.LBB2_2:
0x2d: {  	p0 =	sne.s32 s22, $0x18F00;
	[tilespmem:s5+$0x350] =	vst v0;
	s29 =	smov.u32 s22;
	s22 =	sadd.s32 $0x100, s22  }
.Ltmp2:
0x2e: {  	[tilespmem:s5+$0x340] =	vst v0;
	(pc) =	sbr.rel @p0 .LBB2_2-.Ltmp2, $3  }
0x2f: {  	[tilespmem:s5+$0x320] =	vst v0  }
0x30: {  	[tilespmem:s5+$0x330] =	vst v0;
	_ =	sdelay $0x1  }
0x31: {  	s5 =	sshra.s32 s29, $0x2  }
0x32: {  	[tilespmem:s5+$0x350] =	vst v0  }
0x33: {  	[tilespmem:s5+$0x340] =	vst v0  }
0x34: {  	[tilespmem:s5+$0x320] =	vst v0  }
0x35: {  	[tilespmem:s5+$0x330] =	vst v0  }
0x36: {  	[spmem:s30] =	stream.linear.scatter [tilespmem:s21], [sflag:$0x3], $0x6400, $0x38;
	[tilespmem:$0x16760] =	vst v63  }
0x37: {  	_ =	swait.ge [sflag:s6], $0x6400  }
0x38: {  	[sflag:s6] =	ssyncset.done $0x0  }
0x39: {  	s0 =	rddreg [dreg:$0x5];
	[sflag:s6] =	ssyncadd.s32 $0xFFFF9C00  }
0x3a: {  	[spmem:s0] =	stream.linear.scatter [tilespmem:s21], [sflag:$0x3], $0x3840, $0x38;
	[tilespmem:$0x16760] =	vst v63  }
0x3b: {  	_ =	swait.ge [sflag:s6], $0x3840  }
0x3c: {  	[sflag:s6] =	ssyncset.done $0x0  }
0x3d: {  	[sflag:s6] =	ssyncadd.s32 $0xFFFFC7C0  }
0x3e: {  	[bflag:$0x0] =	sbarrier.arrive $0xFFFF  }
0x3f: {  	s5 =	rddreg [dreg:$0x7]  }
0x40: {  	s22 =	simm.s32 $0x0;
	s6 =	rddreg [dreg:$0x6]  }
0x41: {  	[tilespmem:s21], [sflag:$0x1] =	stream.linear.gather [hbm4b:s5+s22], $0x6400, $0x38;
	[tilespmem:$0x16760] =	vst v63  }
0x42: {  	s31 =	rddreg [dreg:$0x8]  }
0x43: {  	[tilespmem:s22], [sflag:$0x1] =	stream.linear.gather [hbm4b:s6+s22], $0x50, $0x38;
	[tilespmem:$0x16760] =	vst v63  }
0x44: {  	s29 =	rddreg [dreg:$0xe]  }
0x45: {  	[tilespmem:s23], [sflag:$0x1] =	stream.linear.gather [hbm4b:s31+s22], $0x50, $0x38;
	[tilespmem:$0x16760] =	vst v63  }
0x46: {  	s5 =	rddreg [dreg:$0x9]  }
0x47: {  	[tilespmem:s24], [sflag:$0x1] =	stream.linear.gather [hbm4b:s5+s22], $0x50, $0x38;
	[tilespmem:$0x16760] =	vst v63  }
.Ltmp3:
0x48: {  	s6 =	rddreg [dreg:$0xa];
	(pc) =	sbr.rel .LBB2_4-.Ltmp3, $4  }
0x49: {  	s31 =	rddreg [dreg:$0xb]  }
0x4a: {  	[tilespmem:s25], [sflag:$0x1] =	stream.linear.gather [hbm4b:s6+s22], $0x50, $0x38;
	[tilespmem:$0x16760] =	vst v63  }
0x4b: {  	s30 =	simm.s32 $0x0;
	s5 =	rddreg [dreg:$0xf]  }
0x4c: {  	[tilespmem:s26], [sflag:$0x1] =	stream.linear.gather [hbm4b:s31+s22], $0x50, $0x38;
	[tilespmem:$0x16760] =	vst v63  }
.LBB2_6:
0x4d: {  	_ =	swait.ge [sflag:s1], $0x6400  }
0x4e: {  	[sflag:s1] =	ssyncset.done $0x0  }
0x4f: {  	[sflag:s1] =	ssyncadd.s32 $0xFFFF9C00  }
0x50: {  	_ =	swait.ge [sflag:s1], $0x50  }
0x51: {  	[sflag:s1] =	ssyncset.done $0x0  }
0x52: {  	[sflag:s1] =	ssyncadd.s32 $0xFFFFFFB0  }
0x53: {  	_ =	swait.ge [sflag:s1], $0x50  }
0x54: {  	[sflag:s1] =	ssyncset.done $0x0  }
0x55: {  	[sflag:s1] =	ssyncadd.s32 $0xFFFFFFB0  }
0x56: {  	_ =	swait.ge [sflag:s1], $0x50  }
0x57: {  	[sflag:s1] =	ssyncset.done $0x0  }
0x58: {  	[sflag:s1] =	ssyncadd.s32 $0xFFFFFFB0  }
0x59: {  	_ =	swait.ge [sflag:s1], $0x50  }
0x5a: {  	[sflag:s1] =	ssyncset.done $0x0  }
0x5b: {  	[sflag:s1] =	ssyncadd.s32 $0xFFFFFFB0  }
0x5c: {  	_ =	swait.ge [sflag:s1], $0x50  }
0x5d: {  	[sflag:s1] =	ssyncset.done $0x0  }
0x5e: {  	s0 =	sshrl.u32 s5, $0x3;
	[sflag:s1] =	ssyncadd.s32 $0xFFFFFFB0  }
0x5f: {  	[tilespmem:s21], [sflag:$0x1] =	stream.linear.gather [hbm4b:s29+s3], $0x6400, $0x38;
	[tilespmem:$0x16760] =	vst v63  }
0x60: {  	s0 =	sadd.s32 s4, s0  }
0x61: {  	[tilespmem:s3], [sflag:$0x1] =	stream.linear.gather [hbm4b:s0+s3], $0x50, $0x38;
	[tilespmem:$0x16760] =	vst v63  }
0x62: {  	s6 =	sadd.s32 s22, s20  }
0x63: {  	[tilespmem:s23], [sflag:$0x1] =	stream.linear.gather [hbm4b:s6+s3], $0x50, $0x38;
	[tilespmem:$0x16760] =	vst v63  }
0x64: {  	s6 =	sadd.s32 s22, s19  }
0x65: {  	[tilespmem:s24], [sflag:$0x1] =	stream.linear.gather [hbm4b:s6+s3], $0x50, $0x38;
	[tilespmem:$0x16760] =	vst v63  }
0x66: {  	s6 =	sadd.s32 s22, s18  }
0x67: {  	[tilespmem:s25], [sflag:$0x1] =	stream.linear.gather [hbm4b:s6+s3], $0x50, $0x38;
	[tilespmem:$0x16760] =	vst v63  }
0x68: {  	s6 =	sadd.s32 s22, s17  }
0x69: {  	[tilespmem:s26], [sflag:$0x1] =	stream.linear.gather [hbm4b:s6+s3], $0x50, $0x38;
	[tilespmem:$0x16760] =	vst v63  }
0x6a: {  	s6 =	simm.s32 $0x190  }
0x6b: {  	[spmem:s2] =	stream.indirect.scatter.add.f32 [tilespmem:s8], [sflag:$0x4], $0x40, s6, s23, $0xb8;
	[tilespmem:$0x16760] =	vst v63  }
0x6c: {  	_ =	swait.ge [sflag:s9], $0x1400  }
0x6d: {  	[sflag:s9] =	ssyncset.done $0x0  }
0x6e: {  	[sflag:s9] =	ssyncadd.s32 $0xFFFFEC00  }
0x6f: {  	[spmem:s2] =	stream.indirect.scatter.add.f32 [tilespmem:s11], [sflag:$0x4], $0x40, s10, s23, $0xb8;
	[tilespmem:$0x16760] =	vst v63  }
0x70: {  	_ =	swait.ge [sflag:s9], $0x1400  }
0x71: {  	[sflag:s9] =	ssyncset.done $0x0  }
0x72: {  	[sflag:s9] =	ssyncadd.s32 $0xFFFFEC00  }
0x73: {  	[spmem:s2] =	stream.indirect.scatter.add.f32 [tilespmem:s13], [sflag:$0x4], $0x40, s12, s23, $0xb8;
	[tilespmem:$0x16760] =	vst v63  }
0x74: {  	_ =	swait.ge [sflag:s9], $0x1400  }
0x75: {  	[sflag:s9] =	ssyncset.done $0x0  }
0x76: {  	[sflag:s9] =	ssyncadd.s32 $0xFFFFEC00  }
0x77: {  	[spmem:s2] =	stream.indirect.scatter.add.f32 [tilespmem:s15], [sflag:$0x4], $0x40, s14, s23, $0xb8;
	[tilespmem:$0x16760] =	vst v63  }
0x78: {  	_ =	swait.ge [sflag:s9], $0x1400  }
0x79: {  	[sflag:s9] =	ssyncset.done $0x0  }
0x7a: {  	s31 =	simm.s32 $0x3;
	[sflag:s9] =	ssyncadd.s32 $0xFFFFEC00  }
0x7b: {  	[spmem:s2] =	stream.indirect.scatter.add.f32 [tilespmem:s7], [sflag:$0x3], $0x40, s16, s23, $0xb8;
	[tilespmem:$0x16760] =	vst v63  }
.LBB2_7:
0x7c: {  	s22 =	sadd.s32 $0x32, s22  }
0x7d: {  	p0 =	sne.s32 s22, $0x4E2  }
.Ltmp4:
0x7e: {  	_ = 	snop;
	(pc) =	sbr.rel @!p0 .LBB2_8-.Ltmp4, $4  }
0x7f: {  	_ = 	snop  }
0x80: {  	_ =	swait.ge [sflag:s31], $0x1400  }
0x81: {  	s30 =	sadd.s32 $0x1, s30;
	[sflag:s31] =	ssyncset.done $0x0  }
0x82: {  	s29 =	sadd.s32 $0xC80, s29;
	s5 =	sadd.s32 $0x190, s5;
	[sflag:s31] =	ssyncadd.s32 $0xFFFFEC00  }
.LBB2_4:
0x83: {  	s31 =	sand.u32 $0x1, s30  }
0x84: {  	p0 =	seq.s32 s31, $0x1  }
.Ltmp5:
0x85: {  	_ = 	snop;
	(pc) =	sbr.rel @p0 .LBB2_6-.Ltmp5, $1  }
0x86: {  	_ =	sdelay $0x3  }
0x87: {  	_ =	swait.ge [sflag:s28], $0x6400  }
0x88: {  	[sflag:s28] =	ssyncset.done $0x0  }
0x89: {  	[sflag:s28] =	ssyncadd.s32 $0xFFFF9C00  }
0x8a: {  	_ =	swait.ge [sflag:s28], $0x50  }
0x8b: {  	[sflag:s28] =	ssyncset.done $0x0  }
0x8c: {  	[sflag:s28] =	ssyncadd.s32 $0xFFFFFFB0  }
0x8d: {  	_ =	swait.ge [sflag:s28], $0x50  }
0x8e: {  	[sflag:s28] =	ssyncset.done $0x0  }
0x8f: {  	[sflag:s28] =	ssyncadd.s32 $0xFFFFFFB0  }
0x90: {  	_ =	swait.ge [sflag:s28], $0x50  }
0x91: {  	[sflag:s28] =	ssyncset.done $0x0  }
0x92: {  	[sflag:s28] =	ssyncadd.s32 $0xFFFFFFB0  }
0x93: {  	_ =	swait.ge [sflag:s28], $0x50  }
0x94: {  	[sflag:s28] =	ssyncset.done $0x0  }
0x95: {  	[sflag:s28] =	ssyncadd.s32 $0xFFFFFFB0  }
0x96: {  	s31 =	sadd.s32 $0x1, s30;
	_ =	swait.ge [sflag:s28], $0x50  }
0x97: {  	p0 =	sgt.u32 s31, $0x18;
	[sflag:s28] =	ssyncset.done $0x0  }
0x98: {  	s31 =	simm.s32 @!p0 $0x0;
	s0 =	simm.s32 @!p0 $0x6720;
	[sflag:s28] =	ssyncadd.s32 $0xFFFFFFB0  }
0x99: {  	[tilespmem:s0], [sflag:$0x2] =	stream.linear.gather @!p0 [hbm4b:s29+s31], $0x6400, $0x38;
	[tilespmem:$0x16760] =	vst v63  }
0x9a: {  	s0 =	sshrl.u32 @!p0 s5, $0x3  }
0x9b: {  	s6 =	simm.s32 @!p0 $0x190;
	s0 =	sadd.s32 @!p0 s4, s0  }
0x9c: {  	[tilespmem:s6], [sflag:$0x2] =	stream.linear.gather @!p0 [hbm4b:s0+s31], $0x50, $0x38;
	[tilespmem:$0x16760] =	vst v63  }
0x9d: {  	s0 =	sadd.s32 @!p0 s22, s20;
	s6 =	simm.s32 @!p0 $0x1E0  }
0x9e: {  	[tilespmem:s6], [sflag:$0x2] =	stream.linear.gather @!p0 [hbm4b:s0+s31], $0x50, $0x38;
	[tilespmem:$0x16760] =	vst v63  }
0x9f: {  	s0 =	sadd.s32 @!p0 s22, s19;
	s6 =	simm.s32 @!p0 $0x230  }
0xa0: {  	[tilespmem:s6], [sflag:$0x2] =	stream.linear.gather @!p0 [hbm4b:s0+s31], $0x50, $0x38;
	[tilespmem:$0x16760] =	vst v63  }
0xa1: {  	s0 =	sadd.s32 @!p0 s22, s18;
	s6 =	simm.s32 @!p0 $0x280  }
0xa2: {  	[tilespmem:s6], [sflag:$0x2] =	stream.linear.gather @!p0 [hbm4b:s0+s31], $0x50, $0x38;
	[tilespmem:$0x16760] =	vst v63  }
0xa3: {  	s0 =	sadd.s32 @!p0 s22, s17;
	s6 =	simm.s32 @!p0 $0x2D0  }
0xa4: {  	[tilespmem:s6], [sflag:$0x2] =	stream.linear.gather @!p0 [hbm4b:s0+s31], $0x50, $0x38;
	[tilespmem:$0x16760] =	vst v63  }
0xa5: {  	s31 =	simm.s32 $0x4  }
0xa6: {  	[spmem:s2] =	stream.indirect.scatter.add.f32 [tilespmem:s21], [sflag:$0x4], $0x40, s3, s23, $0xb8;
	[tilespmem:$0x16760] =	vst v63  }
0xa7: {  	_ =	swait.ge [sflag:s31], $0x1400  }
0xa8: {  	[sflag:s31] =	ssyncset.done $0x0  }
0xa9: {  	s6 =	simm.s32 $0x1720;
	[sflag:s31] =	ssyncadd.s32 $0xFFFFEC00  }
0xaa: {  	[spmem:s2] =	stream.indirect.scatter.add.f32 [tilespmem:s6], [sflag:$0x4], $0x40, s23, s23, $0xb8;
	[tilespmem:$0x16760] =	vst v63  }
0xab: {  	_ =	swait.ge [sflag:s31], $0x1400  }
0xac: {  	[sflag:s31] =	ssyncset.done $0x0  }
0xad: {  	s6 =	simm.s32 $0x2B20;
	[sflag:s31] =	ssyncadd.s32 $0xFFFFEC00  }
0xae: {  	[spmem:s2] =	stream.indirect.scatter.add.f32 [tilespmem:s6], [sflag:$0x4], $0x40, s24, s23, $0xb8;
	[tilespmem:$0x16760] =	vst v63  }
0xaf: {  	_ =	swait.ge [sflag:s31], $0x1400  }
0xb0: {  	[sflag:s31] =	ssyncset.done $0x0  }
0xb1: {  	s6 =	simm.s32 $0x3F20;
	[sflag:s31] =	ssyncadd.s32 $0xFFFFEC00  }
0xb2: {  	[spmem:s2] =	stream.indirect.scatter.add.f32 [tilespmem:s6], [sflag:$0x4], $0x40, s25, s23, $0xb8;
	[tilespmem:$0x16760] =	vst v63  }
.Ltmp6:
0xb3: {  	_ = 	snop;
	(pc) =	sbr.rel .LBB2_7-.Ltmp6, $4  }
0xb4: {  	_ =	swait.ge [sflag:s31], $0x1400  }
0xb5: {  	[sflag:s31] =	ssyncset.done $0x0  }
0xb6: {  	s6 =	simm.s32 $0x5320;
	[sflag:s31] =	ssyncadd.s32 $0xFFFFEC00  }
0xb7: {  	[spmem:s2] =	stream.indirect.scatter.add.f32 [tilespmem:s6], [sflag:$0x4], $0x40, s26, s23, $0xb8;
	[tilespmem:$0x16760] =	vst v63  }
.LBB2_9:
0xb8: {  	_ =	sfence.sel $0x180000  }
0xb9: {  	[bflag:$0x0] =	sbarrier.arrive $0xFFFF  }
0xba: {  	_ =	strace $0x9000004A  }
0xbb: {  	s0 =	stileid.u32;
	[bflag:$0x2] =	sbarrier.arrive $0xFFFF  }
0xbc: {  	p0 =	sne.s32 s0, $0x0;
	s0 =	rddreg [dreg:$0x3]  }
0xbd: {  	s0 =	sadd.s32 @!p0 $0x100000, s0  }
0xbe: {  	[sflag:s0] =	ssyncadd.tile.s32 @!p0 $0x1;
	_ =	shalt  }
.Lfunc_end2:
_tile_overlayer_lowered:
.L_overlay_start_2:
0xbf: {  	(tag) =	ssettag $0x2  }
0xc0: {  	s0 =	rddreg [dreg:$0x0];
	s2 =	stileid.u32  }
0xc1: {  	s1 =	rddreg [dreg:$0x1];
	p0 =	sne.s32 s2, $0x0  }
0xc2: {  	s3 =	rddreg [dreg:$0x2];
	[bflag:$0x3] =	sbarrier.arrive $0xFFFF;
	s2 =	simm.s32 @!p0 $0x1C03  }
0xc3: {  	[timem:s3], [sflag:s2] =	dma.local @!p0 [hbm:s0], s1  }
0xc4: {  	s0 =	simm.s32 @!p0 $0x3  }
0xc5: {  	_ =	swait.ge @!p0 [sflag:s0], s1  }
0xc6: {  	s1 =	ssub.s32 @!p0 $0x0, s1;
	[sflag:s0] =	ssyncset.done @!p0 $0x0  }
0xc7: {  	[sflag:s0] =	ssyncadd.s32 @!p0 s1  }
0xc8: {  	[bflag:$0x3] =	sbarrier.arrive $0xFFFF  }
0xc9: {  	_ =	shalt  }

// kernel: kernel.7.cloned.1.call-start
scs
__scs_entry_jumppad:
0x0: {  	(pc) =	sbr.rel $0x88, $3  }
0x1: {  	(tag) =	ssettag $0x0;
	lr =	simm.s32 $0x1  }
0x2: {  	[smem:$0x3F92] =	sst lr;
	_ =	strace $0xD0000000  }
0x3: {  	_ = 	snop  }
0x4: {  	_ = 	snop  }
0x5: {  	_ = 	snop  }
0x6: {  	_ = 	snop  }
0x7: {  	_ = 	snop  }
__scs_overlays_trampoline_lowered:
0x8: {  	[smem:$0x3FA1] =	sst s0  }
0x9: {  	[smem:$0x3FA2] =	sst s1  }
0xa: {  	[smem:$0x3FA3] =	sst s2  }
0xb: {  	[smem:$0x3FA4] =	sst s3  }
0xc: {  	[smem:$0x3FA5] =	sst s4  }
0xd: {  	[smem:$0x3FA6] =	sst s5  }
0xe: {  	[smem:$0x3FA7] =	sst s6  }
0xf: {  	[smem:$0x3FA8] =	sst s7  }
0x10: {  	[smem:$0x3FA9] =	sst s8  }
0x11: {  	[smem:$0x3FAA] =	sst s9;
	s0 =	simm.s32 @!p0 $0x0  }
0x12: {  	s1 =	sld [smem:$0x3F90];
	s0 =	simm.s32 @p0 $0x1  }
0x13: {  	[smem:$0x3FAB] =	sst s0;
	s0 =	simm.s32 @!p1 $0x0  }
0x14: {  	s2 =	sld [smem:$0x3F8F];
	s0 =	simm.s32 @p1 $0x1  }
0x15: {  	[smem:$0x3FAC] =	sst s0;
	s0 =	simm.s32 @!p2 $0x0  }
0x16: {  	s3 =	sld [smem:$0x3FDB];
	s0 =	simm.s32 @p2 $0x1  }
0x17: {  	s4 =	simm.s32 $0x1BF5;
	[smem:$0x3FAE] =	sst s0  }
0x18: {  	s0 =	sld [smem:$0x3F91];
	_ =	swait.ge [sflag:s4], $0x0  }
0x19: {  	s7 =	sld [smem:$0x3F92]  }
0x1a: {  	s8 =	sadd.s32 $0xFFFFE003, lr  }
0x1b: {  	s9 =	sadd.s32 $0xFFFFFEF7, lr;
	s5 =	simm.s32 $0xFFFFFFFF;
	p2 =	slt.u32 s8, $0xFFFFF086  }
0x1c: {  	p1 =	slt.u32 s9, $0xF7A;
	s5 =	simm.s32 @!p2 $0x0  }
0x1d: {  	s5 =	simm.s32 @p1 $0x1;
	p0 =	seq.s32 s7, s2  }
0x1e: {  	s7 =	smul.u32 @!p0 $0xF7A, s2;
	p2 =	seq.s32 @!p0 s5, $0x0  }
0x1f: {  	s9 =	smul.u32 $0xF7A, s1;
	s8 =	simm.s32 @!p0 $0x1BF5;
	p2 =	por !p2, p0  }
0x20: {  	[sflag:s8] =	ssyncset.s32 @!p0 $0xFFFFF086;
	s6 =	sadd.s32 @!p0 s3, s7;
	s7 =	simm.s32 @!p0 $0x108  }
0x21: {  	s3 =	sadd.s32 s3, s9;
	s6 =	sadd.s32 @!p0 $0x88, s6;
	s7 =	simm.s32 @p2 $0x1082  }
0x22: {  	[simem:s7], [sflag:s8] =	dma.local @!p0 [hbm:s6], $0xF7A  }
0x23: {  	s9 =	sor.u32 $0xD0000000, s2;
	s6 =	simm.s32 $0x108;
	_ =	swait.ge @!p0 [sflag:s8], $0x0  }
0x24: {  	s3 =	sadd.s32 $0x88, s3;
	s6 =	simm.s32 @!p1 $0x1082;
	[sflag:s4] =	ssyncset.s32 $0xFFFFF086  }
0x25: {  	[simem:s6], [sflag:s4] =	dma.local [hbm:s3], $0xF7A  }
0x26: {  	[smem:$0x3F92] =	sst s1;
	(tag) =	ssettag s2;
	_ =	strace s9  }
0x27: {  	s1 =	sld [smem:$0x3FA2]  }
0x28: {  	s2 =	sld [smem:$0x3FA3]  }
0x29: {  	s4 =	sld [smem:$0x3FA5]  }
0x2a: {  	p0 =	seq.s32 s5, $0x0;
	s5 =	sld [smem:$0x3FA6]  }
0x2b: {  	s6 =	sld [smem:$0x3FA7]  }
0x2c: {  	s7 =	sld [smem:$0x3FA8]  }
0x2d: {  	s3 =	simm.s32 $0x108;
	s8 =	sld [smem:$0x3FA9]  }
0x2e: {  	s3 =	simm.s32 @!p0 $0x1082;
	s9 =	sld [smem:$0x3FAA]  }
0x2f: {  	lr =	sadd.s32 s0, s3;
	s0 =	sld [smem:$0x3FA1]  }
0x30: {  	s3 =	sld [smem:$0x3FA4]  }
0x31: {  	[smem:$0x3FAD] =	sst s10  }
0x32: {  	s10 =	sld [smem:$0x3FAB];
	_ =	sdelay $0x3  }
0x33: {  	p0 =	seq.s32 s10, $0x1;
	s10 =	sld [smem:$0x3FAD];
	_ =	sdelay $0x3  }
0x34: {  	[smem:$0x3FAD] =	sst s10  }
0x35: {  	s10 =	sld [smem:$0x3FAC];
	_ =	sdelay $0x3  }
0x36: {  	p1 =	seq.s32 s10, $0x1;
	s10 =	sld [smem:$0x3FAD];
	_ =	sdelay $0x3  }
0x37: {  	[smem:$0x3FAD] =	sst s10  }
0x38: {  	s10 =	sld [smem:$0x3FAE]  }
0x39: {  	_ = 	snop;
	(pc) =	sbr.ind lr, $3  }
0x3a: {  	_ = 	snop  }
0x3b: {  	_ = 	snop  }
0x3c: {  	p2 =	seq.s32 s10, $0x1;
	s10 =	sld [smem:$0x3FAD]  }
0x3d: {  	_ =	shalt  }
0x3e: {  	_ =	shalt  }
0x3f: {  	_ =	shalt  }
0x40: {  	_ =	shalt  }
0x41: {  	_ =	shalt  }
0x42: {  	_ =	shalt  }
0x43: {  	_ =	shalt  }
0x44: {  	_ =	shalt  }
0x45: {  	_ =	shalt  }
0x46: {  	_ =	shalt  }
0x47: {  	_ =	shalt  }
0x48: {  	_ =	shalt  }
0x49: {  	_ =	shalt  }
0x4a: {  	_ =	shalt  }
0x4b: {  	_ =	shalt  }
0x4c: {  	_ =	shalt  }
0x4d: {  	_ =	shalt  }
0x4e: {  	_ =	shalt  }
0x4f: {  	_ =	shalt  }
0x50: {  	_ =	shalt  }
0x51: {  	_ =	shalt  }
0x52: {  	_ =	shalt  }
0x53: {  	_ =	shalt  }
0x54: {  	_ =	shalt  }
0x55: {  	_ =	shalt  }
0x56: {  	_ =	shalt  }
0x57: {  	_ =	shalt  }
0x58: {  	_ =	shalt  }
0x59: {  	_ =	shalt  }
0x5a: {  	_ =	shalt  }
0x5b: {  	_ =	shalt  }
0x5c: {  	_ =	shalt  }
0x5d: {  	_ =	shalt  }
0x5e: {  	_ =	shalt  }
0x5f: {  	_ =	shalt  }
0x60: {  	_ =	shalt  }
0x61: {  	_ =	shalt  }
0x62: {  	_ =	shalt  }
0x63: {  	_ =	shalt  }
0x64: {  	_ =	shalt  }
0x65: {  	_ =	shalt  }
0x66: {  	_ =	shalt  }
0x67: {  	_ =	shalt  }
0x68: {  	_ =	shalt  }
0x69: {  	_ =	shalt  }
0x6a: {  	_ =	shalt  }
0x6b: {  	_ =	shalt  }
0x6c: {  	_ =	shalt  }
0x6d: {  	_ =	shalt  }
0x6e: {  	_ =	shalt  }
0x6f: {  	_ =	shalt  }
0x70: {  	_ =	shalt  }
0x71: {  	_ =	shalt  }
0x72: {  	_ =	shalt  }
0x73: {  	_ =	shalt  }
0x74: {  	_ =	shalt  }
0x75: {  	_ =	shalt  }
0x76: {  	_ =	shalt  }
0x77: {  	_ =	shalt  }
0x78: {  	_ =	shalt  }
0x79: {  	_ =	shalt  }
0x7a: {  	_ =	shalt  }
0x7b: {  	_ =	shalt  }
0x7c: {  	_ =	shalt  }
0x7d: {  	_ =	shalt  }
0x7e: {  	_ =	shalt  }
0x7f: {  	_ =	shalt  }
0x80: {  	_ =	shalt  }
0x81: {  	_ =	shalt  }
0x82: {  	_ =	shalt  }
0x83: {  	_ =	shalt  }
0x84: {  	_ =	shalt  }
0x85: {  	_ =	shalt  }
0x86: {  	_ =	shalt  }
0x87: {  	_ =	shalt  }
.Lfunc_end0:
.L_simem_size_0:
called_computation_lowered:
.L_overlay_start_0:
0x88: {  	s2 =	sld [smem:$0x3FD9]  }
0x89: {  	s3 =	sld [smem:$0x3FFE];
	_ =	sdelay $0x1  }
0x8a: {  	s1 =	srdreg.scid  }
0x8b: {  	s0 =	sand.u32 $0x1, s1  }
0x8c: {  	s17 =	sshll.u32 s0, $0xA;
	s2 =	sadd.s32 s3, s2  }
0x8d: {  	s2 =	sadd.s32 s2, s17  }
0x8e: {  	[smem:$0x3FB9] =	sst s2  }
0x8f: {  	_ = 	snop  }
0x90: {  	s2 =	sld [smem:$0x3FD0];
	(tm) =	ssettm $0x1  }
0x91: {  	s18 =	sld [smem:$0x3FFB];
	_ =	sdelay $0x3  }
0x92: {  	_ =	strace s18  }
0x93: {  	s3 =	sld [smem:$0x3FFC];
	_ =	sdelay $0x3  }
0x94: {  	_ =	strace s3  }
0x95: {  	s3 =	sld [smem:$0x3FFD];
	_ =	sdelay $0x3  }
0x96: {  	_ =	strace s3  }
0x97: {  	_ =	strace $0x8FFFFFFF  }
0x98: {  	s19 =	sld [smem:$0x3FDB];
	_ =	sdelay $0x1  }
0x99: {  	s4 =	simm.s32 $_scs_section_size  }
0x9a: {  	s5 =	simm.s32 $_size__tile_overlayer_lowered;
	s6 =	simm.s32 $_tile_overlayer_lowered  }
0x9b: {  	s22 =	simm.s32 $0x1BFF;
	s21 =	sshll.u32 s6, $0x1;
	s3 =	sadd.s32 s4, s19  }
0x9c: {  	s7 =	simm.s32 $0x0;
	s20 =	sshll.u32 s5, $0x1;
	s5 =	sadd.s32 s21, s3  }
0x9d: {  	[timem:s7], [sflag:s22] =	dma.local [hbm:s5], s20  }
0x9e: {  	_ =	swait.ge [sflag:s22], s20  }
0x9f: {  	s4 =	ssub.s32 $0x0, s20;
	[sflag:s22] =	ssyncset.done $0x0  }
0xa0: {  	[sflag:s22] =	ssyncadd.s32 s4;
	_ =	sdelay $0x1  }
0xa1: {  	s23 =	simm.s32 $0x1B8B  }
0xa2: {  	_ =	swait.ge [sflag:s23], $0x1  }
0xa3: {  	[sflag:s23] =	ssyncset.done $0x0  }
0xa4: {  	s25 =	simm.s32 $0x1B8E;
	s24 =	sld [smem:$0x3FFE];
	[sflag:s23] =	ssyncadd.s32 $0xFFFFFFFF  }
0xa5: {  	s26 =	simm.s32 $execute0_lowered;
	[smem:$0x3FD2] =	sst s25  }
0xa6: {  	s5 =	sshll.u32 s26, $0x1;
	_ =	strace $0x80000046;
	[dreg:$0x1] =	wrdreg $0xFFFFFFFF  }
0xa7: {  	s28 =	simm.s32 $_size_execute0_lowered;
	s3 =	sadd.s32 s3, s5;
	[dreg:$0x0] =	wrdreg $0x0  }
0xa8: {  	s5 =	sshll.u32 s28, $0x1;
	[dreg:$0x2] =	wrdreg s3  }
0xa9: {  	[dreg:$0x3] =	wrdreg s5  }
0xaa: {  	[dreg:$0x4] =	wrdreg $0xC0  }
0xab: {  	_ =	task [dreg:s7], $0x5FFFF  }
0xac: {  	[dreg:$0x1] =	wrdreg $0xFFFFFFFF  }
0xad: {  	[dreg:$0x0] =	wrdreg $0x60  }
0xae: {  	[dreg:$0x2] =	wrdreg s24  }
0xaf: {  	[dreg:$0x3] =	wrdreg s2  }
0xb0: {  	[dreg:$0x4] =	wrdreg $0x9  }
0xb1: {  	_ =	task.clear_ibuf [dreg:s7], $0x5FFFF;
	_ =	strace $0x90000046  }
0xb2: {  	s29 =	simm.s32 $0x9;
	_ =	strace $0x80000048  }
0xb3: {  	_ =	swait.ge [sflag:s29], $0x1  }
0xb4: {  	[sflag:s29] =	ssyncadd.s32 $0xFFFFFFFF  }
0xb5: {  	_ =	strace $0x90000048  }
0xb6: {  	_ =	sfence  }
0xb7: {  	s30 =	sld [smem:$0x0];
	_ =	sdelay $0x2  }
0xb8: {  	s31 =	sshll.u32 s1, $0xD;
	s1 =	sshrl.u32 s1, $0x2  }
0xb9: {  	s3 =	sand.u32 $0x4000, s31;
	s1 =	sadd.s32 s1, s30  }
0xba: {  	s0 =	sor.u32 s3, s0;
	s1 =	sshll.u32 s1, $0x11  }
0xbb: {  	s0 =	sor.u32 s1, s0  }
0xbc: {  	s0 =	sadd.s32 $0x8F2B, s0  }
0xbd: {  	[sflag:s0] =	ssyncadd.remote.s32 $0x1  }
0xbe: {  	_ =	sfence.sel $0xFFFF  }
0xbf: {  	[dreg:$0x0] =	wrdreg $0xFFFFFFFF;
	(pc) =	sbr.abs _section_cstart, $3  }
0xc0: {  	[dreg:$0x1] =	wrdreg $0xFFFFFFFF  }
0xc1: {  	_ =	task.clear_ibuf [dreg:s7], $0x2FFFF;
	_ =	strace $0x9FFFFFFF  }
0xc2: {  	(tm) =	ssettm $0x7FFFFFFF  }
0xc3: {  	_ =	shalt  }
tec
execute0_lowered:
.L_overlay_start_1:
0x0: {  	(tag) =	ssettag $0x1  }
0x1: {  	s0 =	srdreg.scid;
	s1 =	rddreg [dreg:$0x0]  }
0x2: {  	s4 =	stileid.u32;
	s2 =	rddreg [dreg:$0x1];
	s5 =	simm.s32 $0x0  }
0x3: {  	s11 =	simm.s32 $0x50;
	s12 =	simm.s32 $0x4E20;
	s13 =	simm.s32 $0xB220  }
0x4: {  	s14 =	simm.s32 $0x6220;
	s16 =	simm.s32 $0xC620;
	s18 =	simm.s32 $0x7620  }
0x5: {  	s20 =	simm.s32 $0xDA20;
	s22 =	simm.s32 $0x8A20;
	s29 =	simm.s32 $0x10220  }
0x6: {  	s30 =	simm.s32 $0x2;
	s31 =	simm.s32 $0x40;
	s15 =	simm.s32 $0x17A20  }
0x7: {  	s17 =	simm.s32 $0x3;
	s19 =	simm.s32 $0x1;
	s10 =	simm.s32 $0x16620  }
0x8: {  	s7 =	simm.s32 $0x1CA20;
	s8 =	simm.s32 $0x0;
	s0 =	sand.u32 $0x1, s0  }
0x9: {  	s3 =	sshll.u32 s4, $0x1;
	[smem:$0x7FF] =	sst s5;
	s23 =	smul.u32 $0x4E200, s4  }
0xa: {  	s4 =	sadd.s32 $0x2A00, s1;
	s3 =	sor.u32 s0, s3;
	s6 =	ssub.s32 $0x2, s0  }
0xb: {  	_ =	strace $0x80000047;
	s3 =	smul.u32 $0x2710, s3;
	s24 =	sshrl.u32 s6, $0x1  }
0xc: {  	s0 =	smul.u32 $0x27100, s0;
	s5 =	ssub.s32 s6, s24;
	s24 =	simm.s32 $0xEE20  }
0xd: {  	s6 =	simm.s32 $0x1B620;
	s3 =	sshrl.u32 s3, $0x3;
	s28 =	smax.u32 s5, $0x1  }
.Ltmp0:
0xe: {  	s5 =	simm.s32 $0x15220;
	s3 =	sadd.s32 s3, s1;
	(pc) =	sbr.rel .LBB2_1-.Ltmp0, $4  }
0xf: {  	s1 =	sadd.s32 s23, s1;
	[dreg:$0x5] =	wrdreg s28;
	s25 =	sadd.s32 $0x20200, s3  }
0x10: {  	s0 =	sadd.s32 s0, s1;
	s26 =	sadd.s32 $0x16400, s3;
	[dreg:$0x3] =	wrdreg s25  }
0x11: {  	s1 =	simm.s32 $0x80;
	[dreg:$0x4] =	wrdreg s26;
	s0 =	sadd.s32 $0x2A008, s0  }
0x12: {  	s26 =	simm.s32 $0x9E20;
	[dreg:$0x6] =	wrdreg s0;
	s0 =	simm.s32 $0x11620  }
.LBB2_7:
0x13: {  	_ =	swait.ge [sflag:s17], $0x6400  }
0x14: {  	[sflag:s17] =	ssyncset.done $0x0  }
0x15: {  	[sflag:s17] =	ssyncadd.s32 $0xFFFF9C00  }
0x16: {  	_ =	swait.ge [sflag:s17], $0x6400  }
0x17: {  	s8 =	sadd.s32 $0x1, s8;
	s3 =	rddreg [dreg:$0x5]  }
0x18: {  	p0 =	sne.s32 s8, s3  }
.Ltmp1:
0x19: {  	_ = 	snop;
	(pc) =	sbr.rel @!p0 .LBB2_8-.Ltmp1, $3  }
0x1a: {  	_ =	sdelay $0x1  }
0x1b: {  	[sflag:s17] =	ssyncset.done $0x0  }
0x1c: {  	[sflag:s17] =	ssyncadd.s32 $0xFFFF9C00  }
.LBB2_1:
0x1d: {  	s3 =	simm.s32 $0x0;
	s9 =	rddreg [dreg:$0x3];
	s21 =	simm.s32 $0x5  }
0x1e: {  	[tilespmem:s3], [sflag:$0x5] =	stream.linear.gather [hbm4b:s9+s3], $0x2710, $0x38;
	[tilespmem:$0x1DE20] =	vst v63  }
0x1f: {  	_ =	swait.ge [sflag:s21], $0x2710  }
0x20: {  	[sflag:s21] =	ssyncset.done $0x0  }
0x21: {  	s23 =	simm.s32 $0x2710;
	s28 =	rddreg [dreg:$0x4];
	[sflag:s21] =	ssyncadd.s32 $0xFFFFD8F0  }
0x22: {  	[tilespmem:s23], [sflag:$0x5] =	stream.linear.gather [hbm4b:s28+s3], $0x2710, $0x38;
	[tilespmem:$0x1DE20] =	vst v63  }
0x23: {  	_ =	swait.ge [sflag:s21], $0x2710  }
0x24: {  	[sflag:s21] =	ssyncset.done $0x0  }
0x25: {  	[sflag:s21] =	ssyncadd.s32 $0xFFFFD8F0  }
0x26: {  	[tilespmem:s12], [sflag:$0x1] =	stream.indirect.gather [hbm4b:s2+s11], $0x40, s3, s11, $0xb8;
	[tilespmem:$0x1DE20] =	vst v63  }
0x27: {  	_ = 	snop  }
0x28: {  	[tilespmem:s13], [sflag:$0x1] =	stream.indirect.gather [hbm4b:s4+s11], $0x40, s23, s11, $0xb8;
	[tilespmem:$0x1DE20] =	vst v63  }
0x29: {  	_ = 	snop  }
0x2a: {  	[tilespmem:s14], [sflag:$0x1] =	stream.indirect.gather [hbm4b:s2+s11], $0x40, s11, s11, $0xb8;
	[tilespmem:$0x1DE20] =	vst v63  }
0x2b: {  	s25 =	simm.s32 $0x2760  }
0x2c: {  	[tilespmem:s16], [sflag:$0x1] =	stream.indirect.gather [hbm4b:s4+s11], $0x40, s25, s11, $0xb8;
	[tilespmem:$0x1DE20] =	vst v63  }
0x2d: {  	s28 =	simm.s32 $0xA0  }
0x2e: {  	[tilespmem:s18], [sflag:$0x1] =	stream.indirect.gather [hbm4b:s2+s11], $0x40, s28, s11, $0xb8;
	[tilespmem:$0x1DE20] =	vst v63  }
0x2f: {  	s9 =	simm.s32 $0x27B0  }
0x30: {  	[tilespmem:s20], [sflag:$0x1] =	stream.indirect.gather [hbm4b:s4+s11], $0x40, s9, s11, $0xb8;
	[tilespmem:$0x1DE20] =	vst v63  }
0x31: {  	s21 =	simm.s32 $0xF0  }
0x32: {  	[tilespmem:s22], [sflag:$0x1] =	stream.indirect.gather [hbm4b:s2+s11], $0x40, s21, s11, $0xb8;
	[tilespmem:$0x1DE20] =	vst v63  }
0x33: {  	s23 =	simm.s32 $0x2800  }
0x34: {  	[tilespmem:s24], [sflag:$0x1] =	stream.indirect.gather [hbm4b:s4+s11], $0x40, s23, s11, $0xb8;
	[tilespmem:$0x1DE20] =	vst v63  }
.Ltmp2:
0x35: {  	_ = 	snop;
	(pc) =	sbr.rel .LBB2_2-.Ltmp2, $4  }
0x36: {  	s3 =	rddreg [dreg:$0x6];
	s25 =	simm.s32 $0x140  }
0x37: {  	[tilespmem:s26], [sflag:$0x1] =	stream.indirect.gather [hbm4b:s2+s11], $0x40, s25, s11, $0xb8;
	[tilespmem:$0x1DE20] =	vst v63  }
0x38: {  	s28 =	simm.s32 $0x2850;
	s9 =	simm.s32 $0x0;
	s21 =	simm.s32 $0x0  }
0x39: {  	[tilespmem:s29], [sflag:$0x1] =	stream.indirect.gather [hbm4b:s4+s11], $0x40, s28, s11, $0xb8;
	[tilespmem:$0x1DE20] =	vst v63  }
.LBB2_5:
0x3a: {  	_ =	swait.ge [sflag:s30], $0x1400  }
0x3b: {  	[sflag:s30] =	ssyncset.done $0x0  }
0x3c: {  	[sflag:s30] =	ssyncadd.s32 $0xFFFFEC00  }
0x3d: {  	_ =	swait.ge [sflag:s30], $0x1400  }
0x3e: {  	[sflag:s30] =	ssyncset.done $0x0  }
0x3f: {  	[sflag:s30] =	ssyncadd.s32 $0xFFFFEC00  }
0x40: {  	_ =	swait.ge [sflag:s30], $0x1400  }
0x41: {  	[sflag:s30] =	ssyncset.done $0x0  }
0x42: {  	[sflag:s30] =	ssyncadd.s32 $0xFFFFEC00  }
0x43: {  	_ =	swait.ge [sflag:s30], $0x1400  }
0x44: {  	[sflag:s30] =	ssyncset.done $0x0  }
0x45: {  	[sflag:s30] =	ssyncadd.s32 $0xFFFFEC00  }
0x46: {  	_ =	swait.ge [sflag:s30], $0x1400  }
0x47: {  	[sflag:s30] =	ssyncset.done $0x0  }
0x48: {  	[sflag:s30] =	ssyncadd.s32 $0xFFFFEC00  }
0x49: {  	_ =	swait.ge [sflag:s30], $0x1400  }
0x4a: {  	[sflag:s30] =	ssyncset.done $0x0  }
0x4b: {  	[sflag:s30] =	ssyncadd.s32 $0xFFFFEC00  }
0x4c: {  	_ =	swait.ge [sflag:s30], $0x1400  }
0x4d: {  	[sflag:s30] =	ssyncset.done $0x0  }
0x4e: {  	[sflag:s30] =	ssyncadd.s32 $0xFFFFEC00  }
0x4f: {  	_ =	swait.ge [sflag:s30], $0x1400  }
0x50: {  	[sflag:s30] =	ssyncset.done $0x0  }
0x51: {  	[sflag:s30] =	ssyncadd.s32 $0xFFFFEC00  }
0x52: {  	_ =	swait.ge [sflag:s30], $0x1400  }
0x53: {  	[sflag:s30] =	ssyncset.done $0x0  }
0x54: {  	[sflag:s30] =	ssyncadd.s32 $0xFFFFEC00  }
0x55: {  	_ =	swait.ge [sflag:s30], $0x1400  }
0x56: {  	[sflag:s30] =	ssyncset.done $0x0  }
0x57: {  	s23 =	sadd.s32 $0xFFFFFFF8, s3;
	[sflag:s30] =	ssyncadd.s32 $0xFFFFEC00  }
0x58: {  	[hbm4b:s23+s31] =	stream.strided.scatter [tilespmem:s0], [sflag:$0x4], $0x6400, s1, s31, $0x38;
	[tilespmem:$0x1DE20] =	vst v63  }
0x59: {  	_ = 	snop  }
0x5a: {  	[hbm4b:s3+s31] =	stream.strided.scatter [tilespmem:s15], [sflag:$0x4], $0x6400, s1, s31, $0x38;
	[tilespmem:$0x1DE20] =	vst v63  }
0x5b: {  	_ =	swait.ge [sflag:s17], $0x6400  }
0x5c: {  	[sflag:s17] =	ssyncset.done $0x0  }
0x5d: {  	[sflag:s17] =	ssyncadd.s32 $0xFFFF9C00  }
0x5e: {  	_ =	swait.ge [sflag:s17], $0x6400  }
0x5f: {  	s23 =	sshra.s32 s9, $0x2;
	[sflag:s17] =	ssyncset.done $0x0  }
0x60: {  	s25 =	sadd.s32 $0x190, s23;
	[sflag:s17] =	ssyncadd.s32 $0xFFFF9C00  }
0x61: {  	[tilespmem:s12], [sflag:$0x1] =	stream.indirect.gather [hbm4b:s2+s11], $0x40, s25, s11, $0xb8;
	[tilespmem:$0x1DE20] =	vst v63  }
0x62: {  	s28 =	sadd.s32 $0x28A0, s23  }
0x63: {  	[tilespmem:s13], [sflag:$0x1] =	stream.indirect.gather [hbm4b:s4+s11], $0x40, s28, s11, $0xb8;
	[tilespmem:$0x1DE20] =	vst v63  }
0x64: {  	s28 =	sadd.s32 $0x1E0, s23  }
0x65: {  	[tilespmem:s14], [sflag:$0x1] =	stream.indirect.gather [hbm4b:s2+s11], $0x40, s28, s11, $0xb8;
	[tilespmem:$0x1DE20] =	vst v63  }
0x66: {  	s28 =	sadd.s32 $0x28F0, s23  }
0x67: {  	[tilespmem:s16], [sflag:$0x1] =	stream.indirect.gather [hbm4b:s4+s11], $0x40, s28, s11, $0xb8;
	[tilespmem:$0x1DE20] =	vst v63  }
0x68: {  	s28 =	sadd.s32 $0x230, s23  }
0x69: {  	[tilespmem:s18], [sflag:$0x1] =	stream.indirect.gather [hbm4b:s2+s11], $0x40, s28, s11, $0xb8;
	[tilespmem:$0x1DE20] =	vst v63  }
0x6a: {  	s28 =	sadd.s32 $0x2940, s23  }
0x6b: {  	[tilespmem:s20], [sflag:$0x1] =	stream.indirect.gather [hbm4b:s4+s11], $0x40, s28, s11, $0xb8;
	[tilespmem:$0x1DE20] =	vst v63  }
0x6c: {  	s28 =	sadd.s32 $0x280, s23  }
0x6d: {  	[tilespmem:s22], [sflag:$0x1] =	stream.indirect.gather [hbm4b:s2+s11], $0x40, s28, s11, $0xb8;
	[tilespmem:$0x1DE20] =	vst v63  }
0x6e: {  	s28 =	sadd.s32 $0x2990, s23  }
0x6f: {  	[tilespmem:s24], [sflag:$0x1] =	stream.indirect.gather [hbm4b:s4+s11], $0x40, s28, s11, $0xb8;
	[tilespmem:$0x1DE20] =	vst v63  }
0x70: {  	s28 =	sadd.s32 $0x2D0, s23  }
0x71: {  	[tilespmem:s26], [sflag:$0x1] =	stream.indirect.gather [hbm4b:s2+s11], $0x40, s28, s11, $0xb8;
	[tilespmem:$0x1DE20] =	vst v63  }
0x72: {  	s23 =	sadd.s32 $0x29E0, s23  }
0x73: {  	[tilespmem:s29], [sflag:$0x1] =	stream.indirect.gather [hbm4b:s4+s11], $0x40, s23, s11, $0xb8;
	[tilespmem:$0x1DE20] =	vst v63  }
.LBB2_6:
0x74: {  	s9 =	sadd.s32 $0x640, s9  }
0x75: {  	p0 =	sne.s32 s9, $0x9C40  }
.Ltmp3:
0x76: {  	_ = 	snop;
	(pc) =	sbr.rel @!p0 .LBB2_7-.Ltmp3, $2  }
0x77: {  	_ =	sdelay $0x2  }
0x78: {  	s21 =	sadd.s32 $0x1, s21;
	s3 =	sadd.s32 $0x1900, s3  }
.LBB2_2:
0x79: {  	s23 =	sand.u32 $0x1, s21  }
0x7a: {  	p0 =	seq.s32 s23, $0x1  }
.Ltmp4:
0x7b: {  	_ = 	snop;
	(pc) =	sbr.rel @p0 .LBB2_5-.Ltmp4, $1  }
0x7c: {  	_ =	sdelay $0x3  }
0x7d: {  	_ =	swait.ge [sflag:s19], $0x1400  }
0x7e: {  	[sflag:s19] =	ssyncset.done $0x0  }
0x7f: {  	[sflag:s19] =	ssyncadd.s32 $0xFFFFEC00  }
0x80: {  	_ =	swait.ge [sflag:s19], $0x1400  }
0x81: {  	[sflag:s19] =	ssyncset.done $0x0  }
0x82: {  	[sflag:s19] =	ssyncadd.s32 $0xFFFFEC00  }
0x83: {  	_ =	swait.ge [sflag:s19], $0x1400  }
0x84: {  	[sflag:s19] =	ssyncset.done $0x0  }
0x85: {  	[sflag:s19] =	ssyncadd.s32 $0xFFFFEC00  }
0x86: {  	_ =	swait.ge [sflag:s19], $0x1400  }
0x87: {  	[sflag:s19] =	ssyncset.done $0x0  }
0x88: {  	[sflag:s19] =	ssyncadd.s32 $0xFFFFEC00  }
0x89: {  	_ =	swait.ge [sflag:s19], $0x1400  }
0x8a: {  	[sflag:s19] =	ssyncset.done $0x0  }
0x8b: {  	[sflag:s19] =	ssyncadd.s32 $0xFFFFEC00  }
0x8c: {  	_ =	swait.ge [sflag:s19], $0x1400  }
0x8d: {  	[sflag:s19] =	ssyncset.done $0x0  }
0x8e: {  	[sflag:s19] =	ssyncadd.s32 $0xFFFFEC00  }
0x8f: {  	_ =	swait.ge [sflag:s19], $0x1400  }
0x90: {  	[sflag:s19] =	ssyncset.done $0x0  }
0x91: {  	[sflag:s19] =	ssyncadd.s32 $0xFFFFEC00  }
0x92: {  	_ =	swait.ge [sflag:s19], $0x1400  }
0x93: {  	[sflag:s19] =	ssyncset.done $0x0  }
0x94: {  	[sflag:s19] =	ssyncadd.s32 $0xFFFFEC00  }
0x95: {  	_ =	swait.ge [sflag:s19], $0x1400  }
0x96: {  	[sflag:s19] =	ssyncset.done $0x0  }
0x97: {  	[sflag:s19] =	ssyncadd.s32 $0xFFFFEC00  }
0x98: {  	_ =	swait.ge [sflag:s19], $0x1400  }
0x99: {  	[sflag:s19] =	ssyncset.done $0x0  }
0x9a: {  	s23 =	sadd.s32 $0xFFFFFFF8, s3;
	p0 =	seq.s32 s9, $0x0;
	[sflag:s19] =	ssyncadd.s32 $0xFFFFEC00  }
0x9b: {  	[hbm4b:s23+s31] =	stream.strided.scatter [tilespmem:s12], [sflag:$0x3], $0x6400, s1, s31, $0x38;
	[tilespmem:$0x1DE20] =	vst v63  }
0x9c: {  	p1 =	seq.s32 @!p0 s9, $0x9600;
	s23 =	simm.s32 @!p0 $0x4  }
0x9d: {  	[hbm4b:s3+s31] =	stream.strided.scatter [tilespmem:s13], [sflag:$0x3], $0x6400, s1, s31, $0x38;
	[tilespmem:$0x1DE20] =	vst v63  }
0x9e: {  	p1 =	por p0, !p1;
	_ =	swait.ge @!p0 [sflag:s23], $0x6400  }
.Ltmp5:
0x9f: {  	[sflag:s23] =	ssyncset.done @!p0 $0x0;
	(pc) =	sbr.rel @!p1 .LBB2_7-.Ltmp5, $4  }
0xa0: {  	[sflag:s23] =	ssyncadd.s32 @!p0 $0xFFFF9C00  }
0xa1: {  	_ =	swait.ge @!p0 [sflag:s23], $0x6400  }
0xa2: {  	[sflag:s23] =	ssyncset.done @!p0 $0x0  }
0xa3: {  	[sflag:s23] =	ssyncadd.s32 @!p0 $0xFFFF9C00  }
0xa4: {  	s23 =	sshra.s32 s9, $0x2  }
0xa5: {  	s25 =	sadd.s32 $0x190, s23  }
0xa6: {  	[tilespmem:s0], [sflag:$0x2] =	stream.indirect.gather [hbm4b:s2+s11], $0x40, s25, s11, $0xb8;
	[tilespmem:$0x1DE20] =	vst v63  }
0xa7: {  	s28 =	sadd.s32 $0x28A0, s23  }
0xa8: {  	[tilespmem:s15], [sflag:$0x2] =	stream.indirect.gather [hbm4b:s4+s11], $0x40, s28, s11, $0xb8;
	[tilespmem:$0x1DE20] =	vst v63  }
0xa9: {  	s25 =	sadd.s32 $0x1E0, s23;
	s28 =	simm.s32 $0x12A20  }
0xaa: {  	[tilespmem:s28], [sflag:$0x2] =	stream.indirect.gather [hbm4b:s2+s11], $0x40, s25, s11, $0xb8;
	[tilespmem:$0x1DE20] =	vst v63  }
0xab: {  	s25 =	sadd.s32 $0x28F0, s23;
	s28 =	simm.s32 $0x18E20  }
0xac: {  	[tilespmem:s28], [sflag:$0x2] =	stream.indirect.gather [hbm4b:s4+s11], $0x40, s25, s11, $0xb8;
	[tilespmem:$0x1DE20] =	vst v63  }
0xad: {  	s25 =	sadd.s32 $0x230, s23;
	s28 =	simm.s32 $0x13E20  }
0xae: {  	[tilespmem:s28], [sflag:$0x2] =	stream.indirect.gather [hbm4b:s2+s11], $0x40, s25, s11, $0xb8;
	[tilespmem:$0x1DE20] =	vst v63  }
0xaf: {  	s25 =	sadd.s32 $0x2940, s23;
	s28 =	simm.s32 $0x1A220  }
0xb0: {  	[tilespmem:s28], [sflag:$0x2] =	stream.indirect.gather [hbm4b:s4+s11], $0x40, s25, s11, $0xb8;
	[tilespmem:$0x1DE20] =	vst v63  }
0xb1: {  	s28 =	sadd.s32 $0x280, s23  }
0xb2: {  	[tilespmem:s5], [sflag:$0x2] =	stream.indirect.gather [hbm4b:s2+s11], $0x40, s28, s11, $0xb8;
	[tilespmem:$0x1DE20] =	vst v63  }
0xb3: {  	s28 =	sadd.s32 $0x2990, s23  }
0xb4: {  	[tilespmem:s6], [sflag:$0x2] =	stream.indirect.gather [hbm4b:s4+s11], $0x40, s28, s11, $0xb8;
	[tilespmem:$0x1DE20] =	vst v63  }
.Ltmp6:
0xb5: {  	_ = 	snop;
	(pc) =	sbr.rel .LBB2_6-.Ltmp6, $4  }
0xb6: {  	s28 =	sadd.s32 $0x2D0, s23  }
0xb7: {  	[tilespmem:s10], [sflag:$0x2] =	stream.indirect.gather [hbm4b:s2+s11], $0x40, s28, s11, $0xb8;
	[tilespmem:$0x1DE20] =	vst v63  }
0xb8: {  	s23 =	sadd.s32 $0x29E0, s23  }
0xb9: {  	[tilespmem:s7], [sflag:$0x2] =	stream.indirect.gather [hbm4b:s4+s11], $0x40, s23, s11, $0xb8;
	[tilespmem:$0x1DE20] =	vst v63  }
.LBB2_8:
0xba: {  	_ =	sfence.sel $0x180000  }
0xbb: {  	[bflag:$0x0] =	sbarrier.arrive $0xFFFF  }
0xbc: {  	_ =	strace $0x90000047  }
0xbd: {  	s0 =	stileid.u32;
	[bflag:$0x2] =	sbarrier.arrive $0xFFFF  }
0xbe: {  	p0 =	sne.s32 s0, $0x0;
	s0 =	rddreg [dreg:$0x2]  }
0xbf: {  	s0 =	sadd.s32 @!p0 $0x100000, s0  }
0xc0: {  	[sflag:s0] =	ssyncadd.tile.s32 @!p0 $0x1;
	_ =	shalt  }
.Lfunc_end2:
_tile_overlayer_lowered:
.L_overlay_start_2:
0xc1: {  	(tag) =	ssettag $0x2  }
0xc2: {  	s0 =	rddreg [dreg:$0x0];
	s2 =	stileid.u32  }
0xc3: {  	s1 =	rddreg [dreg:$0x1];
	p0 =	sne.s32 s2, $0x0  }
0xc4: {  	s3 =	rddreg [dreg:$0x2];
	[bflag:$0x3] =	sbarrier.arrive $0xFFFF;
	s2 =	simm.s32 @!p0 $0x1C05  }
0xc5: {  	[timem:s3], [sflag:s2] =	dma.local @!p0 [hbm:s0], s1  }
0xc6: {  	s0 =	simm.s32 @!p0 $0x5  }
0xc7: {  	_ =	swait.ge @!p0 [sflag:s0], s1  }
0xc8: {  	s1 =	ssub.s32 @!p0 $0x0, s1;
	[sflag:s0] =	ssyncset.done @!p0 $0x0  }
0xc9: {  	[sflag:s0] =	ssyncadd.s32 @!p0 s1  }
0xca: {  	[bflag:$0x3] =	sbarrier.arrive $0xFFFF  }
0xcb: {  	_ =	shalt  }

</sc_bundles>
